<compile_context>
chip_gen: v7x
topology: tpu7x:2x2x1
jax: 0.10.2.dev20260603
libtpu: 0.0.44.dev20260713+nightly
codegen_flags: <defaults>
</compile_context>

<pallas_src>
import jax
import jax.numpy as jnp
from jax import lax
from jax.experimental import pallas as pl
from jax.experimental.pallas import tpu as pltpu
from jax.experimental.pallas import tpu_sc as plsc

N = 10000
E = 320000
F_IN = 128
H = 64
C = 10
G = 64

NC = 2
NS = 16
NW = NC * NS
EPW = E // NW
K = 80
NCHUNK = -(-EPW // K)
EPWP = NCHUNK * K
NPAD = N + 16
RPT_A = 640
RPT_B = N - (NS - 1) * RPT_A
LANES = 16
NBUF = 8
PIPE = 4

_F32 = jnp.float32
_HIGH = lax.Precision.HIGHEST


def _dot(a, b):
    return jnp.dot(a, b, precision=_HIGH, preferred_element_type=_F32)



def _deg_body(dst_hbm, out_hbm, didx, hist):
    cid = lax.axis_index("c")
    sid = lax.axis_index("s")
    wid = sid * NC + cid
    pltpu.sync_copy(dst_hbm.at[wid], didx)

    def zero(i, c):
        hist[pl.ds(i * LANES, LANES)] = jnp.zeros((LANES,), _F32)
        return c
    lax.fori_loop(0, N // LANES, zero, 0)

    ones = jnp.ones((LANES,), _F32)

    def accum(i, c):
        v = didx[pl.ds(i * LANES, LANES)]
        plsc.addupdate_scatter(hist, [v], ones)
        return c
    lax.fori_loop(0, EPW // LANES, accum, 0)
    pltpu.sync_copy(hist, out_hbm.at[wid])


_deg_call = pl.kernel(
    _deg_body,
    out_type=jax.ShapeDtypeStruct((NW, N), _F32),
    compiler_params=pltpu.CompilerParams(needs_layout_passes=False,
                                        use_tc_tiling_on_sc=False),
    mesh=plsc.VectorSubcoreMesh(core_axis_name="c", subcore_axis_name="s",
                                num_cores=NC, num_subcores=NS),
    scratch_types=[
        pltpu.VMEM((EPW,), jnp.int32),
        pltpu.VMEM((N,), _F32),
    ],
)


def _edge_body(hp_hbm, src_hbm, dst_hbm, z_hbm, out_hbm, sidx, didx, rows,
               acc, sem):
    cid = lax.axis_index("c")
    sid = lax.axis_index("s")
    wid = sid * NC + cid
    last = NS - 1
    rb = (NS - 1) * RPT_A

    @pl.when(jnp.logical_and(cid == 0, sid < last))
    def _():
        r0 = pl.multiple_of(sid * RPT_A, 8)
        pltpu.async_copy(hp_hbm.at[pl.ds(r0, RPT_A)], acc.at[pl.ds(r0, RPT_A)],
                         sem.at[NBUF])

    @pl.when(jnp.logical_and(cid == 0, sid == last))
    def _():
        pltpu.async_copy(hp_hbm.at[pl.ds(rb, RPT_B)], acc.at[pl.ds(rb, RPT_B)],
                         sem.at[NBUF])

    @pl.when(jnp.logical_and(cid != 0, sid < last))
    def _():
        r0 = pl.multiple_of(sid * RPT_A, 8)
        pltpu.async_copy(z_hbm, acc.at[pl.ds(r0, RPT_A)], sem.at[NBUF])

    @pl.when(jnp.logical_and(cid != 0, sid == last))
    def _():
        pltpu.async_copy(z_hbm.at[pl.ds(0, RPT_B)], acc.at[pl.ds(rb, RPT_B)],
                         sem.at[NBUF])

    @pl.when(sid == last)
    def _():
        pltpu.async_copy(z_hbm.at[pl.ds(0, NPAD - N)],
                         acc.at[pl.ds(N, NPAD - N)], sem.at[NBUF + 2])

    pltpu.async_copy(dst_hbm.at[wid], didx, sem.at[NBUF + 1])
    pltpu.sync_copy(src_hbm.at[wid], sidx)

    def g_start(j, b):
        pltpu.async_copy(hp_hbm.at[sidx.at[j]], rows.at[b], sem.at[b])

    def g_wait(b):
        pltpu.make_async_copy(hp_hbm.at[sidx.at[0]], rows.at[b],
                              sem.at[b]).wait()

    def s_start(j, b):
        pltpu.async_copy(rows.at[b], acc.at[didx.at[j]], sem.at[b], add=True)

    def s_wait(b):
        pltpu.make_async_copy(rows.at[b], acc.at[didx.at[0]],
                              sem.at[b]).wait()

    for _p in range(PIPE):
        g_start(_p, _p)

    @pl.when(jnp.logical_and(cid == 0, sid < last))
    def _():
        r0 = pl.multiple_of(sid * RPT_A, 8)
        pltpu.make_async_copy(hp_hbm.at[pl.ds(r0, RPT_A)],
                              acc.at[pl.ds(r0, RPT_A)], sem.at[NBUF]).wait()

    @pl.when(jnp.logical_and(cid == 0, sid == last))
    def _():
        pltpu.make_async_copy(hp_hbm.at[pl.ds(rb, RPT_B)],
                              acc.at[pl.ds(rb, RPT_B)], sem.at[NBUF]).wait()

    @pl.when(jnp.logical_and(cid != 0, sid < last))
    def _():
        r0 = pl.multiple_of(sid * RPT_A, 8)
        pltpu.make_async_copy(z_hbm, acc.at[pl.ds(r0, RPT_A)],
                              sem.at[NBUF]).wait()

    @pl.when(jnp.logical_and(cid != 0, sid == last))
    def _():
        pltpu.make_async_copy(z_hbm.at[pl.ds(0, RPT_B)],
                              acc.at[pl.ds(rb, RPT_B)], sem.at[NBUF]).wait()

    @pl.when(sid == last)
    def _():
        pltpu.make_async_copy(z_hbm.at[pl.ds(0, NPAD - N)],
                              acc.at[pl.ds(N, NPAD - N)],
                              sem.at[NBUF + 2]).wait()

    pltpu.make_async_copy(dst_hbm.at[wid], didx, sem.at[NBUF + 1]).wait()
    plsc.subcore_barrier()

    def step(j, c):
        b = lax.rem(j, NBUF)
        bn = lax.rem(j + PIPE, NBUF)
        g_wait(b)
        s_start(j, b)

        @pl.when(j >= PIPE)
        def _():
            s_wait(bn)

        @pl.when(j + PIPE < NCHUNK)
        def _():
            g_start(j + PIPE, bn)
        return c
    lax.fori_loop(0, NCHUNK, step, 0)
    for _p in range(PIPE):
        s_wait((NCHUNK - PIPE + _p) % NBUF)

    plsc.subcore_barrier()

    @pl.when(sid < last)
    def _():
        r0 = pl.multiple_of(sid * RPT_A, 8)
        pltpu.sync_copy(acc.at[pl.ds(r0, RPT_A)],
                        out_hbm.at[cid, pl.ds(r0, RPT_A)])

    @pl.when(sid == last)
    def _():
        pltpu.sync_copy(acc.at[pl.ds(rb, RPT_B)],
                        out_hbm.at[cid, pl.ds(rb, RPT_B)])


_edge_call = pl.kernel(
    _edge_body,
    out_type=jax.ShapeDtypeStruct((NC, N, H), _F32),
    compiler_params=pltpu.CompilerParams(needs_layout_passes=False,
                                        use_tc_tiling_on_sc=False),
    mesh=plsc.VectorSubcoreMesh(core_axis_name="c", subcore_axis_name="s",
                                num_cores=NC, num_subcores=NS),
    scratch_types=[
        pltpu.VMEM((NCHUNK, K), jnp.int32),
        pltpu.VMEM((NCHUNK, K), jnp.int32),
        pltpu.VMEM((NBUF, K, H), _F32),
        pltpu.VMEM_SHARED((NPAD, H), _F32),
        pltpu.SemaphoreType.DMA((NBUF + 3,)),
    ],
)



def _mm0_body(x_ref, w_ref, hw_ref):
    hw_ref[...] = _dot(x_ref[...], w_ref[...])


_mm0_call = pl.pallas_call(
    _mm0_body,
    out_shape=jax.ShapeDtypeStruct((N, H), _F32),
)


def _head_body(degp_ref, hw_ref, hp_ref, dinv_ref):
    deg = jnp.sum(degp_ref[...], axis=0) + 1.0
    dinv = lax.rsqrt(deg)[:, None]
    hp_ref[...] = dinv * hw_ref[...]
    dinv_ref[...] = dinv


_head_call = pl.pallas_call(
    _head_body,
    out_shape=(jax.ShapeDtypeStruct((N, H), _F32),
               jax.ShapeDtypeStruct((N, 1), _F32)),
)


def _bn_relu(raw_ref, dinv_ref, b_ref, g_ref, be_ref):
    dinv = dinv_ref[...]
    y = dinv * (raw_ref[0] + raw_ref[1]) + b_ref[...]
    m = jnp.mean(y, axis=0, keepdims=True)
    cdev = y - m
    v = jnp.mean(cdev * cdev, axis=0, keepdims=True)
    hbn = cdev * lax.rsqrt(v + 1e-5) * g_ref[...] + be_ref[...]
    return jnp.maximum(hbn, 0.0)


def _mid_body(raw_ref, dinv_ref, b_ref, g_ref, be_ref, w_ref, out_ref):
    h = _bn_relu(raw_ref, dinv_ref, b_ref, g_ref, be_ref)
    out_ref[...] = dinv_ref[...] * _dot(h, w_ref[...])


_mid_call = pl.pallas_call(
    _mid_body,
    out_shape=jax.ShapeDtypeStruct((N, H), _F32),
)


def _final_body(raw_ref, dinv_ref, b_ref, g_ref, be_ref, batch_ref,
                f1w_ref, f1b_ref, f2w_ref, f2b_ref, out_ref):
    h = _bn_relu(raw_ref, dinv_ref, b_ref, g_ref, be_ref)
    gids = lax.broadcasted_iota(jnp.int32, (G, N), 0)
    mask = (batch_ref[...] == gids).astype(_F32)
    cnt = jnp.sum(mask, axis=1, keepdims=True)
    pooled = _dot(mask, h) / jnp.maximum(cnt, 1.0)
    z = jnp.maximum(_dot(pooled, f1w_ref[...]) + f1b_ref[...], 0.0)
    z2 = _dot(z, f2w_ref[...]) + f2b_ref[...]
    mx = jnp.max(z2, axis=1, keepdims=True)
    lse = jnp.log(jnp.sum(jnp.exp(z2 - mx), axis=1, keepdims=True)) + mx
    out_ref[...] = z2 - lse


_final_call = pl.pallas_call(
    _final_body,
    out_shape=jax.ShapeDtypeStruct((G, C), _F32),
)



def kernel(x, edge_index, batch, W0, b0, g0, be0, W1, b1, g1, be1,
           W2, b2, g2, be2, fc1_w, fc1_b, fc2_w, fc2_b):
    ei = edge_index.astype(jnp.int32)
    npad_e = NW * EPWP - E
    src = jnp.concatenate(
        [ei[0], jnp.zeros((npad_e,), jnp.int32)]).reshape(NW, NCHUNK, K)
    dst = jnp.concatenate(
        [ei[1], N + (jnp.arange(npad_e, dtype=jnp.int32) % (NPAD - N))]
    ).reshape(NW, NCHUNK, K)
    dst_flat = ei[1].reshape(NW, EPW)
    zrows = jnp.zeros((RPT_A, H), _F32)
    batch2d = batch.astype(jnp.int32).reshape(1, N)

    degp = _deg_call(dst_flat)
    hw0 = _mm0_call(x, W0)
    hp, dinv = _head_call(degp, hw0)
    raw = _edge_call(hp, src, dst, zrows)
    hp = _mid_call(raw, dinv, b0.reshape(1, H), g0.reshape(1, H),
                   be0.reshape(1, H), W1)
    raw = _edge_call(hp, src, dst, zrows)
    hp = _mid_call(raw, dinv, b1.reshape(1, H), g1.reshape(1, H),
                   be1.reshape(1, H), W2)
    raw = _edge_call(hp, src, dst, zrows)
    return _final_call(raw, dinv, b2.reshape(1, H), g2.reshape(1, H),
                       be2.reshape(1, H), batch2d, fc1_w,
                       fc1_b.reshape(1, H // 2), fc2_w, fc2_b.reshape(1, C))

# --- scband reference (transcript-rebuilt; emitter-appended) ---
"""Pipeline reference for scband-graph-cnn-65472481460593 (READ-ONLY COPY).

The authoritative reference and input builder live on the scoring server;
editing this copy changes nothing except your own understanding.
"""

import jax, jax.numpy as jnp
import numpy as np

N = 10000
E = 320000
F_IN = 128
H = 64
C = 10
G = 64  # number of graphs in the batch


def setup_inputs(seed: int = 0) -> dict:
    key = jax.random.key(seed)
    ks = jax.random.split(key, 24)
    inp = {}
    inp['x'] = jax.random.normal(ks[0], (N, F_IN), dtype=jnp.float32)
    inp['edge_index'] = jax.random.randint(ks[1], (2, E), 0, N)
    inp['batch'] = jnp.sort(jax.random.randint(ks[2], (N,), 0, G))
    # GCNConv weights (3 layers) + BatchNorm affine params
    inp['W0'] = jax.random.normal(ks[3], (F_IN, H), dtype=jnp.float32) * 0.05
    inp['b0'] = jnp.zeros((H,), dtype=jnp.float32)
    inp['g0'] = jnp.ones((H,), dtype=jnp.float32)
    inp['be0'] = jnp.zeros((H,), dtype=jnp.float32)
    inp['W1'] = jax.random.normal(ks[4], (H, H), dtype=jnp.float32) * 0.05
    inp['b1'] = jnp.zeros((H,), dtype=jnp.float32)
    inp['g1'] = jnp.ones((H,), dtype=jnp.float32)
    inp['be1'] = jnp.zeros((H,), dtype=jnp.float32)
    inp['W2'] = jax.random.normal(ks[5], (H, H), dtype=jnp.float32) * 0.05
    inp['b2'] = jnp.zeros((H,), dtype=jnp.float32)
    inp['g2'] = jnp.ones((H,), dtype=jnp.float32)
    inp['be2'] = jnp.zeros((H,), dtype=jnp.float32)
    inp['fc1_w'] = jax.random.normal(ks[6], (H, H // 2), dtype=jnp.float32) * 0.05
    inp['fc1_b'] = jnp.zeros((H // 2,), dtype=jnp.float32)
    inp['fc2_w'] = jax.random.normal(ks[7], (H // 2, C), dtype=jnp.float32) * 0.05
    inp['fc2_b'] = jnp.zeros((C,), dtype=jnp.float32)
    return inp


def _gcn_conv(h_in, W, b, src, dst):
    # PyG GCNConv: x' = D^{-1/2} (A + I) D^{-1/2} (x W) + b
    h = h_in @ W
    loop = jnp.arange(N, dtype=src.dtype)
    s = jnp.concatenate([src, loop])
    d = jnp.concatenate([dst, loop])
    deg = jnp.zeros((N,), h.dtype).at[d].add(1.0)
    dinv = jnp.where(deg > 0, 1.0 / jnp.sqrt(deg), 0.0)
    norm = dinv[s] * dinv[d]
    msg = h[s] * norm[:, None]
    out = jnp.zeros((N, h.shape[1]), h.dtype).at[d].add(msg)
    return out + b


def _bn(x, g, be):
    # BatchNorm1d (training-mode batch statistics, biased var like torch)
    m = x.mean(axis=0)
    v = x.var(axis=0)
    return (x - m) / jnp.sqrt(v + 1e-5) * g + be


def reference(x, edge_index, batch, W0, b0, g0, be0, W1, b1, g1, be1, W2, b2, g2, be2, fc1_w, fc1_b, fc2_w, fc2_b):
    src = edge_index[0]
    dst = edge_index[1]
    h = x
    for (W, b, g, be) in ((W0, b0, g0, be0), (W1, b1, g1, be1), (W2, b2, g2, be2)):
        h = _gcn_conv(h, W, b, src, dst)
        h = _bn(h, g, be)
        h = jax.nn.relu(h)
        # dropout is identity in eval/reference mode
    sums = jax.ops.segment_sum(h, batch, num_segments=G)
    cnt = jax.ops.segment_sum(jnp.ones((N,), h.dtype), batch, num_segments=G)
    pooled = sums / jnp.clip(cnt, 1.0)[:, None]
    z = jax.nn.relu(pooled @ fc1_w + fc1_b)
    z = z @ fc2_w + fc2_b
    return jax.nn.log_softmax(z, axis=1)

if __name__ == "__main__":
    import jax
    _d = setup_inputs()
    print(jax.jit(kernel)(*tuple(_d.values())))

</pallas_src>

<mosaic_0001>
#map = affine_map<(d0, d1) -> (0, 0)>
#map1 = affine_map<(d0, d1) -> (0, 0, 0)>
module attributes {stable_mosaic.version = 14 : i64} {
  func.func @_edge_body(%arg0: i32, %arg1: i32, %arg2: memref<10000x64xf32, #tpu.memory_space<hbm>>, %arg3: memref<32x125x80xi32, #tpu.memory_space<hbm>>, %arg4: memref<32x125x80xi32, #tpu.memory_space<hbm>>, %arg5: memref<640x64xf32, #tpu.memory_space<hbm>>, %arg6: memref<2x10000x64xf32, #tpu.memory_space<hbm>>, %arg7: memref<125x80xi32, #tpu.memory_space<vmem>>, %arg8: memref<125x80xi32, #tpu.memory_space<vmem>>, %arg9: memref<8x80x64xf32, #tpu.memory_space<vmem>>, %arg10: memref<10016x64xf32, #tpu.memory_space<vmem_shared>>, %arg11: memref<11x!tpu.dma_semaphore, #tpu.memory_space<semaphore_mem>>) attributes {dimension_semantics = [#tpu.dimension_semantics<core_parallel>, #tpu.dimension_semantics<subcore_parallel>], iteration_bounds = array<i64: 2, 16>, scalar_prefetch = 0 : i64, scratch_operands = 5 : i64, tpu.core_type = #tpu.core_type<sc_vector_subcore>, window_params = [{transform_indices = #map}, {transform_indices = #map1}, {transform_indices = #map1}, {transform_indices = #map}, {transform_indices = #map1}]} {
    %mul3A = arith.constant 2 : i32
    %mul3A_0 = arith.muli %arg1, %mul3A : i32
    %add3A = arith.addi %mul3A_0, %arg0 : i32
    %eq3A = arith.constant 0 : i32
    %eq3A_1 = arith.cmpi eq, %arg0, %eq3A : i32
    %lt3A = arith.constant 15 : i32
    %lt3A_2 = arith.cmpi slt, %arg1, %lt3A : i32
    %and3A = arith.andi %eq3A_1, %lt3A_2 : i1
    %convert_element_type3A = arith.extui %and3A : i1 to i32
    %cond3A = arith.constant 0 : i32
    %cond3A_3 = arith.cmpi ne, %convert_element_type3A, %cond3A : i32
    scf.if %cond3A_3 {
      %mul3A_225 = arith.constant 640 : i32
      %mul3A_226 = arith.muli %arg1, %mul3A_225 : i32
      %multiple_of3A = tpu.assume_multiple %mul3A_226, 8 : i32
      %dma_start3A_227 = arith.constant 8 : i32
      %dma_start3A_228 = tpu.memref_slice %arg11[%dma_start3A_227] : memref<11x!tpu.dma_semaphore, #tpu.memory_space<semaphore_mem>> -> memref<1x!tpu.dma_semaphore, #tpu.memory_space<semaphore_mem>>
      %dma_start3A_229 = tpu.memref_squeeze %dma_start3A_228 : memref<1x!tpu.dma_semaphore, #tpu.memory_space<semaphore_mem>> -> memref<!tpu.dma_semaphore, #tpu.memory_space<semaphore_mem>>
      %dma_start3A_230 = arith.constant 0 : i32
      %dma_start3A_231 = tpu.memref_slice %arg10[%multiple_of3A, %dma_start3A_230] : memref<10016x64xf32, #tpu.memory_space<vmem_shared>> -> memref<640x64xf32, #tpu.memory_space<vmem_shared>>
      %dma_start3A_232 = arith.constant 0 : i32
      %dma_start3A_233 = tpu.memref_slice %arg2[%multiple_of3A, %dma_start3A_232] : memref<10000x64xf32, #tpu.memory_space<hbm>> -> memref<640x64xf32, #tpu.memory_space<hbm>>
      tpu.enqueue_dma source(%dma_start3A_233 : memref<640x64xf32, #tpu.memory_space<hbm>>) target(%dma_start3A_231 : memref<640x64xf32, #tpu.memory_space<vmem_shared>>) target_semaphore(%dma_start3A_229 : memref<!tpu.dma_semaphore, #tpu.memory_space<semaphore_mem>>)
    } else {
    }
    %eq3A_4 = arith.constant 0 : i32
    %eq3A_5 = arith.cmpi eq, %arg0, %eq3A_4 : i32
    %eq3A_6 = arith.constant 15 : i32
    %eq3A_7 = arith.cmpi eq, %arg1, %eq3A_6 : i32
    %and3A_8 = arith.andi %eq3A_5, %eq3A_7 : i1
    %convert_element_type3A_9 = arith.extui %and3A_8 : i1 to i32
    %cond3A_10 = arith.constant 0 : i32
    %cond3A_11 = arith.cmpi ne, %convert_element_type3A_9, %cond3A_10 : i32
    scf.if %cond3A_11 {
      %dma_start3A_225 = arith.constant 8 : i32
      %dma_start3A_226 = tpu.memref_slice %arg11[%dma_start3A_225] : memref<11x!tpu.dma_semaphore, #tpu.memory_space<semaphore_mem>> -> memref<1x!tpu.dma_semaphore, #tpu.memory_space<semaphore_mem>>
      %dma_start3A_227 = tpu.memref_squeeze %dma_start3A_226 : memref<1x!tpu.dma_semaphore, #tpu.memory_space<semaphore_mem>> -> memref<!tpu.dma_semaphore, #tpu.memory_space<semaphore_mem>>
      %dma_start3A_228 = arith.constant 9600 : i32
      %dma_start3A_229 = arith.constant 0 : i32
      %dma_start3A_230 = tpu.memref_slice %arg10[%dma_start3A_228, %dma_start3A_229] : memref<10016x64xf32, #tpu.memory_space<vmem_shared>> -> memref<400x64xf32, #tpu.memory_space<vmem_shared>>
      %dma_start3A_231 = arith.constant 9600 : i32
      %dma_start3A_232 = arith.constant 0 : i32
      %dma_start3A_233 = tpu.memref_slice %arg2[%dma_start3A_231, %dma_start3A_232] : memref<10000x64xf32, #tpu.memory_space<hbm>> -> memref<400x64xf32, #tpu.memory_space<hbm>>
      tpu.enqueue_dma source(%dma_start3A_233 : memref<400x64xf32, #tpu.memory_space<hbm>>) target(%dma_start3A_230 : memref<400x64xf32, #tpu.memory_space<vmem_shared>>) target_semaphore(%dma_start3A_227 : memref<!tpu.dma_semaphore, #tpu.memory_space<semaphore_mem>>)
    } else {
    }
    %ne3A = arith.constant 0 : i32
    %ne3A_12 = arith.cmpi ne, %arg0, %ne3A : i32
    %lt3A_13 = arith.constant 15 : i32
    %lt3A_14 = arith.cmpi slt, %arg1, %lt3A_13 : i32
    %and3A_15 = arith.andi %ne3A_12, %lt3A_14 : i1
    %convert_element_type3A_16 = arith.extui %and3A_15 : i1 to i32
    %cond3A_17 = arith.constant 0 : i32
    %cond3A_18 = arith.cmpi ne, %convert_element_type3A_16, %cond3A_17 : i32
    scf.if %cond3A_18 {
      %mul3A_225 = arith.constant 640 : i32
      %mul3A_226 = arith.muli %arg1, %mul3A_225 : i32
      %multiple_of3A = tpu.assume_multiple %mul3A_226, 8 : i32
      %dma_start3A_227 = arith.constant 8 : i32
      %dma_start3A_228 = tpu.memref_slice %arg11[%dma_start3A_227] : memref<11x!tpu.dma_semaphore, #tpu.memory_space<semaphore_mem>> -> memref<1x!tpu.dma_semaphore, #tpu.memory_space<semaphore_mem>>
      %dma_start3A_229 = tpu.memref_squeeze %dma_start3A_228 : memref<1x!tpu.dma_semaphore, #tpu.memory_space<semaphore_mem>> -> memref<!tpu.dma_semaphore, #tpu.memory_space<semaphore_mem>>
      %dma_start3A_230 = arith.constant 0 : i32
      %dma_start3A_231 = tpu.memref_slice %arg10[%multiple_of3A, %dma_start3A_230] : memref<10016x64xf32, #tpu.memory_space<vmem_shared>> -> memref<640x64xf32, #tpu.memory_space<vmem_shared>>
      tpu.enqueue_dma source(%arg5 : memref<640x64xf32, #tpu.memory_space<hbm>>) target(%dma_start3A_231 : memref<640x64xf32, #tpu.memory_space<vmem_shared>>) target_semaphore(%dma_start3A_229 : memref<!tpu.dma_semaphore, #tpu.memory_space<semaphore_mem>>)
    } else {
    }
    %ne3A_19 = arith.constant 0 : i32
    %ne3A_20 = arith.cmpi ne, %arg0, %ne3A_19 : i32
    %eq3A_21 = arith.constant 15 : i32
    %eq3A_22 = arith.cmpi eq, %arg1, %eq3A_21 : i32
    %and3A_23 = arith.andi %ne3A_20, %eq3A_22 : i1
    %convert_element_type3A_24 = arith.extui %and3A_23 : i1 to i32
    %cond3A_25 = arith.constant 0 : i32
    %cond3A_26 = arith.cmpi ne, %convert_element_type3A_24, %cond3A_25 : i32
    scf.if %cond3A_26 {
      %dma_start3A_225 = arith.constant 8 : i32
      %dma_start3A_226 = tpu.memref_slice %arg11[%dma_start3A_225] : memref<11x!tpu.dma_semaphore, #tpu.memory_space<semaphore_mem>> -> memref<1x!tpu.dma_semaphore, #tpu.memory_space<semaphore_mem>>
      %dma_start3A_227 = tpu.memref_squeeze %dma_start3A_226 : memref<1x!tpu.dma_semaphore, #tpu.memory_space<semaphore_mem>> -> memref<!tpu.dma_semaphore, #tpu.memory_space<semaphore_mem>>
      %dma_start3A_228 = arith.constant 9600 : i32
      %dma_start3A_229 = arith.constant 0 : i32
      %dma_start3A_230 = tpu.memref_slice %arg10[%dma_start3A_228, %dma_start3A_229] : memref<10016x64xf32, #tpu.memory_space<vmem_shared>> -> memref<400x64xf32, #tpu.memory_space<vmem_shared>>
      %dma_start3A_231 = arith.constant 0 : i32
      %dma_start3A_232 = arith.constant 0 : i32
      %dma_start3A_233 = tpu.memref_slice %arg5[%dma_start3A_231, %dma_start3A_232] : memref<640x64xf32, #tpu.memory_space<hbm>> -> memref<400x64xf32, #tpu.memory_space<hbm>>
      tpu.enqueue_dma source(%dma_start3A_233 : memref<400x64xf32, #tpu.memory_space<hbm>>) target(%dma_start3A_230 : memref<400x64xf32, #tpu.memory_space<vmem_shared>>) target_semaphore(%dma_start3A_227 : memref<!tpu.dma_semaphore, #tpu.memory_space<semaphore_mem>>)
    } else {
    }
    %eq3A_27 = arith.constant 15 : i32
    %eq3A_28 = arith.cmpi eq, %arg1, %eq3A_27 : i32
    %convert_element_type3A_29 = arith.extui %eq3A_28 : i1 to i32
    %cond3A_30 = arith.constant 0 : i32
    %cond3A_31 = arith.cmpi ne, %convert_element_type3A_29, %cond3A_30 : i32
    scf.if %cond3A_31 {
      %dma_start3A_225 = arith.constant 10 : i32
      %dma_start3A_226 = tpu.memref_slice %arg11[%dma_start3A_225] : memref<11x!tpu.dma_semaphore, #tpu.memory_space<semaphore_mem>> -> memref<1x!tpu.dma_semaphore, #tpu.memory_space<semaphore_mem>>
      %dma_start3A_227 = tpu.memref_squeeze %dma_start3A_226 : memref<1x!tpu.dma_semaphore, #tpu.memory_space<semaphore_mem>> -> memref<!tpu.dma_semaphore, #tpu.memory_space<semaphore_mem>>
      %dma_start3A_228 = arith.constant 10000 : i32
      %dma_start3A_229 = arith.constant 0 : i32
      %dma_start3A_230 = tpu.memref_slice %arg10[%dma_start3A_228, %dma_start3A_229] : memref<10016x64xf32, #tpu.memory_space<vmem_shared>> -> memref<16x64xf32, #tpu.memory_space<vmem_shared>>
      %dma_start3A_231 = arith.constant 0 : i32
      %dma_start3A_232 = arith.constant 0 : i32
      %dma_start3A_233 = tpu.memref_slice %arg5[%dma_start3A_231, %dma_start3A_232] : memref<640x64xf32, #tpu.memory_space<hbm>> -> memref<16x64xf32, #tpu.memory_space<hbm>>
      tpu.enqueue_dma source(%dma_start3A_233 : memref<16x64xf32, #tpu.memory_space<hbm>>) target(%dma_start3A_230 : memref<16x64xf32, #tpu.memory_space<vmem_shared>>) target_semaphore(%dma_start3A_227 : memref<!tpu.dma_semaphore, #tpu.memory_space<semaphore_mem>>)
    } else {
    }
    %dma_start3A = arith.constant 9 : i32
    %dma_start3A_32 = arith.constant 0 : i32
    %dma_start3A_33 = arith.constant 0 : i32
    %dma_start3A_34 = tpu.memref_slice %arg4[%add3A, %dma_start3A_32, %dma_start3A_33] : memref<32x125x80xi32, #tpu.memory_space<hbm>> -> memref<1x125x80xi32, #tpu.memory_space<hbm>>
    %dma_start3A_35 = tpu.memref_squeeze %dma_start3A_34 : memref<1x125x80xi32, #tpu.memory_space<hbm>> -> memref<125x80xi32, #tpu.memory_space<hbm>>
    %dma_start3A_36 = tpu.memref_slice %arg11[%dma_start3A] : memref<11x!tpu.dma_semaphore, #tpu.memory_space<semaphore_mem>> -> memref<1x!tpu.dma_semaphore, #tpu.memory_space<semaphore_mem>>
    %dma_start3A_37 = tpu.memref_squeeze %dma_start3A_36 : memref<1x!tpu.dma_semaphore, #tpu.memory_space<semaphore_mem>> -> memref<!tpu.dma_semaphore, #tpu.memory_space<semaphore_mem>>
    %dma_start3A_38 = arith.constant 0 : i32
    %dma_start3A_39 = arith.constant 0 : i32
    %dma_start3A_40 = tpu.memref_slice %arg4[%add3A, %dma_start3A_38, %dma_start3A_39] : memref<32x125x80xi32, #tpu.memory_space<hbm>> -> memref<1x125x80xi32, #tpu.memory_space<hbm>>
    %dma_start3A_41 = tpu.memref_squeeze %dma_start3A_40 : memref<1x125x80xi32, #tpu.memory_space<hbm>> -> memref<125x80xi32, #tpu.memory_space<hbm>>
    tpu.enqueue_dma source(%dma_start3A_41 : memref<125x80xi32, #tpu.memory_space<hbm>>) target(%arg8 : memref<125x80xi32, #tpu.memory_space<vmem>>) target_semaphore(%dma_start3A_37 : memref<!tpu.dma_semaphore, #tpu.memory_space<semaphore_mem>>)
    "tpu.region"() ({
      %run_scoped3A = tpu.sem_alloc : memref<!tpu.dma_semaphore, #tpu.memory_space<semaphore_mem>>
      %dma_start3A_225 = arith.constant 0 : i32
      %dma_start3A_226 = arith.constant 0 : i32
      %dma_start3A_227 = tpu.memref_slice %arg3[%add3A, %dma_start3A_225, %dma_start3A_226] : memref<32x125x80xi32, #tpu.memory_space<hbm>> -> memref<1x125x80xi32, #tpu.memory_space<hbm>>
      %dma_start3A_228 = tpu.memref_squeeze %dma_start3A_227 : memref<1x125x80xi32, #tpu.memory_space<hbm>> -> memref<125x80xi32, #tpu.memory_space<hbm>>
      %dma_start3A_229 = arith.constant 0 : i32
      %dma_start3A_230 = arith.constant 0 : i32
      %dma_start3A_231 = tpu.memref_slice %arg3[%add3A, %dma_start3A_229, %dma_start3A_230] : memref<32x125x80xi32, #tpu.memory_space<hbm>> -> memref<1x125x80xi32, #tpu.memory_space<hbm>>
      %dma_start3A_232 = tpu.memref_squeeze %dma_start3A_231 : memref<1x125x80xi32, #tpu.memory_space<hbm>> -> memref<125x80xi32, #tpu.memory_space<hbm>>
      tpu.enqueue_dma source(%dma_start3A_232 : memref<125x80xi32, #tpu.memory_space<hbm>>) target(%arg7 : memref<125x80xi32, #tpu.memory_space<vmem>>) target_semaphore(%run_scoped3A : memref<!tpu.dma_semaphore, #tpu.memory_space<semaphore_mem>>)
      %dma_wait3A_233 = arith.constant 0 : i32
      %dma_wait3A_234 = arith.constant 0 : i32
      %dma_wait3A_235 = tpu.memref_slice %arg3[%add3A, %dma_wait3A_233, %dma_wait3A_234] : memref<32x125x80xi32, #tpu.memory_space<hbm>> -> memref<1x125x80xi32, #tpu.memory_space<hbm>>
      %dma_wait3A_236 = tpu.memref_squeeze %dma_wait3A_235 : memref<1x125x80xi32, #tpu.memory_space<hbm>> -> memref<125x80xi32, #tpu.memory_space<hbm>>
      %dma_wait3A_237 = arith.constant 0 : i32
      %dma_wait3A_238 = arith.constant 0 : i32
      %dma_wait3A_239 = tpu.memref_slice %arg3[%add3A, %dma_wait3A_237, %dma_wait3A_238] : memref<32x125x80xi32, #tpu.memory_space<hbm>> -> memref<1x125x80xi32, #tpu.memory_space<hbm>>
      %dma_wait3A_240 = tpu.memref_squeeze %dma_wait3A_239 : memref<1x125x80xi32, #tpu.memory_space<hbm>> -> memref<125x80xi32, #tpu.memory_space<hbm>>
      tpu.wait_dma2 semaphore(%run_scoped3A : memref<!tpu.dma_semaphore, #tpu.memory_space<semaphore_mem>>) src(%dma_wait3A_240 : memref<125x80xi32, #tpu.memory_space<hbm>>) dst(%arg7 : memref<125x80xi32, #tpu.memory_space<vmem>>)
      tpu.yield
    }) : () -> ()
    %dma_start3A_42 = arith.constant 0 : i32
    %dma_start3A_43 = arith.constant 0 : i32
    %dma_start3A_44 = arith.constant 0 : i32
    %dma_start3A_45 = arith.constant 0 : i32
    %dma_start3A_46 = arith.constant 0 : i32
    %dma_start3A_47 = tpu.memref_slice %arg9[%dma_start3A_43, %dma_start3A_45, %dma_start3A_46] : memref<8x80x64xf32, #tpu.memory_space<vmem>> -> memref<1x80x64xf32, #tpu.memory_space<vmem>>
    %dma_start3A_48 = tpu.memref_squeeze %dma_start3A_47 : memref<1x80x64xf32, #tpu.memory_space<vmem>> -> memref<80x64xf32, #tpu.memory_space<vmem>>
    %dma_start3A_49 = arith.constant 0 : i32
    %dma_start3A_50 = tpu.memref_slice %arg7[%dma_start3A_42, %dma_start3A_49] : memref<125x80xi32, #tpu.memory_space<vmem>> -> memref<1x80xi32, #tpu.memory_space<vmem>>
    %dma_start3A_51 = tpu.memref_squeeze %dma_start3A_50 : memref<1x80xi32, #tpu.memory_space<vmem>> -> memref<80xi32, #tpu.memory_space<vmem>>
    %dma_start3A_52 = arith.constant 0 : i32
    %dma_start3A_53 = arith.constant 0 : i32
    %dma_start3A_54 = tpu.memref_slice %arg2[%dma_start3A_52, %dma_start3A_53] : memref<10000x64xf32, #tpu.memory_space<hbm>> -> memref<10000x64xf32, #tpu.memory_space<hbm>>
    %dma_start3A_55 = tpu.memref_slice %arg11[%dma_start3A_44] : memref<11x!tpu.dma_semaphore, #tpu.memory_space<semaphore_mem>> -> memref<1x!tpu.dma_semaphore, #tpu.memory_space<semaphore_mem>>
    %dma_start3A_56 = tpu.memref_squeeze %dma_start3A_55 : memref<1x!tpu.dma_semaphore, #tpu.memory_space<semaphore_mem>> -> memref<!tpu.dma_semaphore, #tpu.memory_space<semaphore_mem>>
    tpu.enqueue_indirect_dma source(%dma_start3A_54 : memref<10000x64xf32, #tpu.memory_space<hbm>>) target(%dma_start3A_48 : memref<80x64xf32, #tpu.memory_space<vmem>>) offsets(%dma_start3A_51 : memref<80xi32, #tpu.memory_space<vmem>>) semaphore(%dma_start3A_56 : memref<!tpu.dma_semaphore, #tpu.memory_space<semaphore_mem>>)
    %dma_start3A_57 = arith.constant 1 : i32
    %dma_start3A_58 = arith.constant 1 : i32
    %dma_start3A_59 = arith.constant 1 : i32
    %dma_start3A_60 = arith.constant 0 : i32
    %dma_start3A_61 = arith.constant 0 : i32
    %dma_start3A_62 = tpu.memref_slice %arg9[%dma_start3A_58, %dma_start3A_60, %dma_start3A_61] : memref<8x80x64xf32, #tpu.memory_space<vmem>> -> memref<1x80x64xf32, #tpu.memory_space<vmem>>
    %dma_start3A_63 = tpu.memref_squeeze %dma_start3A_62 : memref<1x80x64xf32, #tpu.memory_space<vmem>> -> memref<80x64xf32, #tpu.memory_space<vmem>>
    %dma_start3A_64 = arith.constant 0 : i32
    %dma_start3A_65 = tpu.memref_slice %arg7[%dma_start3A_57, %dma_start3A_64] : memref<125x80xi32, #tpu.memory_space<vmem>> -> memref<1x80xi32, #tpu.memory_space<vmem>>
    %dma_start3A_66 = tpu.memref_squeeze %dma_start3A_65 : memref<1x80xi32, #tpu.memory_space<vmem>> -> memref<80xi32, #tpu.memory_space<vmem>>
    %dma_start3A_67 = arith.constant 0 : i32
    %dma_start3A_68 = arith.constant 0 : i32
    %dma_start3A_69 = tpu.memref_slice %arg2[%dma_start3A_67, %dma_start3A_68] : memref<10000x64xf32, #tpu.memory_space<hbm>> -> memref<10000x64xf32, #tpu.memory_space<hbm>>
    %dma_start3A_70 = tpu.memref_slice %arg11[%dma_start3A_59] : memref<11x!tpu.dma_semaphore, #tpu.memory_space<semaphore_mem>> -> memref<1x!tpu.dma_semaphore, #tpu.memory_space<semaphore_mem>>
    %dma_start3A_71 = tpu.memref_squeeze %dma_start3A_70 : memref<1x!tpu.dma_semaphore, #tpu.memory_space<semaphore_mem>> -> memref<!tpu.dma_semaphore, #tpu.memory_space<semaphore_mem>>
    tpu.enqueue_indirect_dma source(%dma_start3A_69 : memref<10000x64xf32, #tpu.memory_space<hbm>>) target(%dma_start3A_63 : memref<80x64xf32, #tpu.memory_space<vmem>>) offsets(%dma_start3A_66 : memref<80xi32, #tpu.memory_space<vmem>>) semaphore(%dma_start3A_71 : memref<!tpu.dma_semaphore, #tpu.memory_space<semaphore_mem>>)
    %dma_start3A_72 = arith.constant 2 : i32
    %dma_start3A_73 = arith.constant 2 : i32
    %dma_start3A_74 = arith.constant 2 : i32
    %dma_start3A_75 = arith.constant 0 : i32
    %dma_start3A_76 = arith.constant 0 : i32
    %dma_start3A_77 = tpu.memref_slice %arg9[%dma_start3A_73, %dma_start3A_75, %dma_start3A_76] : memref<8x80x64xf32, #tpu.memory_space<vmem>> -> memref<1x80x64xf32, #tpu.memory_space<vmem>>
    %dma_start3A_78 = tpu.memref_squeeze %dma_start3A_77 : memref<1x80x64xf32, #tpu.memory_space<vmem>> -> memref<80x64xf32, #tpu.memory_space<vmem>>
    %dma_start3A_79 = arith.constant 0 : i32
    %dma_start3A_80 = tpu.memref_slice %arg7[%dma_start3A_72, %dma_start3A_79] : memref<125x80xi32, #tpu.memory_space<vmem>> -> memref<1x80xi32, #tpu.memory_space<vmem>>
    %dma_start3A_81 = tpu.memref_squeeze %dma_start3A_80 : memref<1x80xi32, #tpu.memory_space<vmem>> -> memref<80xi32, #tpu.memory_space<vmem>>
    %dma_start3A_82 = arith.constant 0 : i32
    %dma_start3A_83 = arith.constant 0 : i32
    %dma_start3A_84 = tpu.memref_slice %arg2[%dma_start3A_82, %dma_start3A_83] : memref<10000x64xf32, #tpu.memory_space<hbm>> -> memref<10000x64xf32, #tpu.memory_space<hbm>>
    %dma_start3A_85 = tpu.memref_slice %arg11[%dma_start3A_74] : memref<11x!tpu.dma_semaphore, #tpu.memory_space<semaphore_mem>> -> memref<1x!tpu.dma_semaphore, #tpu.memory_space<semaphore_mem>>
    %dma_start3A_86 = tpu.memref_squeeze %dma_start3A_85 : memref<1x!tpu.dma_semaphore, #tpu.memory_space<semaphore_mem>> -> memref<!tpu.dma_semaphore, #tpu.memory_space<semaphore_mem>>
    tpu.enqueue_indirect_dma source(%dma_start3A_84 : memref<10000x64xf32, #tpu.memory_space<hbm>>) target(%dma_start3A_78 : memref<80x64xf32, #tpu.memory_space<vmem>>) offsets(%dma_start3A_81 : memref<80xi32, #tpu.memory_space<vmem>>) semaphore(%dma_start3A_86 : memref<!tpu.dma_semaphore, #tpu.memory_space<semaphore_mem>>)
    %dma_start3A_87 = arith.constant 3 : i32
    %dma_start3A_88 = arith.constant 3 : i32
    %dma_start3A_89 = arith.constant 3 : i32
    %dma_start3A_90 = arith.constant 0 : i32
    %dma_start3A_91 = arith.constant 0 : i32
    %dma_start3A_92 = tpu.memref_slice %arg9[%dma_start3A_88, %dma_start3A_90, %dma_start3A_91] : memref<8x80x64xf32, #tpu.memory_space<vmem>> -> memref<1x80x64xf32, #tpu.memory_space<vmem>>
    %dma_start3A_93 = tpu.memref_squeeze %dma_start3A_92 : memref<1x80x64xf32, #tpu.memory_space<vmem>> -> memref<80x64xf32, #tpu.memory_space<vmem>>
    %dma_start3A_94 = arith.constant 0 : i32
    %dma_start3A_95 = tpu.memref_slice %arg7[%dma_start3A_87, %dma_start3A_94] : memref<125x80xi32, #tpu.memory_space<vmem>> -> memref<1x80xi32, #tpu.memory_space<vmem>>
    %dma_start3A_96 = tpu.memref_squeeze %dma_start3A_95 : memref<1x80xi32, #tpu.memory_space<vmem>> -> memref<80xi32, #tpu.memory_space<vmem>>
    %dma_start3A_97 = arith.constant 0 : i32
    %dma_start3A_98 = arith.constant 0 : i32
    %dma_start3A_99 = tpu.memref_slice %arg2[%dma_start3A_97, %dma_start3A_98] : memref<10000x64xf32, #tpu.memory_space<hbm>> -> memref<10000x64xf32, #tpu.memory_space<hbm>>
    %dma_start3A_100 = tpu.memref_slice %arg11[%dma_start3A_89] : memref<11x!tpu.dma_semaphore, #tpu.memory_space<semaphore_mem>> -> memref<1x!tpu.dma_semaphore, #tpu.memory_space<semaphore_mem>>
    %dma_start3A_101 = tpu.memref_squeeze %dma_start3A_100 : memref<1x!tpu.dma_semaphore, #tpu.memory_space<semaphore_mem>> -> memref<!tpu.dma_semaphore, #tpu.memory_space<semaphore_mem>>
    tpu.enqueue_indirect_dma source(%dma_start3A_99 : memref<10000x64xf32, #tpu.memory_space<hbm>>) target(%dma_start3A_93 : memref<80x64xf32, #tpu.memory_space<vmem>>) offsets(%dma_start3A_96 : memref<80xi32, #tpu.memory_space<vmem>>) semaphore(%dma_start3A_101 : memref<!tpu.dma_semaphore, #tpu.memory_space<semaphore_mem>>)
    %eq3A_102 = arith.constant 0 : i32
    %eq3A_103 = arith.cmpi eq, %arg0, %eq3A_102 : i32
    %lt3A_104 = arith.constant 15 : i32
    %lt3A_105 = arith.cmpi slt, %arg1, %lt3A_104 : i32
    %and3A_106 = arith.andi %eq3A_103, %lt3A_105 : i1
    %convert_element_type3A_107 = arith.extui %and3A_106 : i1 to i32
    %cond3A_108 = arith.constant 0 : i32
    %cond3A_109 = arith.cmpi ne, %convert_element_type3A_107, %cond3A_108 : i32
    scf.if %cond3A_109 {
      %mul3A_225 = arith.constant 640 : i32
      %mul3A_226 = arith.muli %arg1, %mul3A_225 : i32
      %multiple_of3A = tpu.assume_multiple %mul3A_226, 8 : i32
      %dma_wait3A_227 = arith.constant 8 : i32
      %dma_wait3A_228 = tpu.memref_slice %arg11[%dma_wait3A_227] : memref<11x!tpu.dma_semaphore, #tpu.memory_space<semaphore_mem>> -> memref<1x!tpu.dma_semaphore, #tpu.memory_space<semaphore_mem>>
      %dma_wait3A_229 = tpu.memref_squeeze %dma_wait3A_228 : memref<1x!tpu.dma_semaphore, #tpu.memory_space<semaphore_mem>> -> memref<!tpu.dma_semaphore, #tpu.memory_space<semaphore_mem>>
      %dma_wait3A_230 = arith.constant 0 : i32
      %dma_wait3A_231 = tpu.memref_slice %arg10[%multiple_of3A, %dma_wait3A_230] : memref<10016x64xf32, #tpu.memory_space<vmem_shared>> -> memref<640x64xf32, #tpu.memory_space<vmem_shared>>
      %dma_wait3A_232 = arith.constant 0 : i32
      %dma_wait3A_233 = tpu.memref_slice %arg2[%multiple_of3A, %dma_wait3A_232] : memref<10000x64xf32, #tpu.memory_space<hbm>> -> memref<640x64xf32, #tpu.memory_space<hbm>>
      tpu.wait_dma2 semaphore(%dma_wait3A_229 : memref<!tpu.dma_semaphore, #tpu.memory_space<semaphore_mem>>) src(%dma_wait3A_233 : memref<640x64xf32, #tpu.memory_space<hbm>>) dst(%dma_wait3A_231 : memref<640x64xf32, #tpu.memory_space<vmem_shared>>)
    } else {
    }
    %eq3A_110 = arith.constant 0 : i32
    %eq3A_111 = arith.cmpi eq, %arg0, %eq3A_110 : i32
    %eq3A_112 = arith.constant 15 : i32
    %eq3A_113 = arith.cmpi eq, %arg1, %eq3A_112 : i32
    %and3A_114 = arith.andi %eq3A_111, %eq3A_113 : i1
    %convert_element_type3A_115 = arith.extui %and3A_114 : i1 to i32
    %cond3A_116 = arith.constant 0 : i32
    %cond3A_117 = arith.cmpi ne, %convert_element_type3A_115, %cond3A_116 : i32
    scf.if %cond3A_117 {
      %dma_wait3A_225 = arith.constant 8 : i32
      %dma_wait3A_226 = tpu.memref_slice %arg11[%dma_wait3A_225] : memref<11x!tpu.dma_semaphore, #tpu.memory_space<semaphore_mem>> -> memref<1x!tpu.dma_semaphore, #tpu.memory_space<semaphore_mem>>
      %dma_wait3A_227 = tpu.memref_squeeze %dma_wait3A_226 : memref<1x!tpu.dma_semaphore, #tpu.memory_space<semaphore_mem>> -> memref<!tpu.dma_semaphore, #tpu.memory_space<semaphore_mem>>
      %dma_wait3A_228 = arith.constant 9600 : i32
      %dma_wait3A_229 = arith.constant 0 : i32
      %dma_wait3A_230 = tpu.memref_slice %arg10[%dma_wait3A_228, %dma_wait3A_229] : memref<10016x64xf32, #tpu.memory_space<vmem_shared>> -> memref<400x64xf32, #tpu.memory_space<vmem_shared>>
      %dma_wait3A_231 = arith.constant 9600 : i32
      %dma_wait3A_232 = arith.constant 0 : i32
      %dma_wait3A_233 = tpu.memref_slice %arg2[%dma_wait3A_231, %dma_wait3A_232] : memref<10000x64xf32, #tpu.memory_space<hbm>> -> memref<400x64xf32, #tpu.memory_space<hbm>>
      tpu.wait_dma2 semaphore(%dma_wait3A_227 : memref<!tpu.dma_semaphore, #tpu.memory_space<semaphore_mem>>) src(%dma_wait3A_233 : memref<400x64xf32, #tpu.memory_space<hbm>>) dst(%dma_wait3A_230 : memref<400x64xf32, #tpu.memory_space<vmem_shared>>)
    } else {
    }
    %ne3A_118 = arith.constant 0 : i32
    %ne3A_119 = arith.cmpi ne, %arg0, %ne3A_118 : i32
    %lt3A_120 = arith.constant 15 : i32
    %lt3A_121 = arith.cmpi slt, %arg1, %lt3A_120 : i32
    %and3A_122 = arith.andi %ne3A_119, %lt3A_121 : i1
    %convert_element_type3A_123 = arith.extui %and3A_122 : i1 to i32
    %cond3A_124 = arith.constant 0 : i32
    %cond3A_125 = arith.cmpi ne, %convert_element_type3A_123, %cond3A_124 : i32
    scf.if %cond3A_125 {
      %mul3A_225 = arith.constant 640 : i32
      %mul3A_226 = arith.muli %arg1, %mul3A_225 : i32
      %multiple_of3A = tpu.assume_multiple %mul3A_226, 8 : i32
      %dma_wait3A_227 = arith.constant 8 : i32
      %dma_wait3A_228 = tpu.memref_slice %arg11[%dma_wait3A_227] : memref<11x!tpu.dma_semaphore, #tpu.memory_space<semaphore_mem>> -> memref<1x!tpu.dma_semaphore, #tpu.memory_space<semaphore_mem>>
      %dma_wait3A_229 = tpu.memref_squeeze %dma_wait3A_228 : memref<1x!tpu.dma_semaphore, #tpu.memory_space<semaphore_mem>> -> memref<!tpu.dma_semaphore, #tpu.memory_space<semaphore_mem>>
      %dma_wait3A_230 = arith.constant 0 : i32
      %dma_wait3A_231 = tpu.memref_slice %arg10[%multiple_of3A, %dma_wait3A_230] : memref<10016x64xf32, #tpu.memory_space<vmem_shared>> -> memref<640x64xf32, #tpu.memory_space<vmem_shared>>
      tpu.wait_dma2 semaphore(%dma_wait3A_229 : memref<!tpu.dma_semaphore, #tpu.memory_space<semaphore_mem>>) src(%arg5 : memref<640x64xf32, #tpu.memory_space<hbm>>) dst(%dma_wait3A_231 : memref<640x64xf32, #tpu.memory_space<vmem_shared>>)
    } else {
    }
    %ne3A_126 = arith.constant 0 : i32
    %ne3A_127 = arith.cmpi ne, %arg0, %ne3A_126 : i32
    %eq3A_128 = arith.constant 15 : i32
    %eq3A_129 = arith.cmpi eq, %arg1, %eq3A_128 : i32
    %and3A_130 = arith.andi %ne3A_127, %eq3A_129 : i1
    %convert_element_type3A_131 = arith.extui %and3A_130 : i1 to i32
    %cond3A_132 = arith.constant 0 : i32
    %cond3A_133 = arith.cmpi ne, %convert_element_type3A_131, %cond3A_132 : i32
    scf.if %cond3A_133 {
      %dma_wait3A_225 = arith.constant 8 : i32
      %dma_wait3A_226 = tpu.memref_slice %arg11[%dma_wait3A_225] : memref<11x!tpu.dma_semaphore, #tpu.memory_space<semaphore_mem>> -> memref<1x!tpu.dma_semaphore, #tpu.memory_space<semaphore_mem>>
      %dma_wait3A_227 = tpu.memref_squeeze %dma_wait3A_226 : memref<1x!tpu.dma_semaphore, #tpu.memory_space<semaphore_mem>> -> memref<!tpu.dma_semaphore, #tpu.memory_space<semaphore_mem>>
      %dma_wait3A_228 = arith.constant 9600 : i32
      %dma_wait3A_229 = arith.constant 0 : i32
      %dma_wait3A_230 = tpu.memref_slice %arg10[%dma_wait3A_228, %dma_wait3A_229] : memref<10016x64xf32, #tpu.memory_space<vmem_shared>> -> memref<400x64xf32, #tpu.memory_space<vmem_shared>>
      %dma_wait3A_231 = arith.constant 0 : i32
      %dma_wait3A_232 = arith.constant 0 : i32
      %dma_wait3A_233 = tpu.memref_slice %arg5[%dma_wait3A_231, %dma_wait3A_232] : memref<640x64xf32, #tpu.memory_space<hbm>> -> memref<400x64xf32, #tpu.memory_space<hbm>>
      tpu.wait_dma2 semaphore(%dma_wait3A_227 : memref<!tpu.dma_semaphore, #tpu.memory_space<semaphore_mem>>) src(%dma_wait3A_233 : memref<400x64xf32, #tpu.memory_space<hbm>>) dst(%dma_wait3A_230 : memref<400x64xf32, #tpu.memory_space<vmem_shared>>)
    } else {
    }
    %eq3A_134 = arith.constant 15 : i32
    %eq3A_135 = arith.cmpi eq, %arg1, %eq3A_134 : i32
    %convert_element_type3A_136 = arith.extui %eq3A_135 : i1 to i32
    %cond3A_137 = arith.constant 0 : i32
    %cond3A_138 = arith.cmpi ne, %convert_element_type3A_136, %cond3A_137 : i32
    scf.if %cond3A_138 {
      %dma_wait3A_225 = arith.constant 10 : i32
      %dma_wait3A_226 = tpu.memref_slice %arg11[%dma_wait3A_225] : memref<11x!tpu.dma_semaphore, #tpu.memory_space<semaphore_mem>> -> memref<1x!tpu.dma_semaphore, #tpu.memory_space<semaphore_mem>>
      %dma_wait3A_227 = tpu.memref_squeeze %dma_wait3A_226 : memref<1x!tpu.dma_semaphore, #tpu.memory_space<semaphore_mem>> -> memref<!tpu.dma_semaphore, #tpu.memory_space<semaphore_mem>>
      %dma_wait3A_228 = arith.constant 10000 : i32
      %dma_wait3A_229 = arith.constant 0 : i32
      %dma_wait3A_230 = tpu.memref_slice %arg10[%dma_wait3A_228, %dma_wait3A_229] : memref<10016x64xf32, #tpu.memory_space<vmem_shared>> -> memref<16x64xf32, #tpu.memory_space<vmem_shared>>
      %dma_wait3A_231 = arith.constant 0 : i32
      %dma_wait3A_232 = arith.constant 0 : i32
      %dma_wait3A_233 = tpu.memref_slice %arg5[%dma_wait3A_231, %dma_wait3A_232] : memref<640x64xf32, #tpu.memory_space<hbm>> -> memref<16x64xf32, #tpu.memory_space<hbm>>
      tpu.wait_dma2 semaphore(%dma_wait3A_227 : memref<!tpu.dma_semaphore, #tpu.memory_space<semaphore_mem>>) src(%dma_wait3A_233 : memref<16x64xf32, #tpu.memory_space<hbm>>) dst(%dma_wait3A_230 : memref<16x64xf32, #tpu.memory_space<vmem_shared>>)
    } else {
    }
    %dma_wait3A = arith.constant 9 : i32
    %dma_wait3A_139 = arith.constant 0 : i32
    %dma_wait3A_140 = arith.constant 0 : i32
    %dma_wait3A_141 = tpu.memref_slice %arg4[%add3A, %dma_wait3A_139, %dma_wait3A_140] : memref<32x125x80xi32, #tpu.memory_space<hbm>> -> memref<1x125x80xi32, #tpu.memory_space<hbm>>
    %dma_wait3A_142 = tpu.memref_squeeze %dma_wait3A_141 : memref<1x125x80xi32, #tpu.memory_space<hbm>> -> memref<125x80xi32, #tpu.memory_space<hbm>>
    %dma_wait3A_143 = tpu.memref_slice %arg11[%dma_wait3A] : memref<11x!tpu.dma_semaphore, #tpu.memory_space<semaphore_mem>> -> memref<1x!tpu.dma_semaphore, #tpu.memory_space<semaphore_mem>>
    %dma_wait3A_144 = tpu.memref_squeeze %dma_wait3A_143 : memref<1x!tpu.dma_semaphore, #tpu.memory_space<semaphore_mem>> -> memref<!tpu.dma_semaphore, #tpu.memory_space<semaphore_mem>>
    %dma_wait3A_145 = arith.constant 0 : i32
    %dma_wait3A_146 = arith.constant 0 : i32
    %dma_wait3A_147 = tpu.memref_slice %arg4[%add3A, %dma_wait3A_145, %dma_wait3A_146] : memref<32x125x80xi32, #tpu.memory_space<hbm>> -> memref<1x125x80xi32, #tpu.memory_space<hbm>>
    %dma_wait3A_148 = tpu.memref_squeeze %dma_wait3A_147 : memref<1x125x80xi32, #tpu.memory_space<hbm>> -> memref<125x80xi32, #tpu.memory_space<hbm>>
    tpu.wait_dma2 semaphore(%dma_wait3A_144 : memref<!tpu.dma_semaphore, #tpu.memory_space<semaphore_mem>>) src(%dma_wait3A_148 : memref<125x80xi32, #tpu.memory_space<hbm>>) dst(%arg8 : memref<125x80xi32, #tpu.memory_space<vmem>>)
    %barrier3A = arith.constant 0 : index
    tpu.barrier barrier_id(%barrier3A)
    %scan3A = arith.constant 0 : i32
    %scan3A_149 = arith.constant 0 : i32
    %scan3A_150 = arith.constant 125 : i32
    %scan3A_151 = arith.addi %scan3A_149, %scan3A_150 : i32
    %scan3A_152 = arith.constant 1 : i32
    scf.for %scan3A_225 = %scan3A_149 to %scan3A_151 step %scan3A_152  : i32 {
      %rem3A = arith.constant 8 : i32
      %rem3A_226 = arith.remsi %scan3A_225, %rem3A : i32
      %add3A_227 = arith.constant 4 : i32
      %add3A_228 = arith.addi %scan3A_225, %add3A_227 : i32
      %rem3A_229 = arith.constant 8 : i32
      %rem3A_230 = arith.remsi %add3A_228, %rem3A_229 : i32
      %dma_wait3A_231 = arith.constant 0 : i32
      %dma_wait3A_232 = arith.constant 0 : i32
      %dma_wait3A_233 = arith.constant 0 : i32
      %dma_wait3A_234 = tpu.memref_slice %arg9[%rem3A_226, %dma_wait3A_232, %dma_wait3A_233] : memref<8x80x64xf32, #tpu.memory_space<vmem>> -> memref<1x80x64xf32, #tpu.memory_space<vmem>>
      %dma_wait3A_235 = tpu.memref_squeeze %dma_wait3A_234 : memref<1x80x64xf32, #tpu.memory_space<vmem>> -> memref<80x64xf32, #tpu.memory_space<vmem>>
      %dma_wait3A_236 = arith.constant 0 : i32
      %dma_wait3A_237 = tpu.memref_slice %arg7[%dma_wait3A_231, %dma_wait3A_236] : memref<125x80xi32, #tpu.memory_space<vmem>> -> memref<1x80xi32, #tpu.memory_space<vmem>>
      %dma_wait3A_238 = tpu.memref_squeeze %dma_wait3A_237 : memref<1x80xi32, #tpu.memory_space<vmem>> -> memref<80xi32, #tpu.memory_space<vmem>>
      %dma_wait3A_239 = arith.constant 0 : i32
      %dma_wait3A_240 = arith.constant 0 : i32
      %dma_wait3A_241 = tpu.memref_slice %arg2[%dma_wait3A_239, %dma_wait3A_240] : memref<10000x64xf32, #tpu.memory_space<hbm>> -> memref<10000x64xf32, #tpu.memory_space<hbm>>
      %dma_wait3A_242 = tpu.memref_slice %arg11[%rem3A_226] : memref<11x!tpu.dma_semaphore, #tpu.memory_space<semaphore_mem>> -> memref<1x!tpu.dma_semaphore, #tpu.memory_space<semaphore_mem>>
      %dma_wait3A_243 = tpu.memref_squeeze %dma_wait3A_242 : memref<1x!tpu.dma_semaphore, #tpu.memory_space<semaphore_mem>> -> memref<!tpu.dma_semaphore, #tpu.memory_space<semaphore_mem>>
      tpu.wait_indirect_dma semaphore(%dma_wait3A_243 : memref<!tpu.dma_semaphore, #tpu.memory_space<semaphore_mem>>) src(%dma_wait3A_241 : memref<10000x64xf32, #tpu.memory_space<hbm>>) dst(%dma_wait3A_235 : memref<80x64xf32, #tpu.memory_space<vmem>>)
      %dma_start3A_244 = arith.constant 0 : i32
      %dma_start3A_245 = arith.constant 0 : i32
      %dma_start3A_246 = tpu.memref_slice %arg9[%rem3A_226, %dma_start3A_244, %dma_start3A_245] : memref<8x80x64xf32, #tpu.memory_space<vmem>> -> memref<1x80x64xf32, #tpu.memory_space<vmem>>
      %dma_start3A_247 = tpu.memref_squeeze %dma_start3A_246 : memref<1x80x64xf32, #tpu.memory_space<vmem>> -> memref<80x64xf32, #tpu.memory_space<vmem>>
      %dma_start3A_248 = arith.constant 0 : i32
      %dma_start3A_249 = tpu.memref_slice %arg8[%scan3A_225, %dma_start3A_248] : memref<125x80xi32, #tpu.memory_space<vmem>> -> memref<1x80xi32, #tpu.memory_space<vmem>>
      %dma_start3A_250 = tpu.memref_squeeze %dma_start3A_249 : memref<1x80xi32, #tpu.memory_space<vmem>> -> memref<80xi32, #tpu.memory_space<vmem>>
      %dma_start3A_251 = arith.constant 0 : i32
      %dma_start3A_252 = arith.constant 0 : i32
      %dma_start3A_253 = tpu.memref_slice %arg10[%dma_start3A_251, %dma_start3A_252] : memref<10016x64xf32, #tpu.memory_space<vmem_shared>> -> memref<10016x64xf32, #tpu.memory_space<vmem_shared>>
      %dma_start3A_254 = tpu.memref_slice %arg11[%rem3A_226] : memref<11x!tpu.dma_semaphore, #tpu.memory_space<semaphore_mem>> -> memref<1x!tpu.dma_semaphore, #tpu.memory_space<semaphore_mem>>
      %dma_start3A_255 = tpu.memref_squeeze %dma_start3A_254 : memref<1x!tpu.dma_semaphore, #tpu.memory_space<semaphore_mem>> -> memref<!tpu.dma_semaphore, #tpu.memory_space<semaphore_mem>>
      tpu.enqueue_indirect_dma source(%dma_start3A_247 : memref<80x64xf32, #tpu.memory_space<vmem>>) target(%dma_start3A_253 : memref<10016x64xf32, #tpu.memory_space<vmem_shared>>) offsets(%dma_start3A_250 : memref<80xi32, #tpu.memory_space<vmem>>) semaphore(%dma_start3A_255 : memref<!tpu.dma_semaphore, #tpu.memory_space<semaphore_mem>>) {add = true}
      %ge3A = arith.constant 4 : i32
      %ge3A_256 = arith.cmpi sge, %scan3A_225, %ge3A : i32
      %convert_element_type3A_257 = arith.extui %ge3A_256 : i1 to i32
      %cond3A_258 = arith.constant 0 : i32
      %cond3A_259 = arith.cmpi ne, %convert_element_type3A_257, %cond3A_258 : i32
      scf.if %cond3A_259 {
        %dma_wait3A_267 = arith.constant 0 : i32
        %dma_wait3A_268 = arith.constant 0 : i32
        %dma_wait3A_269 = arith.constant 0 : i32
        %dma_wait3A_270 = tpu.memref_slice %arg9[%rem3A_230, %dma_wait3A_268, %dma_wait3A_269] : memref<8x80x64xf32, #tpu.memory_space<vmem>> -> memref<1x80x64xf32, #tpu.memory_space<vmem>>
        %dma_wait3A_271 = tpu.memref_squeeze %dma_wait3A_270 : memref<1x80x64xf32, #tpu.memory_space<vmem>> -> memref<80x64xf32, #tpu.memory_space<vmem>>
        %dma_wait3A_272 = arith.constant 0 : i32
        %dma_wait3A_273 = tpu.memref_slice %arg8[%dma_wait3A_267, %dma_wait3A_272] : memref<125x80xi32, #tpu.memory_space<vmem>> -> memref<1x80xi32, #tpu.memory_space<vmem>>
        %dma_wait3A_274 = tpu.memref_squeeze %dma_wait3A_273 : memref<1x80xi32, #tpu.memory_space<vmem>> -> memref<80xi32, #tpu.memory_space<vmem>>
        %dma_wait3A_275 = arith.constant 0 : i32
        %dma_wait3A_276 = arith.constant 0 : i32
        %dma_wait3A_277 = tpu.memref_slice %arg10[%dma_wait3A_275, %dma_wait3A_276] : memref<10016x64xf32, #tpu.memory_space<vmem_shared>> -> memref<10016x64xf32, #tpu.memory_space<vmem_shared>>
        %dma_wait3A_278 = tpu.memref_slice %arg11[%rem3A_230] : memref<11x!tpu.dma_semaphore, #tpu.memory_space<semaphore_mem>> -> memref<1x!tpu.dma_semaphore, #tpu.memory_space<semaphore_mem>>
        %dma_wait3A_279 = tpu.memref_squeeze %dma_wait3A_278 : memref<1x!tpu.dma_semaphore, #tpu.memory_space<semaphore_mem>> -> memref<!tpu.dma_semaphore, #tpu.memory_space<semaphore_mem>>
        tpu.wait_indirect_dma semaphore(%dma_wait3A_279 : memref<!tpu.dma_semaphore, #tpu.memory_space<semaphore_mem>>) src(%dma_wait3A_271 : memref<80x64xf32, #tpu.memory_space<vmem>>) dst(%dma_wait3A_277 : memref<10016x64xf32, #tpu.memory_space<vmem_shared>>)
      } else {
      }
      %add3A_260 = arith.constant 4 : i32
      %add3A_261 = arith.addi %scan3A_225, %add3A_260 : i32
      %lt3A_262 = arith.constant 125 : i32
      %lt3A_263 = arith.cmpi slt, %add3A_261, %lt3A_262 : i32
      %convert_element_type3A_264 = arith.extui %lt3A_263 : i1 to i32
      %cond3A_265 = arith.constant 0 : i32
      %cond3A_266 = arith.cmpi ne, %convert_element_type3A_264, %cond3A_265 : i32
      scf.if %cond3A_266 {
        %add3A_267 = arith.constant 4 : i32
        %add3A_268 = arith.addi %scan3A_225, %add3A_267 : i32
        %dma_start3A_269 = arith.constant 0 : i32
        %dma_start3A_270 = arith.constant 0 : i32
        %dma_start3A_271 = tpu.memref_slice %arg9[%rem3A_230, %dma_start3A_269, %dma_start3A_270] : memref<8x80x64xf32, #tpu.memory_space<vmem>> -> memref<1x80x64xf32, #tpu.memory_space<vmem>>
        %dma_start3A_272 = tpu.memref_squeeze %dma_start3A_271 : memref<1x80x64xf32, #tpu.memory_space<vmem>> -> memref<80x64xf32, #tpu.memory_space<vmem>>
        %dma_start3A_273 = arith.constant 0 : i32
        %dma_start3A_274 = tpu.memref_slice %arg7[%add3A_268, %dma_start3A_273] : memref<125x80xi32, #tpu.memory_space<vmem>> -> memref<1x80xi32, #tpu.memory_space<vmem>>
        %dma_start3A_275 = tpu.memref_squeeze %dma_start3A_274 : memref<1x80xi32, #tpu.memory_space<vmem>> -> memref<80xi32, #tpu.memory_space<vmem>>
        %dma_start3A_276 = arith.constant 0 : i32
        %dma_start3A_277 = arith.constant 0 : i32
        %dma_start3A_278 = tpu.memref_slice %arg2[%dma_start3A_276, %dma_start3A_277] : memref<10000x64xf32, #tpu.memory_space<hbm>> -> memref<10000x64xf32, #tpu.memory_space<hbm>>
        %dma_start3A_279 = tpu.memref_slice %arg11[%rem3A_230] : memref<11x!tpu.dma_semaphore, #tpu.memory_space<semaphore_mem>> -> memref<1x!tpu.dma_semaphore, #tpu.memory_space<semaphore_mem>>
        %dma_start3A_280 = tpu.memref_squeeze %dma_start3A_279 : memref<1x!tpu.dma_semaphore, #tpu.memory_space<semaphore_mem>> -> memref<!tpu.dma_semaphore, #tpu.memory_space<semaphore_mem>>
        tpu.enqueue_indirect_dma source(%dma_start3A_278 : memref<10000x64xf32, #tpu.memory_space<hbm>>) target(%dma_start3A_272 : memref<80x64xf32, #tpu.memory_space<vmem>>) offsets(%dma_start3A_275 : memref<80xi32, #tpu.memory_space<vmem>>) semaphore(%dma_start3A_280 : memref<!tpu.dma_semaphore, #tpu.memory_space<semaphore_mem>>)
      } else {
      }
    }
    %scan3A_153 = arith.constant 125 : i32
    %dma_wait3A_154 = arith.constant 1 : i32
    %dma_wait3A_155 = arith.constant 0 : i32
    %dma_wait3A_156 = arith.constant 1 : i32
    %dma_wait3A_157 = arith.constant 0 : i32
    %dma_wait3A_158 = arith.constant 0 : i32
    %dma_wait3A_159 = tpu.memref_slice %arg9[%dma_wait3A_154, %dma_wait3A_157, %dma_wait3A_158] : memref<8x80x64xf32, #tpu.memory_space<vmem>> -> memref<1x80x64xf32, #tpu.memory_space<vmem>>
    %dma_wait3A_160 = tpu.memref_squeeze %dma_wait3A_159 : memref<1x80x64xf32, #tpu.memory_space<vmem>> -> memref<80x64xf32, #tpu.memory_space<vmem>>
    %dma_wait3A_161 = arith.constant 0 : i32
    %dma_wait3A_162 = tpu.memref_slice %arg8[%dma_wait3A_155, %dma_wait3A_161] : memref<125x80xi32, #tpu.memory_space<vmem>> -> memref<1x80xi32, #tpu.memory_space<vmem>>
    %dma_wait3A_163 = tpu.memref_squeeze %dma_wait3A_162 : memref<1x80xi32, #tpu.memory_space<vmem>> -> memref<80xi32, #tpu.memory_space<vmem>>
    %dma_wait3A_164 = arith.constant 0 : i32
    %dma_wait3A_165 = arith.constant 0 : i32
    %dma_wait3A_166 = tpu.memref_slice %arg10[%dma_wait3A_164, %dma_wait3A_165] : memref<10016x64xf32, #tpu.memory_space<vmem_shared>> -> memref<10016x64xf32, #tpu.memory_space<vmem_shared>>
    %dma_wait3A_167 = tpu.memref_slice %arg11[%dma_wait3A_156] : memref<11x!tpu.dma_semaphore, #tpu.memory_space<semaphore_mem>> -> memref<1x!tpu.dma_semaphore, #tpu.memory_space<semaphore_mem>>
    %dma_wait3A_168 = tpu.memref_squeeze %dma_wait3A_167 : memref<1x!tpu.dma_semaphore, #tpu.memory_space<semaphore_mem>> -> memref<!tpu.dma_semaphore, #tpu.memory_space<semaphore_mem>>
    tpu.wait_indirect_dma semaphore(%dma_wait3A_168 : memref<!tpu.dma_semaphore, #tpu.memory_space<semaphore_mem>>) src(%dma_wait3A_160 : memref<80x64xf32, #tpu.memory_space<vmem>>) dst(%dma_wait3A_166 : memref<10016x64xf32, #tpu.memory_space<vmem_shared>>)
    %dma_wait3A_169 = arith.constant 2 : i32
    %dma_wait3A_170 = arith.constant 0 : i32
    %dma_wait3A_171 = arith.constant 2 : i32
    %dma_wait3A_172 = arith.constant 0 : i32
    %dma_wait3A_173 = arith.constant 0 : i32
    %dma_wait3A_174 = tpu.memref_slice %arg9[%dma_wait3A_169, %dma_wait3A_172, %dma_wait3A_173] : memref<8x80x64xf32, #tpu.memory_space<vmem>> -> memref<1x80x64xf32, #tpu.memory_space<vmem>>
    %dma_wait3A_175 = tpu.memref_squeeze %dma_wait3A_174 : memref<1x80x64xf32, #tpu.memory_space<vmem>> -> memref<80x64xf32, #tpu.memory_space<vmem>>
    %dma_wait3A_176 = arith.constant 0 : i32
    %dma_wait3A_177 = tpu.memref_slice %arg8[%dma_wait3A_170, %dma_wait3A_176] : memref<125x80xi32, #tpu.memory_space<vmem>> -> memref<1x80xi32, #tpu.memory_space<vmem>>
    %dma_wait3A_178 = tpu.memref_squeeze %dma_wait3A_177 : memref<1x80xi32, #tpu.memory_space<vmem>> -> memref<80xi32, #tpu.memory_space<vmem>>
    %dma_wait3A_179 = arith.constant 0 : i32
    %dma_wait3A_180 = arith.constant 0 : i32
    %dma_wait3A_181 = tpu.memref_slice %arg10[%dma_wait3A_179, %dma_wait3A_180] : memref<10016x64xf32, #tpu.memory_space<vmem_shared>> -> memref<10016x64xf32, #tpu.memory_space<vmem_shared>>
    %dma_wait3A_182 = tpu.memref_slice %arg11[%dma_wait3A_171] : memref<11x!tpu.dma_semaphore, #tpu.memory_space<semaphore_mem>> -> memref<1x!tpu.dma_semaphore, #tpu.memory_space<semaphore_mem>>
    %dma_wait3A_183 = tpu.memref_squeeze %dma_wait3A_182 : memref<1x!tpu.dma_semaphore, #tpu.memory_space<semaphore_mem>> -> memref<!tpu.dma_semaphore, #tpu.memory_space<semaphore_mem>>
    tpu.wait_indirect_dma semaphore(%dma_wait3A_183 : memref<!tpu.dma_semaphore, #tpu.memory_space<semaphore_mem>>) src(%dma_wait3A_175 : memref<80x64xf32, #tpu.memory_space<vmem>>) dst(%dma_wait3A_181 : memref<10016x64xf32, #tpu.memory_space<vmem_shared>>)
    %dma_wait3A_184 = arith.constant 3 : i32
    %dma_wait3A_185 = arith.constant 0 : i32
    %dma_wait3A_186 = arith.constant 3 : i32
    %dma_wait3A_187 = arith.constant 0 : i32
    %dma_wait3A_188 = arith.constant 0 : i32
    %dma_wait3A_189 = tpu.memref_slice %arg9[%dma_wait3A_184, %dma_wait3A_187, %dma_wait3A_188] : memref<8x80x64xf32, #tpu.memory_space<vmem>> -> memref<1x80x64xf32, #tpu.memory_space<vmem>>
    %dma_wait3A_190 = tpu.memref_squeeze %dma_wait3A_189 : memref<1x80x64xf32, #tpu.memory_space<vmem>> -> memref<80x64xf32, #tpu.memory_space<vmem>>
    %dma_wait3A_191 = arith.constant 0 : i32
    %dma_wait3A_192 = tpu.memref_slice %arg8[%dma_wait3A_185, %dma_wait3A_191] : memref<125x80xi32, #tpu.memory_space<vmem>> -> memref<1x80xi32, #tpu.memory_space<vmem>>
    %dma_wait3A_193 = tpu.memref_squeeze %dma_wait3A_192 : memref<1x80xi32, #tpu.memory_space<vmem>> -> memref<80xi32, #tpu.memory_space<vmem>>
    %dma_wait3A_194 = arith.constant 0 : i32
    %dma_wait3A_195 = arith.constant 0 : i32
    %dma_wait3A_196 = tpu.memref_slice %arg10[%dma_wait3A_194, %dma_wait3A_195] : memref<10016x64xf32, #tpu.memory_space<vmem_shared>> -> memref<10016x64xf32, #tpu.memory_space<vmem_shared>>
    %dma_wait3A_197 = tpu.memref_slice %arg11[%dma_wait3A_186] : memref<11x!tpu.dma_semaphore, #tpu.memory_space<semaphore_mem>> -> memref<1x!tpu.dma_semaphore, #tpu.memory_space<semaphore_mem>>
    %dma_wait3A_198 = tpu.memref_squeeze %dma_wait3A_197 : memref<1x!tpu.dma_semaphore, #tpu.memory_space<semaphore_mem>> -> memref<!tpu.dma_semaphore, #tpu.memory_space<semaphore_mem>>
    tpu.wait_indirect_dma semaphore(%dma_wait3A_198 : memref<!tpu.dma_semaphore, #tpu.memory_space<semaphore_mem>>) src(%dma_wait3A_190 : memref<80x64xf32, #tpu.memory_space<vmem>>) dst(%dma_wait3A_196 : memref<10016x64xf32, #tpu.memory_space<vmem_shared>>)
    %dma_wait3A_199 = arith.constant 4 : i32
    %dma_wait3A_200 = arith.constant 0 : i32
    %dma_wait3A_201 = arith.constant 4 : i32
    %dma_wait3A_202 = arith.constant 0 : i32
    %dma_wait3A_203 = arith.constant 0 : i32
    %dma_wait3A_204 = tpu.memref_slice %arg9[%dma_wait3A_199, %dma_wait3A_202, %dma_wait3A_203] : memref<8x80x64xf32, #tpu.memory_space<vmem>> -> memref<1x80x64xf32, #tpu.memory_space<vmem>>
    %dma_wait3A_205 = tpu.memref_squeeze %dma_wait3A_204 : memref<1x80x64xf32, #tpu.memory_space<vmem>> -> memref<80x64xf32, #tpu.memory_space<vmem>>
    %dma_wait3A_206 = arith.constant 0 : i32
    %dma_wait3A_207 = tpu.memref_slice %arg8[%dma_wait3A_200, %dma_wait3A_206] : memref<125x80xi32, #tpu.memory_space<vmem>> -> memref<1x80xi32, #tpu.memory_space<vmem>>
    %dma_wait3A_208 = tpu.memref_squeeze %dma_wait3A_207 : memref<1x80xi32, #tpu.memory_space<vmem>> -> memref<80xi32, #tpu.memory_space<vmem>>
    %dma_wait3A_209 = arith.constant 0 : i32
    %dma_wait3A_210 = arith.constant 0 : i32
    %dma_wait3A_211 = tpu.memref_slice %arg10[%dma_wait3A_209, %dma_wait3A_210] : memref<10016x64xf32, #tpu.memory_space<vmem_shared>> -> memref<10016x64xf32, #tpu.memory_space<vmem_shared>>
    %dma_wait3A_212 = tpu.memref_slice %arg11[%dma_wait3A_201] : memref<11x!tpu.dma_semaphore, #tpu.memory_space<semaphore_mem>> -> memref<1x!tpu.dma_semaphore, #tpu.memory_space<semaphore_mem>>
    %dma_wait3A_213 = tpu.memref_squeeze %dma_wait3A_212 : memref<1x!tpu.dma_semaphore, #tpu.memory_space<semaphore_mem>> -> memref<!tpu.dma_semaphore, #tpu.memory_space<semaphore_mem>>
    tpu.wait_indirect_dma semaphore(%dma_wait3A_213 : memref<!tpu.dma_semaphore, #tpu.memory_space<semaphore_mem>>) src(%dma_wait3A_205 : memref<80x64xf32, #tpu.memory_space<vmem>>) dst(%dma_wait3A_211 : memref<10016x64xf32, #tpu.memory_space<vmem_shared>>)
    %barrier3A_214 = arith.constant 0 : index
    tpu.barrier barrier_id(%barrier3A_214)
    %lt3A_215 = arith.constant 15 : i32
    %lt3A_216 = arith.cmpi slt, %arg1, %lt3A_215 : i32
    %convert_element_type3A_217 = arith.extui %lt3A_216 : i1 to i32
    %cond3A_218 = arith.constant 0 : i32
    %cond3A_219 = arith.cmpi ne, %convert_element_type3A_217, %cond3A_218 : i32
    scf.if %cond3A_219 {
      %mul3A_225 = arith.constant 640 : i32
      %mul3A_226 = arith.muli %arg1, %mul3A_225 : i32
      %multiple_of3A = tpu.assume_multiple %mul3A_226, 8 : i32
      "tpu.region"() ({
        %run_scoped3A = tpu.sem_alloc : memref<!tpu.dma_semaphore, #tpu.memory_space<semaphore_mem>>
        %dma_start3A_227 = arith.constant 0 : i32
        %dma_start3A_228 = tpu.memref_slice %arg6[%arg0, %multiple_of3A, %dma_start3A_227] : memref<2x10000x64xf32, #tpu.memory_space<hbm>> -> memref<1x640x64xf32, #tpu.memory_space<hbm>>
        %dma_start3A_229 = tpu.memref_squeeze %dma_start3A_228 : memref<1x640x64xf32, #tpu.memory_space<hbm>> -> memref<640x64xf32, #tpu.memory_space<hbm>>
        %dma_start3A_230 = arith.constant 0 : i32
        %dma_start3A_231 = tpu.memref_slice %arg10[%multiple_of3A, %dma_start3A_230] : memref<10016x64xf32, #tpu.memory_space<vmem_shared>> -> memref<640x64xf32, #tpu.memory_space<vmem_shared>>
        tpu.enqueue_dma source(%dma_start3A_231 : memref<640x64xf32, #tpu.memory_space<vmem_shared>>) target(%dma_start3A_229 : memref<640x64xf32, #tpu.memory_space<hbm>>) target_semaphore(%run_scoped3A : memref<!tpu.dma_semaphore, #tpu.memory_space<semaphore_mem>>)
        %dma_wait3A_232 = arith.constant 0 : i32
        %dma_wait3A_233 = tpu.memref_slice %arg6[%arg0, %multiple_of3A, %dma_wait3A_232] : memref<2x10000x64xf32, #tpu.memory_space<hbm>> -> memref<1x640x64xf32, #tpu.memory_space<hbm>>
        %dma_wait3A_234 = tpu.memref_squeeze %dma_wait3A_233 : memref<1x640x64xf32, #tpu.memory_space<hbm>> -> memref<640x64xf32, #tpu.memory_space<hbm>>
        %dma_wait3A_235 = arith.constant 0 : i32
        %dma_wait3A_236 = tpu.memref_slice %arg10[%multiple_of3A, %dma_wait3A_235] : memref<10016x64xf32, #tpu.memory_space<vmem_shared>> -> memref<640x64xf32, #tpu.memory_space<vmem_shared>>
        tpu.wait_dma2 semaphore(%run_scoped3A : memref<!tpu.dma_semaphore, #tpu.memory_space<semaphore_mem>>) src(%dma_wait3A_236 : memref<640x64xf32, #tpu.memory_space<vmem_shared>>) dst(%dma_wait3A_234 : memref<640x64xf32, #tpu.memory_space<hbm>>)
        tpu.yield
      }) : () -> ()
    } else {
    }
    %eq3A_220 = arith.constant 15 : i32
    %eq3A_221 = arith.cmpi eq, %arg1, %eq3A_220 : i32
    %convert_element_type3A_222 = arith.extui %eq3A_221 : i1 to i32
    %cond3A_223 = arith.constant 0 : i32
    %cond3A_224 = arith.cmpi ne, %convert_element_type3A_222, %cond3A_223 : i32
    scf.if %cond3A_224 {
      "tpu.region"() ({
        %run_scoped3A = tpu.sem_alloc : memref<!tpu.dma_semaphore, #tpu.memory_space<semaphore_mem>>
        %dma_start3A_225 = arith.constant 9600 : i32
        %dma_start3A_226 = arith.constant 0 : i32
        %dma_start3A_227 = tpu.memref_slice %arg6[%arg0, %dma_start3A_225, %dma_start3A_226] : memref<2x10000x64xf32, #tpu.memory_space<hbm>> -> memref<1x400x64xf32, #tpu.memory_space<hbm>>
        %dma_start3A_228 = tpu.memref_squeeze %dma_start3A_227 : memref<1x400x64xf32, #tpu.memory_space<hbm>> -> memref<400x64xf32, #tpu.memory_space<hbm>>
        %dma_start3A_229 = arith.constant 9600 : i32
        %dma_start3A_230 = arith.constant 0 : i32
        %dma_start3A_231 = tpu.memref_slice %arg10[%dma_start3A_229, %dma_start3A_230] : memref<10016x64xf32, #tpu.memory_space<vmem_shared>> -> memref<400x64xf32, #tpu.memory_space<vmem_shared>>
        tpu.enqueue_dma source(%dma_start3A_231 : memref<400x64xf32, #tpu.memory_space<vmem_shared>>) target(%dma_start3A_228 : memref<400x64xf32, #tpu.memory_space<hbm>>) target_semaphore(%run_scoped3A : memref<!tpu.dma_semaphore, #tpu.memory_space<semaphore_mem>>)
        %dma_wait3A_232 = arith.constant 9600 : i32
        %dma_wait3A_233 = arith.constant 0 : i32
        %dma_wait3A_234 = tpu.memref_slice %arg6[%arg0, %dma_wait3A_232, %dma_wait3A_233] : memref<2x10000x64xf32, #tpu.memory_space<hbm>> -> memref<1x400x64xf32, #tpu.memory_space<hbm>>
        %dma_wait3A_235 = tpu.memref_squeeze %dma_wait3A_234 : memref<1x400x64xf32, #tpu.memory_space<hbm>> -> memref<400x64xf32, #tpu.memory_space<hbm>>
        %dma_wait3A_236 = arith.constant 9600 : i32
        %dma_wait3A_237 = arith.constant 0 : i32
        %dma_wait3A_238 = tpu.memref_slice %arg10[%dma_wait3A_236, %dma_wait3A_237] : memref<10016x64xf32, #tpu.memory_space<vmem_shared>> -> memref<400x64xf32, #tpu.memory_space<vmem_shared>>
        tpu.wait_dma2 semaphore(%run_scoped3A : memref<!tpu.dma_semaphore, #tpu.memory_space<semaphore_mem>>) src(%dma_wait3A_238 : memref<400x64xf32, #tpu.memory_space<vmem_shared>>) dst(%dma_wait3A_235 : memref<400x64xf32, #tpu.memory_space<hbm>>)
        tpu.yield
      }) : () -> ()
    } else {
    }
    return
  }
}

#map = affine_map<(d0, d1) -> (0, 0)>
module attributes {stable_mosaic.version = 14 : i64} {
  func.func @_deg_body(%arg0: i32, %arg1: i32, %arg2: memref<32x10000xi32, #tpu.memory_space<hbm>>, %arg3: memref<32x10000xf32, #tpu.memory_space<hbm>>, %arg4: memref<10000xi32, #tpu.memory_space<vmem>>, %arg5: memref<10000xf32, #tpu.memory_space<vmem>>) attributes {dimension_semantics = [#tpu.dimension_semantics<core_parallel>, #tpu.dimension_semantics<subcore_parallel>], iteration_bounds = array<i64: 2, 16>, scalar_prefetch = 0 : i64, scratch_operands = 2 : i64, tpu.core_type = #tpu.core_type<sc_vector_subcore>, window_params = [{transform_indices = #map}, {transform_indices = #map}]} {
    %mul3A = arith.constant 2 : i32
    %mul3A_0 = arith.muli %arg1, %mul3A : i32
    %add3A = arith.addi %mul3A_0, %arg0 : i32
    "tpu.region"() ({
      %run_scoped3A = tpu.sem_alloc : memref<!tpu.dma_semaphore, #tpu.memory_space<semaphore_mem>>
      %dma_start3A = arith.constant 0 : i32
      %dma_start3A_13 = tpu.memref_slice %arg2[%add3A, %dma_start3A] : memref<32x10000xi32, #tpu.memory_space<hbm>> -> memref<1x10000xi32, #tpu.memory_space<hbm>>
      %dma_start3A_14 = tpu.memref_squeeze %dma_start3A_13 : memref<1x10000xi32, #tpu.memory_space<hbm>> -> memref<10000xi32, #tpu.memory_space<hbm>>
      %dma_start3A_15 = arith.constant 0 : i32
      %dma_start3A_16 = tpu.memref_slice %arg2[%add3A, %dma_start3A_15] : memref<32x10000xi32, #tpu.memory_space<hbm>> -> memref<1x10000xi32, #tpu.memory_space<hbm>>
      %dma_start3A_17 = tpu.memref_squeeze %dma_start3A_16 : memref<1x10000xi32, #tpu.memory_space<hbm>> -> memref<10000xi32, #tpu.memory_space<hbm>>
      tpu.enqueue_dma source(%dma_start3A_17 : memref<10000xi32, #tpu.memory_space<hbm>>) target(%arg4 : memref<10000xi32, #tpu.memory_space<vmem>>) target_semaphore(%run_scoped3A : memref<!tpu.dma_semaphore, #tpu.memory_space<semaphore_mem>>)
      %dma_wait3A = arith.constant 0 : i32
      %dma_wait3A_18 = tpu.memref_slice %arg2[%add3A, %dma_wait3A] : memref<32x10000xi32, #tpu.memory_space<hbm>> -> memref<1x10000xi32, #tpu.memory_space<hbm>>
      %dma_wait3A_19 = tpu.memref_squeeze %dma_wait3A_18 : memref<1x10000xi32, #tpu.memory_space<hbm>> -> memref<10000xi32, #tpu.memory_space<hbm>>
      %dma_wait3A_20 = arith.constant 0 : i32
      %dma_wait3A_21 = tpu.memref_slice %arg2[%add3A, %dma_wait3A_20] : memref<32x10000xi32, #tpu.memory_space<hbm>> -> memref<1x10000xi32, #tpu.memory_space<hbm>>
      %dma_wait3A_22 = tpu.memref_squeeze %dma_wait3A_21 : memref<1x10000xi32, #tpu.memory_space<hbm>> -> memref<10000xi32, #tpu.memory_space<hbm>>
      tpu.wait_dma2 semaphore(%run_scoped3A : memref<!tpu.dma_semaphore, #tpu.memory_space<semaphore_mem>>) src(%dma_wait3A_22 : memref<10000xi32, #tpu.memory_space<hbm>>) dst(%arg4 : memref<10000xi32, #tpu.memory_space<vmem>>)
      tpu.yield
    }) : () -> ()
    %scan3A = arith.constant 0 : i32
    %scan3A_1 = arith.constant 0 : i32
    %scan3A_2 = arith.constant 625 : i32
    %scan3A_3 = arith.addi %scan3A_1, %scan3A_2 : i32
    %scan3A_4 = arith.constant 1 : i32
    scf.for %scan3A_13 = %scan3A_1 to %scan3A_3 step %scan3A_4  : i32 {
      %broadcast_in_dim3A_14 = arith.constant 0.000000e+00 : f32
      %broadcast_in_dim3A_15 = vector.broadcast %broadcast_in_dim3A_14 : f32 to vector<16xf32>
      %mul3A_16 = arith.constant 16 : i32
      %mul3A_17 = arith.muli %scan3A_13, %mul3A_16 : i32
      %swap3A = arith.index_cast %mul3A_17 : i32 to index
      %swap3A_18 = tpu.vector_load %arg5[%swap3A] {strides = array<i32>} : memref<10000xf32, #tpu.memory_space<vmem>>, vector<16xf32>,
      tpu.vector_store %arg5[%swap3A], %broadcast_in_dim3A_15 {strides = array<i32>} : memref<10000xf32, #tpu.memory_space<vmem>>, vector<16xf32>,
    }
    %scan3A_5 = arith.constant 625 : i32
    %broadcast_in_dim3A = arith.constant 1.000000e+00 : f32
    %broadcast_in_dim3A_6 = vector.broadcast %broadcast_in_dim3A : f32 to vector<16xf32>
    %scan3A_7 = arith.constant 0 : i32
    %scan3A_8 = arith.constant 0 : i32
    %scan3A_9 = arith.constant 625 : i32
    %scan3A_10 = arith.addi %scan3A_8, %scan3A_9 : i32
    %scan3A_11 = arith.constant 1 : i32
    scf.for %scan3A_13 = %scan3A_8 to %scan3A_10 step %scan3A_11  : i32 {
      %mul3A_14 = arith.constant 16 : i32
      %mul3A_15 = arith.muli %scan3A_13, %mul3A_14 : i32
      %get3A = arith.index_cast %mul3A_15 : i32 to index
      %get3A_16 = tpu.vector_load %arg4[%get3A] {strides = array<i32>} : memref<10000xi32, #tpu.memory_space<vmem>>, vector<16xi32>,
      tpu.vector_store_idx %arg5[%get3A_16], %broadcast_in_dim3A_6 {add = true} : memref<10000xf32, #tpu.memory_space<vmem>>[vector<16xi32>], vector<16xf32>,
    }
    %scan3A_12 = arith.constant 625 : i32
    "tpu.region"() ({
      %run_scoped3A = tpu.sem_alloc : memref<!tpu.dma_semaphore, #tpu.memory_space<semaphore_mem>>
      %dma_start3A = arith.constant 0 : i32
      %dma_start3A_13 = tpu.memref_slice %arg3[%add3A, %dma_start3A] : memref<32x10000xf32, #tpu.memory_space<hbm>> -> memref<1x10000xf32, #tpu.memory_space<hbm>>
      %dma_start3A_14 = tpu.memref_squeeze %dma_start3A_13 : memref<1x10000xf32, #tpu.memory_space<hbm>> -> memref<10000xf32, #tpu.memory_space<hbm>>
      %dma_start3A_15 = arith.constant 0 : i32
      %dma_start3A_16 = tpu.memref_slice %arg3[%add3A, %dma_start3A_15] : memref<32x10000xf32, #tpu.memory_space<hbm>> -> memref<1x10000xf32, #tpu.memory_space<hbm>>
      %dma_start3A_17 = tpu.memref_squeeze %dma_start3A_16 : memref<1x10000xf32, #tpu.memory_space<hbm>> -> memref<10000xf32, #tpu.memory_space<hbm>>
      tpu.enqueue_dma source(%arg5 : memref<10000xf32, #tpu.memory_space<vmem>>) target(%dma_start3A_17 : memref<10000xf32, #tpu.memory_space<hbm>>) target_semaphore(%run_scoped3A : memref<!tpu.dma_semaphore, #tpu.memory_space<semaphore_mem>>)
      %dma_wait3A = arith.constant 0 : i32
      %dma_wait3A_18 = tpu.memref_slice %arg3[%add3A, %dma_wait3A] : memref<32x10000xf32, #tpu.memory_space<hbm>> -> memref<1x10000xf32, #tpu.memory_space<hbm>>
      %dma_wait3A_19 = tpu.memref_squeeze %dma_wait3A_18 : memref<1x10000xf32, #tpu.memory_space<hbm>> -> memref<10000xf32, #tpu.memory_space<hbm>>
      %dma_wait3A_20 = arith.constant 0 : i32
      %dma_wait3A_21 = tpu.memref_slice %arg3[%add3A, %dma_wait3A_20] : memref<32x10000xf32, #tpu.memory_space<hbm>> -> memref<1x10000xf32, #tpu.memory_space<hbm>>
      %dma_wait3A_22 = tpu.memref_squeeze %dma_wait3A_21 : memref<1x10000xf32, #tpu.memory_space<hbm>> -> memref<10000xf32, #tpu.memory_space<hbm>>
      tpu.wait_dma2 semaphore(%run_scoped3A : memref<!tpu.dma_semaphore, #tpu.memory_space<semaphore_mem>>) src(%arg5 : memref<10000xf32, #tpu.memory_space<vmem>>) dst(%dma_wait3A_22 : memref<10000xf32, #tpu.memory_space<hbm>>)
      tpu.yield
    }) : () -> ()
    return
  }
}

#map = affine_map<(d0, d1) -> (0, 0)>
#map1 = affine_map<(d0, d1) -> (0, 0, 0)>
module attributes {stable_mosaic.version = 14 : i64} {
  func.func @_edge_body(%arg0: i32, %arg1: i32, %arg2: memref<10000x64xf32, #tpu.memory_space<hbm>>, %arg3: memref<32x125x80xi32, #tpu.memory_space<hbm>>, %arg4: memref<32x125x80xi32, #tpu.memory_space<hbm>>, %arg5: memref<640x64xf32, #tpu.memory_space<hbm>>, %arg6: memref<2x10000x64xf32, #tpu.memory_space<hbm>>, %arg7: memref<125x80xi32, #tpu.memory_space<vmem>>, %arg8: memref<125x80xi32, #tpu.memory_space<vmem>>, %arg9: memref<8x80x64xf32, #tpu.memory_space<vmem>>, %arg10: memref<10016x64xf32, #tpu.memory_space<vmem_shared>>, %arg11: memref<11x!tpu.dma_semaphore, #tpu.memory_space<semaphore_mem>>) attributes {dimension_semantics = [#tpu.dimension_semantics<core_parallel>, #tpu.dimension_semantics<subcore_parallel>], iteration_bounds = array<i64: 2, 16>, scalar_prefetch = 0 : i64, scratch_operands = 5 : i64, tpu.core_type = #tpu.core_type<sc_vector_subcore>, window_params = [{transform_indices = #map}, {transform_indices = #map1}, {transform_indices = #map1}, {transform_indices = #map}, {transform_indices = #map1}]} {
    %mul3A = arith.constant 2 : i32
    %mul3A_0 = arith.muli %arg1, %mul3A : i32
    %add3A = arith.addi %mul3A_0, %arg0 : i32
    %eq3A = arith.constant 0 : i32
    %eq3A_1 = arith.cmpi eq, %arg0, %eq3A : i32
    %lt3A = arith.constant 15 : i32
    %lt3A_2 = arith.cmpi slt, %arg1, %lt3A : i32
    %and3A = arith.andi %eq3A_1, %lt3A_2 : i1
    %convert_element_type3A = arith.extui %and3A : i1 to i32
    %cond3A = arith.constant 0 : i32
    %cond3A_3 = arith.cmpi ne, %convert_element_type3A, %cond3A : i32
    scf.if %cond3A_3 {
      %mul3A_225 = arith.constant 640 : i32
      %mul3A_226 = arith.muli %arg1, %mul3A_225 : i32
      %multiple_of3A = tpu.assume_multiple %mul3A_226, 8 : i32
      %dma_start3A_227 = arith.constant 8 : i32
      %dma_start3A_228 = tpu.memref_slice %arg11[%dma_start3A_227] : memref<11x!tpu.dma_semaphore, #tpu.memory_space<semaphore_mem>> -> memref<1x!tpu.dma_semaphore, #tpu.memory_space<semaphore_mem>>
      %dma_start3A_229 = tpu.memref_squeeze %dma_start3A_228 : memref<1x!tpu.dma_semaphore, #tpu.memory_space<semaphore_mem>> -> memref<!tpu.dma_semaphore, #tpu.memory_space<semaphore_mem>>
      %dma_start3A_230 = arith.constant 0 : i32
      %dma_start3A_231 = tpu.memref_slice %arg10[%multiple_of3A, %dma_start3A_230] : memref<10016x64xf32, #tpu.memory_space<vmem_shared>> -> memref<640x64xf32, #tpu.memory_space<vmem_shared>>
      %dma_start3A_232 = arith.constant 0 : i32
      %dma_start3A_233 = tpu.memref_slice %arg2[%multiple_of3A, %dma_start3A_232] : memref<10000x64xf32, #tpu.memory_space<hbm>> -> memref<640x64xf32, #tpu.memory_space<hbm>>
      tpu.enqueue_dma source(%dma_start3A_233 : memref<640x64xf32, #tpu.memory_space<hbm>>) target(%dma_start3A_231 : memref<640x64xf32, #tpu.memory_space<vmem_shared>>) target_semaphore(%dma_start3A_229 : memref<!tpu.dma_semaphore, #tpu.memory_space<semaphore_mem>>)
    } else {
    }
    %eq3A_4 = arith.constant 0 : i32
    %eq3A_5 = arith.cmpi eq, %arg0, %eq3A_4 : i32
    %eq3A_6 = arith.constant 15 : i32
    %eq3A_7 = arith.cmpi eq, %arg1, %eq3A_6 : i32
    %and3A_8 = arith.andi %eq3A_5, %eq3A_7 : i1
    %convert_element_type3A_9 = arith.extui %and3A_8 : i1 to i32
    %cond3A_10 = arith.constant 0 : i32
    %cond3A_11 = arith.cmpi ne, %convert_element_type3A_9, %cond3A_10 : i32
    scf.if %cond3A_11 {
      %dma_start3A_225 = arith.constant 8 : i32
      %dma_start3A_226 = tpu.memref_slice %arg11[%dma_start3A_225] : memref<11x!tpu.dma_semaphore, #tpu.memory_space<semaphore_mem>> -> memref<1x!tpu.dma_semaphore, #tpu.memory_space<semaphore_mem>>
      %dma_start3A_227 = tpu.memref_squeeze %dma_start3A_226 : memref<1x!tpu.dma_semaphore, #tpu.memory_space<semaphore_mem>> -> memref<!tpu.dma_semaphore, #tpu.memory_space<semaphore_mem>>
      %dma_start3A_228 = arith.constant 9600 : i32
      %dma_start3A_229 = arith.constant 0 : i32
      %dma_start3A_230 = tpu.memref_slice %arg10[%dma_start3A_228, %dma_start3A_229] : memref<10016x64xf32, #tpu.memory_space<vmem_shared>> -> memref<400x64xf32, #tpu.memory_space<vmem_shared>>
      %dma_start3A_231 = arith.constant 9600 : i32
      %dma_start3A_232 = arith.constant 0 : i32
      %dma_start3A_233 = tpu.memref_slice %arg2[%dma_start3A_231, %dma_start3A_232] : memref<10000x64xf32, #tpu.memory_space<hbm>> -> memref<400x64xf32, #tpu.memory_space<hbm>>
      tpu.enqueue_dma source(%dma_start3A_233 : memref<400x64xf32, #tpu.memory_space<hbm>>) target(%dma_start3A_230 : memref<400x64xf32, #tpu.memory_space<vmem_shared>>) target_semaphore(%dma_start3A_227 : memref<!tpu.dma_semaphore, #tpu.memory_space<semaphore_mem>>)
    } else {
    }
    %ne3A = arith.constant 0 : i32
    %ne3A_12 = arith.cmpi ne, %arg0, %ne3A : i32
    %lt3A_13 = arith.constant 15 : i32
    %lt3A_14 = arith.cmpi slt, %arg1, %lt3A_13 : i32
    %and3A_15 = arith.andi %ne3A_12, %lt3A_14 : i1
    %convert_element_type3A_16 = arith.extui %and3A_15 : i1 to i32
    %cond3A_17 = arith.constant 0 : i32
    %cond3A_18 = arith.cmpi ne, %convert_element_type3A_16, %cond3A_17 : i32
    scf.if %cond3A_18 {
      %mul3A_225 = arith.constant 640 : i32
      %mul3A_226 = arith.muli %arg1, %mul3A_225 : i32
      %multiple_of3A = tpu.assume_multiple %mul3A_226, 8 : i32
      %dma_start3A_227 = arith.constant 8 : i32
      %dma_start3A_228 = tpu.memref_slice %arg11[%dma_start3A_227] : memref<11x!tpu.dma_semaphore, #tpu.memory_space<semaphore_mem>> -> memref<1x!tpu.dma_semaphore, #tpu.memory_space<semaphore_mem>>
      %dma_start3A_229 = tpu.memref_squeeze %dma_start3A_228 : memref<1x!tpu.dma_semaphore, #tpu.memory_space<semaphore_mem>> -> memref<!tpu.dma_semaphore, #tpu.memory_space<semaphore_mem>>
      %dma_start3A_230 = arith.constant 0 : i32
      %dma_start3A_231 = tpu.memref_slice %arg10[%multiple_of3A, %dma_start3A_230] : memref<10016x64xf32, #tpu.memory_space<vmem_shared>> -> memref<640x64xf32, #tpu.memory_space<vmem_shared>>
      tpu.enqueue_dma source(%arg5 : memref<640x64xf32, #tpu.memory_space<hbm>>) target(%dma_start3A_231 : memref<640x64xf32, #tpu.memory_space<vmem_shared>>) target_semaphore(%dma_start3A_229 : memref<!tpu.dma_semaphore, #tpu.memory_space<semaphore_mem>>)
    } else {
    }
    %ne3A_19 = arith.constant 0 : i32
    %ne3A_20 = arith.cmpi ne, %arg0, %ne3A_19 : i32
    %eq3A_21 = arith.constant 15 : i32
    %eq3A_22 = arith.cmpi eq, %arg1, %eq3A_21 : i32
    %and3A_23 = arith.andi %ne3A_20, %eq3A_22 : i1
    %convert_element_type3A_24 = arith.extui %and3A_23 : i1 to i32
    %cond3A_25 = arith.constant 0 : i32
    %cond3A_26 = arith.cmpi ne, %convert_element_type3A_24, %cond3A_25 : i32
    scf.if %cond3A_26 {
      %dma_start3A_225 = arith.constant 8 : i32
      %dma_start3A_226 = tpu.memref_slice %arg11[%dma_start3A_225] : memref<11x!tpu.dma_semaphore, #tpu.memory_space<semaphore_mem>> -> memref<1x!tpu.dma_semaphore, #tpu.memory_space<semaphore_mem>>
      %dma_start3A_227 = tpu.memref_squeeze %dma_start3A_226 : memref<1x!tpu.dma_semaphore, #tpu.memory_space<semaphore_mem>> -> memref<!tpu.dma_semaphore, #tpu.memory_space<semaphore_mem>>
      %dma_start3A_228 = arith.constant 9600 : i32
      %dma_start3A_229 = arith.constant 0 : i32
      %dma_start3A_230 = tpu.memref_slice %arg10[%dma_start3A_228, %dma_start3A_229] : memref<10016x64xf32, #tpu.memory_space<vmem_shared>> -> memref<400x64xf32, #tpu.memory_space<vmem_shared>>
      %dma_start3A_231 = arith.constant 0 : i32
      %dma_start3A_232 = arith.constant 0 : i32
      %dma_start3A_233 = tpu.memref_slice %arg5[%dma_start3A_231, %dma_start3A_232] : memref<640x64xf32, #tpu.memory_space<hbm>> -> memref<400x64xf32, #tpu.memory_space<hbm>>
      tpu.enqueue_dma source(%dma_start3A_233 : memref<400x64xf32, #tpu.memory_space<hbm>>) target(%dma_start3A_230 : memref<400x64xf32, #tpu.memory_space<vmem_shared>>) target_semaphore(%dma_start3A_227 : memref<!tpu.dma_semaphore, #tpu.memory_space<semaphore_mem>>)
    } else {
    }
    %eq3A_27 = arith.constant 15 : i32
    %eq3A_28 = arith.cmpi eq, %arg1, %eq3A_27 : i32
    %convert_element_type3A_29 = arith.extui %eq3A_28 : i1 to i32
    %cond3A_30 = arith.constant 0 : i32
    %cond3A_31 = arith.cmpi ne, %convert_element_type3A_29, %cond3A_30 : i32
    scf.if %cond3A_31 {
      %dma_start3A_225 = arith.constant 10 : i32
      %dma_start3A_226 = tpu.memref_slice %arg11[%dma_start3A_225] : memref<11x!tpu.dma_semaphore, #tpu.memory_space<semaphore_mem>> -> memref<1x!tpu.dma_semaphore, #tpu.memory_space<semaphore_mem>>
      %dma_start3A_227 = tpu.memref_squeeze %dma_start3A_226 : memref<1x!tpu.dma_semaphore, #tpu.memory_space<semaphore_mem>> -> memref<!tpu.dma_semaphore, #tpu.memory_space<semaphore_mem>>
      %dma_start3A_228 = arith.constant 10000 : i32
      %dma_start3A_229 = arith.constant 0 : i32
      %dma_start3A_230 = tpu.memref_slice %arg10[%dma_start3A_228, %dma_start3A_229] : memref<10016x64xf32, #tpu.memory_space<vmem_shared>> -> memref<16x64xf32, #tpu.memory_space<vmem_shared>>
      %dma_start3A_231 = arith.constant 0 : i32
      %dma_start3A_232 = arith.constant 0 : i32
      %dma_start3A_233 = tpu.memref_slice %arg5[%dma_start3A_231, %dma_start3A_232] : memref<640x64xf32, #tpu.memory_space<hbm>> -> memref<16x64xf32, #tpu.memory_space<hbm>>
      tpu.enqueue_dma source(%dma_start3A_233 : memref<16x64xf32, #tpu.memory_space<hbm>>) target(%dma_start3A_230 : memref<16x64xf32, #tpu.memory_space<vmem_shared>>) target_semaphore(%dma_start3A_227 : memref<!tpu.dma_semaphore, #tpu.memory_space<semaphore_mem>>)
    } else {
    }
    %dma_start3A = arith.constant 9 : i32
    %dma_start3A_32 = arith.constant 0 : i32
    %dma_start3A_33 = arith.constant 0 : i32
    %dma_start3A_34 = tpu.memref_slice %arg4[%add3A, %dma_start3A_32, %dma_start3A_33] : memref<32x125x80xi32, #tpu.memory_space<hbm>> -> memref<1x125x80xi32, #tpu.memory_space<hbm>>
    %dma_start3A_35 = tpu.memref_squeeze %dma_start3A_34 : memref<1x125x80xi32, #tpu.memory_space<hbm>> -> memref<125x80xi32, #tpu.memory_space<hbm>>
    %dma_start3A_36 = tpu.memref_slice %arg11[%dma_start3A] : memref<11x!tpu.dma_semaphore, #tpu.memory_space<semaphore_mem>> -> memref<1x!tpu.dma_semaphore, #tpu.memory_space<semaphore_mem>>
    %dma_start3A_37 = tpu.memref_squeeze %dma_start3A_36 : memref<1x!tpu.dma_semaphore, #tpu.memory_space<semaphore_mem>> -> memref<!tpu.dma_semaphore, #tpu.memory_space<semaphore_mem>>
    %dma_start3A_38 = arith.constant 0 : i32
    %dma_start3A_39 = arith.constant 0 : i32
    %dma_start3A_40 = tpu.memref_slice %arg4[%add3A, %dma_start3A_38, %dma_start3A_39] : memref<32x125x80xi32, #tpu.memory_space<hbm>> -> memref<1x125x80xi32, #tpu.memory_space<hbm>>
    %dma_start3A_41 = tpu.memref_squeeze %dma_start3A_40 : memref<1x125x80xi32, #tpu.memory_space<hbm>> -> memref<125x80xi32, #tpu.memory_space<hbm>>
    tpu.enqueue_dma source(%dma_start3A_41 : memref<125x80xi32, #tpu.memory_space<hbm>>) target(%arg8 : memref<125x80xi32, #tpu.memory_space<vmem>>) target_semaphore(%dma_start3A_37 : memref<!tpu.dma_semaphore, #tpu.memory_space<semaphore_mem>>)
    "tpu.region"() ({
      %run_scoped3A = tpu.sem_alloc : memref<!tpu.dma_semaphore, #tpu.memory_space<semaphore_mem>>
      %dma_start3A_225 = arith.constant 0 : i32
      %dma_start3A_226 = arith.constant 0 : i32
      %dma_start3A_227 = tpu.memref_slice %arg3[%add3A, %dma_start3A_225, %dma_start3A_226] : memref<32x125x80xi32, #tpu.memory_space<hbm>> -> memref<1x125x80xi32, #tpu.memory_space<hbm>>
      %dma_start3A_228 = tpu.memref_squeeze %dma_start3A_227 : memref<1x125x80xi32, #tpu.memory_space<hbm>> -> memref<125x80xi32, #tpu.memory_space<hbm>>
      %dma_start3A_229 = arith.constant 0 : i32
      %dma_start3A_230 = arith.constant 0 : i32
      %dma_start3A_231 = tpu.memref_slice %arg3[%add3A, %dma_start3A_229, %dma_start3A_230] : memref<32x125x80xi32, #tpu.memory_space<hbm>> -> memref<1x125x80xi32, #tpu.memory_space<hbm>>
      %dma_start3A_232 = tpu.memref_squeeze %dma_start3A_231 : memref<1x125x80xi32, #tpu.memory_space<hbm>> -> memref<125x80xi32, #tpu.memory_space<hbm>>
      tpu.enqueue_dma source(%dma_start3A_232 : memref<125x80xi32, #tpu.memory_space<hbm>>) target(%arg7 : memref<125x80xi32, #tpu.memory_space<vmem>>) target_semaphore(%run_scoped3A : memref<!tpu.dma_semaphore, #tpu.memory_space<semaphore_mem>>)
      %dma_wait3A_233 = arith.constant 0 : i32
      %dma_wait3A_234 = arith.constant 0 : i32
      %dma_wait3A_235 = tpu.memref_slice %arg3[%add3A, %dma_wait3A_233, %dma_wait3A_234] : memref<32x125x80xi32, #tpu.memory_space<hbm>> -> memref<1x125x80xi32, #tpu.memory_space<hbm>>
      %dma_wait3A_236 = tpu.memref_squeeze %dma_wait3A_235 : memref<1x125x80xi32, #tpu.memory_space<hbm>> -> memref<125x80xi32, #tpu.memory_space<hbm>>
      %dma_wait3A_237 = arith.constant 0 : i32
      %dma_wait3A_238 = arith.constant 0 : i32
      %dma_wait3A_239 = tpu.memref_slice %arg3[%add3A, %dma_wait3A_237, %dma_wait3A_238] : memref<32x125x80xi32, #tpu.memory_space<hbm>> -> memref<1x125x80xi32, #tpu.memory_space<hbm>>
      %dma_wait3A_240 = tpu.memref_squeeze %dma_wait3A_239 : memref<1x125x80xi32, #tpu.memory_space<hbm>> -> memref<125x80xi32, #tpu.memory_space<hbm>>
      tpu.wait_dma2 semaphore(%run_scoped3A : memref<!tpu.dma_semaphore, #tpu.memory_space<semaphore_mem>>) src(%dma_wait3A_240 : memref<125x80xi32, #tpu.memory_space<hbm>>) dst(%arg7 : memref<125x80xi32, #tpu.memory_space<vmem>>)
      tpu.yield
    }) : () -> ()
    %dma_start3A_42 = arith.constant 0 : i32
    %dma_start3A_43 = arith.constant 0 : i32
    %dma_start3A_44 = arith.constant 0 : i32
    %dma_start3A_45 = arith.constant 0 : i32
    %dma_start3A_46 = arith.constant 0 : i32
    %dma_start3A_47 = tpu.memref_slice %arg9[%dma_start3A_43, %dma_start3A_45, %dma_start3A_46] : memref<8x80x64xf32, #tpu.memory_space<vmem>> -> memref<1x80x64xf32, #tpu.memory_space<vmem>>
    %dma_start3A_48 = tpu.memref_squeeze %dma_start3A_47 : memref<1x80x64xf32, #tpu.memory_space<vmem>> -> memref<80x64xf32, #tpu.memory_space<vmem>>
    %dma_start3A_49 = arith.constant 0 : i32
    %dma_start3A_50 = tpu.memref_slice %arg7[%dma_start3A_42, %dma_start3A_49] : memref<125x80xi32, #tpu.memory_space<vmem>> -> memref<1x80xi32, #tpu.memory_space<vmem>>
    %dma_start3A_51 = tpu.memref_squeeze %dma_start3A_50 : memref<1x80xi32, #tpu.memory_space<vmem>> -> memref<80xi32, #tpu.memory_space<vmem>>
    %dma_start3A_52 = arith.constant 0 : i32
    %dma_start3A_53 = arith.constant 0 : i32
    %dma_start3A_54 = tpu.memref_slice %arg2[%dma_start3A_52, %dma_start3A_53] : memref<10000x64xf32, #tpu.memory_space<hbm>> -> memref<10000x64xf32, #tpu.memory_space<hbm>>
    %dma_start3A_55 = tpu.memref_slice %arg11[%dma_start3A_44] : memref<11x!tpu.dma_semaphore, #tpu.memory_space<semaphore_mem>> -> memref<1x!tpu.dma_semaphore, #tpu.memory_space<semaphore_mem>>
    %dma_start3A_56 = tpu.memref_squeeze %dma_start3A_55 : memref<1x!tpu.dma_semaphore, #tpu.memory_space<semaphore_mem>> -> memref<!tpu.dma_semaphore, #tpu.memory_space<semaphore_mem>>
    tpu.enqueue_indirect_dma source(%dma_start3A_54 : memref<10000x64xf32, #tpu.memory_space<hbm>>) target(%dma_start3A_48 : memref<80x64xf32, #tpu.memory_space<vmem>>) offsets(%dma_start3A_51 : memref<80xi32, #tpu.memory_space<vmem>>) semaphore(%dma_start3A_56 : memref<!tpu.dma_semaphore, #tpu.memory_space<semaphore_mem>>)
    %dma_start3A_57 = arith.constant 1 : i32
    %dma_start3A_58 = arith.constant 1 : i32
    %dma_start3A_59 = arith.constant 1 : i32
    %dma_start3A_60 = arith.constant 0 : i32
    %dma_start3A_61 = arith.constant 0 : i32
    %dma_start3A_62 = tpu.memref_slice %arg9[%dma_start3A_58, %dma_start3A_60, %dma_start3A_61] : memref<8x80x64xf32, #tpu.memory_space<vmem>> -> memref<1x80x64xf32, #tpu.memory_space<vmem>>
    %dma_start3A_63 = tpu.memref_squeeze %dma_start3A_62 : memref<1x80x64xf32, #tpu.memory_space<vmem>> -> memref<80x64xf32, #tpu.memory_space<vmem>>
    %dma_start3A_64 = arith.constant 0 : i32
    %dma_start3A_65 = tpu.memref_slice %arg7[%dma_start3A_57, %dma_start3A_64] : memref<125x80xi32, #tpu.memory_space<vmem>> -> memref<1x80xi32, #tpu.memory_space<vmem>>
    %dma_start3A_66 = tpu.memref_squeeze %dma_start3A_65 : memref<1x80xi32, #tpu.memory_space<vmem>> -> memref<80xi32, #tpu.memory_space<vmem>>
    %dma_start3A_67 = arith.constant 0 : i32
    %dma_start3A_68 = arith.constant 0 : i32
    %dma_start3A_69 = tpu.memref_slice %arg2[%dma_start3A_67, %dma_start3A_68] : memref<10000x64xf32, #tpu.memory_space<hbm>> -> memref<10000x64xf32, #tpu.memory_space<hbm>>
    %dma_start3A_70 = tpu.memref_slice %arg11[%dma_start3A_59] : memref<11x!tpu.dma_semaphore, #tpu.memory_space<semaphore_mem>> -> memref<1x!tpu.dma_semaphore, #tpu.memory_space<semaphore_mem>>
    %dma_start3A_71 = tpu.memref_squeeze %dma_start3A_70 : memref<1x!tpu.dma_semaphore, #tpu.memory_space<semaphore_mem>> -> memref<!tpu.dma_semaphore, #tpu.memory_space<semaphore_mem>>
    tpu.enqueue_indirect_dma source(%dma_start3A_69 : memref<10000x64xf32, #tpu.memory_space<hbm>>) target(%dma_start3A_63 : memref<80x64xf32, #tpu.memory_space<vmem>>) offsets(%dma_start3A_66 : memref<80xi32, #tpu.memory_space<vmem>>) semaphore(%dma_start3A_71 : memref<!tpu.dma_semaphore, #tpu.memory_space<semaphore_mem>>)
    %dma_start3A_72 = arith.constant 2 : i32
    %dma_start3A_73 = arith.constant 2 : i32
    %dma_start3A_74 = arith.constant 2 : i32
    %dma_start3A_75 = arith.constant 0 : i32
    %dma_start3A_76 = arith.constant 0 : i32
    %dma_start3A_77 = tpu.memref_slice %arg9[%dma_start3A_73, %dma_start3A_75, %dma_start3A_76] : memref<8x80x64xf32, #tpu.memory_space<vmem>> -> memref<1x80x64xf32, #tpu.memory_space<vmem>>
    %dma_start3A_78 = tpu.memref_squeeze %dma_start3A_77 : memref<1x80x64xf32, #tpu.memory_space<vmem>> -> memref<80x64xf32, #tpu.memory_space<vmem>>
    %dma_start3A_79 = arith.constant 0 : i32
    %dma_start3A_80 = tpu.memref_slice %arg7[%dma_start3A_72, %dma_start3A_79] : memref<125x80xi32, #tpu.memory_space<vmem>> -> memref<1x80xi32, #tpu.memory_space<vmem>>
    %dma_start3A_81 = tpu.memref_squeeze %dma_start3A_80 : memref<1x80xi32, #tpu.memory_space<vmem>> -> memref<80xi32, #tpu.memory_space<vmem>>
    %dma_start3A_82 = arith.constant 0 : i32
    %dma_start3A_83 = arith.constant 0 : i32
    %dma_start3A_84 = tpu.memref_slice %arg2[%dma_start3A_82, %dma_start3A_83] : memref<10000x64xf32, #tpu.memory_space<hbm>> -> memref<10000x64xf32, #tpu.memory_space<hbm>>
    %dma_start3A_85 = tpu.memref_slice %arg11[%dma_start3A_74] : memref<11x!tpu.dma_semaphore, #tpu.memory_space<semaphore_mem>> -> memref<1x!tpu.dma_semaphore, #tpu.memory_space<semaphore_mem>>
    %dma_start3A_86 = tpu.memref_squeeze %dma_start3A_85 : memref<1x!tpu.dma_semaphore, #tpu.memory_space<semaphore_mem>> -> memref<!tpu.dma_semaphore, #tpu.memory_space<semaphore_mem>>
    tpu.enqueue_indirect_dma source(%dma_start3A_84 : memref<10000x64xf32, #tpu.memory_space<hbm>>) target(%dma_start3A_78 : memref<80x64xf32, #tpu.memory_space<vmem>>) offsets(%dma_start3A_81 : memref<80xi32, #tpu.memory_space<vmem>>) semaphore(%dma_start3A_86 : memref<!tpu.dma_semaphore, #tpu.memory_space<semaphore_mem>>)
    %dma_start3A_87 = arith.constant 3 : i32
    %dma_start3A_88 = arith.constant 3 : i32
    %dma_start3A_89 = arith.constant 3 : i32
    %dma_start3A_90 = arith.constant 0 : i32
    %dma_start3A_91 = arith.constant 0 : i32
    %dma_start3A_92 = tpu.memref_slice %arg9[%dma_start3A_88, %dma_start3A_90, %dma_start3A_91] : memref<8x80x64xf32, #tpu.memory_space<vmem>> -> memref<1x80x64xf32, #tpu.memory_space<vmem>>
    %dma_start3A_93 = tpu.memref_squeeze %dma_start3A_92 : memref<1x80x64xf32, #tpu.memory_space<vmem>> -> memref<80x64xf32, #tpu.memory_space<vmem>>
    %dma_start3A_94 = arith.constant 0 : i32
    %dma_start3A_95 = tpu.memref_slice %arg7[%dma_start3A_87, %dma_start3A_94] : memref<125x80xi32, #tpu.memory_space<vmem>> -> memref<1x80xi32, #tpu.memory_space<vmem>>
    %dma_start3A_96 = tpu.memref_squeeze %dma_start3A_95 : memref<1x80xi32, #tpu.memory_space<vmem>> -> memref<80xi32, #tpu.memory_space<vmem>>
    %dma_start3A_97 = arith.constant 0 : i32
    %dma_start3A_98 = arith.constant 0 : i32
    %dma_start3A_99 = tpu.memref_slice %arg2[%dma_start3A_97, %dma_start3A_98] : memref<10000x64xf32, #tpu.memory_space<hbm>> -> memref<10000x64xf32, #tpu.memory_space<hbm>>
    %dma_start3A_100 = tpu.memref_slice %arg11[%dma_start3A_89] : memref<11x!tpu.dma_semaphore, #tpu.memory_space<semaphore_mem>> -> memref<1x!tpu.dma_semaphore, #tpu.memory_space<semaphore_mem>>
    %dma_start3A_101 = tpu.memref_squeeze %dma_start3A_100 : memref<1x!tpu.dma_semaphore, #tpu.memory_space<semaphore_mem>> -> memref<!tpu.dma_semaphore, #tpu.memory_space<semaphore_mem>>
    tpu.enqueue_indirect_dma source(%dma_start3A_99 : memref<10000x64xf32, #tpu.memory_space<hbm>>) target(%dma_start3A_93 : memref<80x64xf32, #tpu.memory_space<vmem>>) offsets(%dma_start3A_96 : memref<80xi32, #tpu.memory_space<vmem>>) semaphore(%dma_start3A_101 : memref<!tpu.dma_semaphore, #tpu.memory_space<semaphore_mem>>)
    %eq3A_102 = arith.constant 0 : i32
    %eq3A_103 = arith.cmpi eq, %arg0, %eq3A_102 : i32
    %lt3A_104 = arith.constant 15 : i32
    %lt3A_105 = arith.cmpi slt, %arg1, %lt3A_104 : i32
    %and3A_106 = arith.andi %eq3A_103, %lt3A_105 : i1
    %convert_element_type3A_107 = arith.extui %and3A_106 : i1 to i32
    %cond3A_108 = arith.constant 0 : i32
    %cond3A_109 = arith.cmpi ne, %convert_element_type3A_107, %cond3A_108 : i32
    scf.if %cond3A_109 {
      %mul3A_225 = arith.constant 640 : i32
      %mul3A_226 = arith.muli %arg1, %mul3A_225 : i32
      %multiple_of3A = tpu.assume_multiple %mul3A_226, 8 : i32
      %dma_wait3A_227 = arith.constant 8 : i32
      %dma_wait3A_228 = tpu.memref_slice %arg11[%dma_wait3A_227] : memref<11x!tpu.dma_semaphore, #tpu.memory_space<semaphore_mem>> -> memref<1x!tpu.dma_semaphore, #tpu.memory_space<semaphore_mem>>
      %dma_wait3A_229 = tpu.memref_squeeze %dma_wait3A_228 : memref<1x!tpu.dma_semaphore, #tpu.memory_space<semaphore_mem>> -> memref<!tpu.dma_semaphore, #tpu.memory_space<semaphore_mem>>
      %dma_wait3A_230 = arith.constant 0 : i32
      %dma_wait3A_231 = tpu.memref_slice %arg10[%multiple_of3A, %dma_wait3A_230] : memref<10016x64xf32, #tpu.memory_space<vmem_shared>> -> memref<640x64xf32, #tpu.memory_space<vmem_shared>>
      %dma_wait3A_232 = arith.constant 0 : i32
      %dma_wait3A_233 = tpu.memref_slice %arg2[%multiple_of3A, %dma_wait3A_232] : memref<10000x64xf32, #tpu.memory_space<hbm>> -> memref<640x64xf32, #tpu.memory_space<hbm>>
      tpu.wait_dma2 semaphore(%dma_wait3A_229 : memref<!tpu.dma_semaphore, #tpu.memory_space<semaphore_mem>>) src(%dma_wait3A_233 : memref<640x64xf32, #tpu.memory_space<hbm>>) dst(%dma_wait3A_231 : memref<640x64xf32, #tpu.memory_space<vmem_shared>>)
    } else {
    }
    %eq3A_110 = arith.constant 0 : i32
    %eq3A_111 = arith.cmpi eq, %arg0, %eq3A_110 : i32
    %eq3A_112 = arith.constant 15 : i32
    %eq3A_113 = arith.cmpi eq, %arg1, %eq3A_112 : i32
    %and3A_114 = arith.andi %eq3A_111, %eq3A_113 : i1
    %convert_element_type3A_115 = arith.extui %and3A_114 : i1 to i32
    %cond3A_116 = arith.constant 0 : i32
    %cond3A_117 = arith.cmpi ne, %convert_element_type3A_115, %cond3A_116 : i32
    scf.if %cond3A_117 {
      %dma_wait3A_225 = arith.constant 8 : i32
      %dma_wait3A_226 = tpu.memref_slice %arg11[%dma_wait3A_225] : memref<11x!tpu.dma_semaphore, #tpu.memory_space<semaphore_mem>> -> memref<1x!tpu.dma_semaphore, #tpu.memory_space<semaphore_mem>>
      %dma_wait3A_227 = tpu.memref_squeeze %dma_wait3A_226 : memref<1x!tpu.dma_semaphore, #tpu.memory_space<semaphore_mem>> -> memref<!tpu.dma_semaphore, #tpu.memory_space<semaphore_mem>>
      %dma_wait3A_228 = arith.constant 9600 : i32
      %dma_wait3A_229 = arith.constant 0 : i32
      %dma_wait3A_230 = tpu.memref_slice %arg10[%dma_wait3A_228, %dma_wait3A_229] : memref<10016x64xf32, #tpu.memory_space<vmem_shared>> -> memref<400x64xf32, #tpu.memory_space<vmem_shared>>
      %dma_wait3A_231 = arith.constant 9600 : i32
      %dma_wait3A_232 = arith.constant 0 : i32
      %dma_wait3A_233 = tpu.memref_slice %arg2[%dma_wait3A_231, %dma_wait3A_232] : memref<10000x64xf32, #tpu.memory_space<hbm>> -> memref<400x64xf32, #tpu.memory_space<hbm>>
      tpu.wait_dma2 semaphore(%dma_wait3A_227 : memref<!tpu.dma_semaphore, #tpu.memory_space<semaphore_mem>>) src(%dma_wait3A_233 : memref<400x64xf32, #tpu.memory_space<hbm>>) dst(%dma_wait3A_230 : memref<400x64xf32, #tpu.memory_space<vmem_shared>>)
    } else {
    }
    %ne3A_118 = arith.constant 0 : i32
    %ne3A_119 = arith.cmpi ne, %arg0, %ne3A_118 : i32
    %lt3A_120 = arith.constant 15 : i32
    %lt3A_121 = arith.cmpi slt, %arg1, %lt3A_120 : i32
    %and3A_122 = arith.andi %ne3A_119, %lt3A_121 : i1
    %convert_element_type3A_123 = arith.extui %and3A_122 : i1 to i32
    %cond3A_124 = arith.constant 0 : i32
    %cond3A_125 = arith.cmpi ne, %convert_element_type3A_123, %cond3A_124 : i32
    scf.if %cond3A_125 {
      %mul3A_225 = arith.constant 640 : i32
      %mul3A_226 = arith.muli %arg1, %mul3A_225 : i32
      %multiple_of3A = tpu.assume_multiple %mul3A_226, 8 : i32
      %dma_wait3A_227 = arith.constant 8 : i32
      %dma_wait3A_228 = tpu.memref_slice %arg11[%dma_wait3A_227] : memref<11x!tpu.dma_semaphore, #tpu.memory_space<semaphore_mem>> -> memref<1x!tpu.dma_semaphore, #tpu.memory_space<semaphore_mem>>
      %dma_wait3A_229 = tpu.memref_squeeze %dma_wait3A_228 : memref<1x!tpu.dma_semaphore, #tpu.memory_space<semaphore_mem>> -> memref<!tpu.dma_semaphore, #tpu.memory_space<semaphore_mem>>
      %dma_wait3A_230 = arith.constant 0 : i32
      %dma_wait3A_231 = tpu.memref_slice %arg10[%multiple_of3A, %dma_wait3A_230] : memref<10016x64xf32, #tpu.memory_space<vmem_shared>> -> memref<640x64xf32, #tpu.memory_space<vmem_shared>>
      tpu.wait_dma2 semaphore(%dma_wait3A_229 : memref<!tpu.dma_semaphore, #tpu.memory_space<semaphore_mem>>) src(%arg5 : memref<640x64xf32, #tpu.memory_space<hbm>>) dst(%dma_wait3A_231 : memref<640x64xf32, #tpu.memory_space<vmem_shared>>)
    } else {
    }
    %ne3A_126 = arith.constant 0 : i32
    %ne3A_127 = arith.cmpi ne, %arg0, %ne3A_126 : i32
    %eq3A_128 = arith.constant 15 : i32
    %eq3A_129 = arith.cmpi eq, %arg1, %eq3A_128 : i32
    %and3A_130 = arith.andi %ne3A_127, %eq3A_129 : i1
    %convert_element_type3A_131 = arith.extui %and3A_130 : i1 to i32
    %cond3A_132 = arith.constant 0 : i32
    %cond3A_133 = arith.cmpi ne, %convert_element_type3A_131, %cond3A_132 : i32
    scf.if %cond3A_133 {
      %dma_wait3A_225 = arith.constant 8 : i32
      %dma_wait3A_226 = tpu.memref_slice %arg11[%dma_wait3A_225] : memref<11x!tpu.dma_semaphore, #tpu.memory_space<semaphore_mem>> -> memref<1x!tpu.dma_semaphore, #tpu.memory_space<semaphore_mem>>
      %dma_wait3A_227 = tpu.memref_squeeze %dma_wait3A_226 : memref<1x!tpu.dma_semaphore, #tpu.memory_space<semaphore_mem>> -> memref<!tpu.dma_semaphore, #tpu.memory_space<semaphore_mem>>
      %dma_wait3A_228 = arith.constant 9600 : i32
      %dma_wait3A_229 = arith.constant 0 : i32
      %dma_wait3A_230 = tpu.memref_slice %arg10[%dma_wait3A_228, %dma_wait3A_229] : memref<10016x64xf32, #tpu.memory_space<vmem_shared>> -> memref<400x64xf32, #tpu.memory_space<vmem_shared>>
      %dma_wait3A_231 = arith.constant 0 : i32
      %dma_wait3A_232 = arith.constant 0 : i32
      %dma_wait3A_233 = tpu.memref_slice %arg5[%dma_wait3A_231, %dma_wait3A_232] : memref<640x64xf32, #tpu.memory_space<hbm>> -> memref<400x64xf32, #tpu.memory_space<hbm>>
      tpu.wait_dma2 semaphore(%dma_wait3A_227 : memref<!tpu.dma_semaphore, #tpu.memory_space<semaphore_mem>>) src(%dma_wait3A_233 : memref<400x64xf32, #tpu.memory_space<hbm>>) dst(%dma_wait3A_230 : memref<400x64xf32, #tpu.memory_space<vmem_shared>>)
    } else {
    }
    %eq3A_134 = arith.constant 15 : i32
    %eq3A_135 = arith.cmpi eq, %arg1, %eq3A_134 : i32
    %convert_element_type3A_136 = arith.extui %eq3A_135 : i1 to i32
    %cond3A_137 = arith.constant 0 : i32
    %cond3A_138 = arith.cmpi ne, %convert_element_type3A_136, %cond3A_137 : i32
    scf.if %cond3A_138 {
      %dma_wait3A_225 = arith.constant 10 : i32
      %dma_wait3A_226 = tpu.memref_slice %arg11[%dma_wait3A_225] : memref<11x!tpu.dma_semaphore, #tpu.memory_space<semaphore_mem>> -> memref<1x!tpu.dma_semaphore, #tpu.memory_space<semaphore_mem>>
      %dma_wait3A_227 = tpu.memref_squeeze %dma_wait3A_226 : memref<1x!tpu.dma_semaphore, #tpu.memory_space<semaphore_mem>> -> memref<!tpu.dma_semaphore, #tpu.memory_space<semaphore_mem>>
      %dma_wait3A_228 = arith.constant 10000 : i32
      %dma_wait3A_229 = arith.constant 0 : i32
      %dma_wait3A_230 = tpu.memref_slice %arg10[%dma_wait3A_228, %dma_wait3A_229] : memref<10016x64xf32, #tpu.memory_space<vmem_shared>> -> memref<16x64xf32, #tpu.memory_space<vmem_shared>>
      %dma_wait3A_231 = arith.constant 0 : i32
      %dma_wait3A_232 = arith.constant 0 : i32
      %dma_wait3A_233 = tpu.memref_slice %arg5[%dma_wait3A_231, %dma_wait3A_232] : memref<640x64xf32, #tpu.memory_space<hbm>> -> memref<16x64xf32, #tpu.memory_space<hbm>>
      tpu.wait_dma2 semaphore(%dma_wait3A_227 : memref<!tpu.dma_semaphore, #tpu.memory_space<semaphore_mem>>) src(%dma_wait3A_233 : memref<16x64xf32, #tpu.memory_space<hbm>>) dst(%dma_wait3A_230 : memref<16x64xf32, #tpu.memory_space<vmem_shared>>)
    } else {
    }
    %dma_wait3A = arith.constant 9 : i32
    %dma_wait3A_139 = arith.constant 0 : i32
    %dma_wait3A_140 = arith.constant 0 : i32
    %dma_wait3A_141 = tpu.memref_slice %arg4[%add3A, %dma_wait3A_139, %dma_wait3A_140] : memref<32x125x80xi32, #tpu.memory_space<hbm>> -> memref<1x125x80xi32, #tpu.memory_space<hbm>>
    %dma_wait3A_142 = tpu.memref_squeeze %dma_wait3A_141 : memref<1x125x80xi32, #tpu.memory_space<hbm>> -> memref<125x80xi32, #tpu.memory_space<hbm>>
    %dma_wait3A_143 = tpu.memref_slice %arg11[%dma_wait3A] : memref<11x!tpu.dma_semaphore, #tpu.memory_space<semaphore_mem>> -> memref<1x!tpu.dma_semaphore, #tpu.memory_space<semaphore_mem>>
    %dma_wait3A_144 = tpu.memref_squeeze %dma_wait3A_143 : memref<1x!tpu.dma_semaphore, #tpu.memory_space<semaphore_mem>> -> memref<!tpu.dma_semaphore, #tpu.memory_space<semaphore_mem>>
    %dma_wait3A_145 = arith.constant 0 : i32
    %dma_wait3A_146 = arith.constant 0 : i32
    %dma_wait3A_147 = tpu.memref_slice %arg4[%add3A, %dma_wait3A_145, %dma_wait3A_146] : memref<32x125x80xi32, #tpu.memory_space<hbm>> -> memref<1x125x80xi32, #tpu.memory_space<hbm>>
    %dma_wait3A_148 = tpu.memref_squeeze %dma_wait3A_147 : memref<1x125x80xi32, #tpu.memory_space<hbm>> -> memref<125x80xi32, #tpu.memory_space<hbm>>
    tpu.wait_dma2 semaphore(%dma_wait3A_144 : memref<!tpu.dma_semaphore, #tpu.memory_space<semaphore_mem>>) src(%dma_wait3A_148 : memref<125x80xi32, #tpu.memory_space<hbm>>) dst(%arg8 : memref<125x80xi32, #tpu.memory_space<vmem>>)
    %barrier3A = arith.constant 0 : index
    tpu.barrier barrier_id(%barrier3A)
    %scan3A = arith.constant 0 : i32
    %scan3A_149 = arith.constant 0 : i32
    %scan3A_150 = arith.constant 125 : i32
    %scan3A_151 = arith.addi %scan3A_149, %scan3A_150 : i32
    %scan3A_152 = arith.constant 1 : i32
    scf.for %scan3A_225 = %scan3A_149 to %scan3A_151 step %scan3A_152  : i32 {
      %rem3A = arith.constant 8 : i32
      %rem3A_226 = arith.remsi %scan3A_225, %rem3A : i32
      %add3A_227 = arith.constant 4 : i32
      %add3A_228 = arith.addi %scan3A_225, %add3A_227 : i32
      %rem3A_229 = arith.constant 8 : i32
      %rem3A_230 = arith.remsi %add3A_228, %rem3A_229 : i32
      %dma_wait3A_231 = arith.constant 0 : i32
      %dma_wait3A_232 = arith.constant 0 : i32
      %dma_wait3A_233 = arith.constant 0 : i32
      %dma_wait3A_234 = tpu.memref_slice %arg9[%rem3A_226, %dma_wait3A_232, %dma_wait3A_233] : memref<8x80x64xf32, #tpu.memory_space<vmem>> -> memref<1x80x64xf32, #tpu.memory_space<vmem>>
      %dma_wait3A_235 = tpu.memref_squeeze %dma_wait3A_234 : memref<1x80x64xf32, #tpu.memory_space<vmem>> -> memref<80x64xf32, #tpu.memory_space<vmem>>
      %dma_wait3A_236 = arith.constant 0 : i32
      %dma_wait3A_237 = tpu.memref_slice %arg7[%dma_wait3A_231, %dma_wait3A_236] : memref<125x80xi32, #tpu.memory_space<vmem>> -> memref<1x80xi32, #tpu.memory_space<vmem>>
      %dma_wait3A_238 = tpu.memref_squeeze %dma_wait3A_237 : memref<1x80xi32, #tpu.memory_space<vmem>> -> memref<80xi32, #tpu.memory_space<vmem>>
      %dma_wait3A_239 = arith.constant 0 : i32
      %dma_wait3A_240 = arith.constant 0 : i32
      %dma_wait3A_241 = tpu.memref_slice %arg2[%dma_wait3A_239, %dma_wait3A_240] : memref<10000x64xf32, #tpu.memory_space<hbm>> -> memref<10000x64xf32, #tpu.memory_space<hbm>>
      %dma_wait3A_242 = tpu.memref_slice %arg11[%rem3A_226] : memref<11x!tpu.dma_semaphore, #tpu.memory_space<semaphore_mem>> -> memref<1x!tpu.dma_semaphore, #tpu.memory_space<semaphore_mem>>
      %dma_wait3A_243 = tpu.memref_squeeze %dma_wait3A_242 : memref<1x!tpu.dma_semaphore, #tpu.memory_space<semaphore_mem>> -> memref<!tpu.dma_semaphore, #tpu.memory_space<semaphore_mem>>
      tpu.wait_indirect_dma semaphore(%dma_wait3A_243 : memref<!tpu.dma_semaphore, #tpu.memory_space<semaphore_mem>>) src(%dma_wait3A_241 : memref<10000x64xf32, #tpu.memory_space<hbm>>) dst(%dma_wait3A_235 : memref<80x64xf32, #tpu.memory_space<vmem>>)
      %dma_start3A_244 = arith.constant 0 : i32
      %dma_start3A_245 = arith.constant 0 : i32
      %dma_start3A_246 = tpu.memref_slice %arg9[%rem3A_226, %dma_start3A_244, %dma_start3A_245] : memref<8x80x64xf32, #tpu.memory_space<vmem>> -> memref<1x80x64xf32, #tpu.memory_space<vmem>>
      %dma_start3A_247 = tpu.memref_squeeze %dma_start3A_246 : memref<1x80x64xf32, #tpu.memory_space<vmem>> -> memref<80x64xf32, #tpu.memory_space<vmem>>
      %dma_start3A_248 = arith.constant 0 : i32
      %dma_start3A_249 = tpu.memref_slice %arg8[%scan3A_225, %dma_start3A_248] : memref<125x80xi32, #tpu.memory_space<vmem>> -> memref<1x80xi32, #tpu.memory_space<vmem>>
      %dma_start3A_250 = tpu.memref_squeeze %dma_start3A_249 : memref<1x80xi32, #tpu.memory_space<vmem>> -> memref<80xi32, #tpu.memory_space<vmem>>
      %dma_start3A_251 = arith.constant 0 : i32
      %dma_start3A_252 = arith.constant 0 : i32
      %dma_start3A_253 = tpu.memref_slice %arg10[%dma_start3A_251, %dma_start3A_252] : memref<10016x64xf32, #tpu.memory_space<vmem_shared>> -> memref<10016x64xf32, #tpu.memory_space<vmem_shared>>
      %dma_start3A_254 = tpu.memref_slice %arg11[%rem3A_226] : memref<11x!tpu.dma_semaphore, #tpu.memory_space<semaphore_mem>> -> memref<1x!tpu.dma_semaphore, #tpu.memory_space<semaphore_mem>>
      %dma_start3A_255 = tpu.memref_squeeze %dma_start3A_254 : memref<1x!tpu.dma_semaphore, #tpu.memory_space<semaphore_mem>> -> memref<!tpu.dma_semaphore, #tpu.memory_space<semaphore_mem>>
      tpu.enqueue_indirect_dma source(%dma_start3A_247 : memref<80x64xf32, #tpu.memory_space<vmem>>) target(%dma_start3A_253 : memref<10016x64xf32, #tpu.memory_space<vmem_shared>>) offsets(%dma_start3A_250 : memref<80xi32, #tpu.memory_space<vmem>>) semaphore(%dma_start3A_255 : memref<!tpu.dma_semaphore, #tpu.memory_space<semaphore_mem>>) {add = true}
      %ge3A = arith.constant 4 : i32
      %ge3A_256 = arith.cmpi sge, %scan3A_225, %ge3A : i32
      %convert_element_type3A_257 = arith.extui %ge3A_256 : i1 to i32
      %cond3A_258 = arith.constant 0 : i32
      %cond3A_259 = arith.cmpi ne, %convert_element_type3A_257, %cond3A_258 : i32
      scf.if %cond3A_259 {
        %dma_wait3A_267 = arith.constant 0 : i32
        %dma_wait3A_268 = arith.constant 0 : i32
        %dma_wait3A_269 = arith.constant 0 : i32
        %dma_wait3A_270 = tpu.memref_slice %arg9[%rem3A_230, %dma_wait3A_268, %dma_wait3A_269] : memref<8x80x64xf32, #tpu.memory_space<vmem>> -> memref<1x80x64xf32, #tpu.memory_space<vmem>>
        %dma_wait3A_271 = tpu.memref_squeeze %dma_wait3A_270 : memref<1x80x64xf32, #tpu.memory_space<vmem>> -> memref<80x64xf32, #tpu.memory_space<vmem>>
        %dma_wait3A_272 = arith.constant 0 : i32
        %dma_wait3A_273 = tpu.memref_slice %arg8[%dma_wait3A_267, %dma_wait3A_272] : memref<125x80xi32, #tpu.memory_space<vmem>> -> memref<1x80xi32, #tpu.memory_space<vmem>>
        %dma_wait3A_274 = tpu.memref_squeeze %dma_wait3A_273 : memref<1x80xi32, #tpu.memory_space<vmem>> -> memref<80xi32, #tpu.memory_space<vmem>>
        %dma_wait3A_275 = arith.constant 0 : i32
        %dma_wait3A_276 = arith.constant 0 : i32
        %dma_wait3A_277 = tpu.memref_slice %arg10[%dma_wait3A_275, %dma_wait3A_276] : memref<10016x64xf32, #tpu.memory_space<vmem_shared>> -> memref<10016x64xf32, #tpu.memory_space<vmem_shared>>
        %dma_wait3A_278 = tpu.memref_slice %arg11[%rem3A_230] : memref<11x!tpu.dma_semaphore, #tpu.memory_space<semaphore_mem>> -> memref<1x!tpu.dma_semaphore, #tpu.memory_space<semaphore_mem>>
        %dma_wait3A_279 = tpu.memref_squeeze %dma_wait3A_278 : memref<1x!tpu.dma_semaphore, #tpu.memory_space<semaphore_mem>> -> memref<!tpu.dma_semaphore, #tpu.memory_space<semaphore_mem>>
        tpu.wait_indirect_dma semaphore(%dma_wait3A_279 : memref<!tpu.dma_semaphore, #tpu.memory_space<semaphore_mem>>) src(%dma_wait3A_271 : memref<80x64xf32, #tpu.memory_space<vmem>>) dst(%dma_wait3A_277 : memref<10016x64xf32, #tpu.memory_space<vmem_shared>>)
      } else {
      }
      %add3A_260 = arith.constant 4 : i32
      %add3A_261 = arith.addi %scan3A_225, %add3A_260 : i32
      %lt3A_262 = arith.constant 125 : i32
      %lt3A_263 = arith.cmpi slt, %add3A_261, %lt3A_262 : i32
      %convert_element_type3A_264 = arith.extui %lt3A_263 : i1 to i32
      %cond3A_265 = arith.constant 0 : i32
      %cond3A_266 = arith.cmpi ne, %convert_element_type3A_264, %cond3A_265 : i32
      scf.if %cond3A_266 {
        %add3A_267 = arith.constant 4 : i32
        %add3A_268 = arith.addi %scan3A_225, %add3A_267 : i32
        %dma_start3A_269 = arith.constant 0 : i32
        %dma_start3A_270 = arith.constant 0 : i32
        %dma_start3A_271 = tpu.memref_slice %arg9[%rem3A_230, %dma_start3A_269, %dma_start3A_270] : memref<8x80x64xf32, #tpu.memory_space<vmem>> -> memref<1x80x64xf32, #tpu.memory_space<vmem>>
        %dma_start3A_272 = tpu.memref_squeeze %dma_start3A_271 : memref<1x80x64xf32, #tpu.memory_space<vmem>> -> memref<80x64xf32, #tpu.memory_space<vmem>>
        %dma_start3A_273 = arith.constant 0 : i32
        %dma_start3A_274 = tpu.memref_slice %arg7[%add3A_268, %dma_start3A_273] : memref<125x80xi32, #tpu.memory_space<vmem>> -> memref<1x80xi32, #tpu.memory_space<vmem>>
        %dma_start3A_275 = tpu.memref_squeeze %dma_start3A_274 : memref<1x80xi32, #tpu.memory_space<vmem>> -> memref<80xi32, #tpu.memory_space<vmem>>
        %dma_start3A_276 = arith.constant 0 : i32
        %dma_start3A_277 = arith.constant 0 : i32
        %dma_start3A_278 = tpu.memref_slice %arg2[%dma_start3A_276, %dma_start3A_277] : memref<10000x64xf32, #tpu.memory_space<hbm>> -> memref<10000x64xf32, #tpu.memory_space<hbm>>
        %dma_start3A_279 = tpu.memref_slice %arg11[%rem3A_230] : memref<11x!tpu.dma_semaphore, #tpu.memory_space<semaphore_mem>> -> memref<1x!tpu.dma_semaphore, #tpu.memory_space<semaphore_mem>>
        %dma_start3A_280 = tpu.memref_squeeze %dma_start3A_279 : memref<1x!tpu.dma_semaphore, #tpu.memory_space<semaphore_mem>> -> memref<!tpu.dma_semaphore, #tpu.memory_space<semaphore_mem>>
        tpu.enqueue_indirect_dma source(%dma_start3A_278 : memref<10000x64xf32, #tpu.memory_space<hbm>>) target(%dma_start3A_272 : memref<80x64xf32, #tpu.memory_space<vmem>>) offsets(%dma_start3A_275 : memref<80xi32, #tpu.memory_space<vmem>>) semaphore(%dma_start3A_280 : memref<!tpu.dma_semaphore, #tpu.memory_space<semaphore_mem>>)
      } else {
      }
    }
    %scan3A_153 = arith.constant 125 : i32
    %dma_wait3A_154 = arith.constant 1 : i32
    %dma_wait3A_155 = arith.constant 0 : i32
    %dma_wait3A_156 = arith.constant 1 : i32
    %dma_wait3A_157 = arith.constant 0 : i32
    %dma_wait3A_158 = arith.constant 0 : i32
    %dma_wait3A_159 = tpu.memref_slice %arg9[%dma_wait3A_154, %dma_wait3A_157, %dma_wait3A_158] : memref<8x80x64xf32, #tpu.memory_space<vmem>> -> memref<1x80x64xf32, #tpu.memory_space<vmem>>
    %dma_wait3A_160 = tpu.memref_squeeze %dma_wait3A_159 : memref<1x80x64xf32, #tpu.memory_space<vmem>> -> memref<80x64xf32, #tpu.memory_space<vmem>>
    %dma_wait3A_161 = arith.constant 0 : i32
    %dma_wait3A_162 = tpu.memref_slice %arg8[%dma_wait3A_155, %dma_wait3A_161] : memref<125x80xi32, #tpu.memory_space<vmem>> -> memref<1x80xi32, #tpu.memory_space<vmem>>
    %dma_wait3A_163 = tpu.memref_squeeze %dma_wait3A_162 : memref<1x80xi32, #tpu.memory_space<vmem>> -> memref<80xi32, #tpu.memory_space<vmem>>
    %dma_wait3A_164 = arith.constant 0 : i32
    %dma_wait3A_165 = arith.constant 0 : i32
    %dma_wait3A_166 = tpu.memref_slice %arg10[%dma_wait3A_164, %dma_wait3A_165] : memref<10016x64xf32, #tpu.memory_space<vmem_shared>> -> memref<10016x64xf32, #tpu.memory_space<vmem_shared>>
    %dma_wait3A_167 = tpu.memref_slice %arg11[%dma_wait3A_156] : memref<11x!tpu.dma_semaphore, #tpu.memory_space<semaphore_mem>> -> memref<1x!tpu.dma_semaphore, #tpu.memory_space<semaphore_mem>>
    %dma_wait3A_168 = tpu.memref_squeeze %dma_wait3A_167 : memref<1x!tpu.dma_semaphore, #tpu.memory_space<semaphore_mem>> -> memref<!tpu.dma_semaphore, #tpu.memory_space<semaphore_mem>>
    tpu.wait_indirect_dma semaphore(%dma_wait3A_168 : memref<!tpu.dma_semaphore, #tpu.memory_space<semaphore_mem>>) src(%dma_wait3A_160 : memref<80x64xf32, #tpu.memory_space<vmem>>) dst(%dma_wait3A_166 : memref<10016x64xf32, #tpu.memory_space<vmem_shared>>)
    %dma_wait3A_169 = arith.constant 2 : i32
    %dma_wait3A_170 = arith.constant 0 : i32
    %dma_wait3A_171 = arith.constant 2 : i32
    %dma_wait3A_172 = arith.constant 0 : i32
    %dma_wait3A_173 = arith.constant 0 : i32
    %dma_wait3A_174 = tpu.memref_slice %arg9[%dma_wait3A_169, %dma_wait3A_172, %dma_wait3A_173] : memref<8x80x64xf32, #tpu.memory_space<vmem>> -> memref<1x80x64xf32, #tpu.memory_space<vmem>>
    %dma_wait3A_175 = tpu.memref_squeeze %dma_wait3A_174 : memref<1x80x64xf32, #tpu.memory_space<vmem>> -> memref<80x64xf32, #tpu.memory_space<vmem>>
    %dma_wait3A_176 = arith.constant 0 : i32
    %dma_wait3A_177 = tpu.memref_slice %arg8[%dma_wait3A_170, %dma_wait3A_176] : memref<125x80xi32, #tpu.memory_space<vmem>> -> memref<1x80xi32, #tpu.memory_space<vmem>>
    %dma_wait3A_178 = tpu.memref_squeeze %dma_wait3A_177 : memref<1x80xi32, #tpu.memory_space<vmem>> -> memref<80xi32, #tpu.memory_space<vmem>>
    %dma_wait3A_179 = arith.constant 0 : i32
    %dma_wait3A_180 = arith.constant 0 : i32
    %dma_wait3A_181 = tpu.memref_slice %arg10[%dma_wait3A_179, %dma_wait3A_180] : memref<10016x64xf32, #tpu.memory_space<vmem_shared>> -> memref<10016x64xf32, #tpu.memory_space<vmem_shared>>
    %dma_wait3A_182 = tpu.memref_slice %arg11[%dma_wait3A_171] : memref<11x!tpu.dma_semaphore, #tpu.memory_space<semaphore_mem>> -> memref<1x!tpu.dma_semaphore, #tpu.memory_space<semaphore_mem>>
    %dma_wait3A_183 = tpu.memref_squeeze %dma_wait3A_182 : memref<1x!tpu.dma_semaphore, #tpu.memory_space<semaphore_mem>> -> memref<!tpu.dma_semaphore, #tpu.memory_space<semaphore_mem>>
    tpu.wait_indirect_dma semaphore(%dma_wait3A_183 : memref<!tpu.dma_semaphore, #tpu.memory_space<semaphore_mem>>) src(%dma_wait3A_175 : memref<80x64xf32, #tpu.memory_space<vmem>>) dst(%dma_wait3A_181 : memref<10016x64xf32, #tpu.memory_space<vmem_shared>>)
    %dma_wait3A_184 = arith.constant 3 : i32
    %dma_wait3A_185 = arith.constant 0 : i32
    %dma_wait3A_186 = arith.constant 3 : i32
    %dma_wait3A_187 = arith.constant 0 : i32
    %dma_wait3A_188 = arith.constant 0 : i32
    %dma_wait3A_189 = tpu.memref_slice %arg9[%dma_wait3A_184, %dma_wait3A_187, %dma_wait3A_188] : memref<8x80x64xf32, #tpu.memory_space<vmem>> -> memref<1x80x64xf32, #tpu.memory_space<vmem>>
    %dma_wait3A_190 = tpu.memref_squeeze %dma_wait3A_189 : memref<1x80x64xf32, #tpu.memory_space<vmem>> -> memref<80x64xf32, #tpu.memory_space<vmem>>
    %dma_wait3A_191 = arith.constant 0 : i32
    %dma_wait3A_192 = tpu.memref_slice %arg8[%dma_wait3A_185, %dma_wait3A_191] : memref<125x80xi32, #tpu.memory_space<vmem>> -> memref<1x80xi32, #tpu.memory_space<vmem>>
    %dma_wait3A_193 = tpu.memref_squeeze %dma_wait3A_192 : memref<1x80xi32, #tpu.memory_space<vmem>> -> memref<80xi32, #tpu.memory_space<vmem>>
    %dma_wait3A_194 = arith.constant 0 : i32
    %dma_wait3A_195 = arith.constant 0 : i32
    %dma_wait3A_196 = tpu.memref_slice %arg10[%dma_wait3A_194, %dma_wait3A_195] : memref<10016x64xf32, #tpu.memory_space<vmem_shared>> -> memref<10016x64xf32, #tpu.memory_space<vmem_shared>>
    %dma_wait3A_197 = tpu.memref_slice %arg11[%dma_wait3A_186] : memref<11x!tpu.dma_semaphore, #tpu.memory_space<semaphore_mem>> -> memref<1x!tpu.dma_semaphore, #tpu.memory_space<semaphore_mem>>
    %dma_wait3A_198 = tpu.memref_squeeze %dma_wait3A_197 : memref<1x!tpu.dma_semaphore, #tpu.memory_space<semaphore_mem>> -> memref<!tpu.dma_semaphore, #tpu.memory_space<semaphore_mem>>
    tpu.wait_indirect_dma semaphore(%dma_wait3A_198 : memref<!tpu.dma_semaphore, #tpu.memory_space<semaphore_mem>>) src(%dma_wait3A_190 : memref<80x64xf32, #tpu.memory_space<vmem>>) dst(%dma_wait3A_196 : memref<10016x64xf32, #tpu.memory_space<vmem_shared>>)
    %dma_wait3A_199 = arith.constant 4 : i32
    %dma_wait3A_200 = arith.constant 0 : i32
    %dma_wait3A_201 = arith.constant 4 : i32
    %dma_wait3A_202 = arith.constant 0 : i32
    %dma_wait3A_203 = arith.constant 0 : i32
    %dma_wait3A_204 = tpu.memref_slice %arg9[%dma_wait3A_199, %dma_wait3A_202, %dma_wait3A_203] : memref<8x80x64xf32, #tpu.memory_space<vmem>> -> memref<1x80x64xf32, #tpu.memory_space<vmem>>
    %dma_wait3A_205 = tpu.memref_squeeze %dma_wait3A_204 : memref<1x80x64xf32, #tpu.memory_space<vmem>> -> memref<80x64xf32, #tpu.memory_space<vmem>>
    %dma_wait3A_206 = arith.constant 0 : i32
    %dma_wait3A_207 = tpu.memref_slice %arg8[%dma_wait3A_200, %dma_wait3A_206] : memref<125x80xi32, #tpu.memory_space<vmem>> -> memref<1x80xi32, #tpu.memory_space<vmem>>
    %dma_wait3A_208 = tpu.memref_squeeze %dma_wait3A_207 : memref<1x80xi32, #tpu.memory_space<vmem>> -> memref<80xi32, #tpu.memory_space<vmem>>
    %dma_wait3A_209 = arith.constant 0 : i32
    %dma_wait3A_210 = arith.constant 0 : i32
    %dma_wait3A_211 = tpu.memref_slice %arg10[%dma_wait3A_209, %dma_wait3A_210] : memref<10016x64xf32, #tpu.memory_space<vmem_shared>> -> memref<10016x64xf32, #tpu.memory_space<vmem_shared>>
    %dma_wait3A_212 = tpu.memref_slice %arg11[%dma_wait3A_201] : memref<11x!tpu.dma_semaphore, #tpu.memory_space<semaphore_mem>> -> memref<1x!tpu.dma_semaphore, #tpu.memory_space<semaphore_mem>>
    %dma_wait3A_213 = tpu.memref_squeeze %dma_wait3A_212 : memref<1x!tpu.dma_semaphore, #tpu.memory_space<semaphore_mem>> -> memref<!tpu.dma_semaphore, #tpu.memory_space<semaphore_mem>>
    tpu.wait_indirect_dma semaphore(%dma_wait3A_213 : memref<!tpu.dma_semaphore, #tpu.memory_space<semaphore_mem>>) src(%dma_wait3A_205 : memref<80x64xf32, #tpu.memory_space<vmem>>) dst(%dma_wait3A_211 : memref<10016x64xf32, #tpu.memory_space<vmem_shared>>)
    %barrier3A_214 = arith.constant 0 : index
    tpu.barrier barrier_id(%barrier3A_214)
    %lt3A_215 = arith.constant 15 : i32
    %lt3A_216 = arith.cmpi slt, %arg1, %lt3A_215 : i32
    %convert_element_type3A_217 = arith.extui %lt3A_216 : i1 to i32
    %cond3A_218 = arith.constant 0 : i32
    %cond3A_219 = arith.cmpi ne, %convert_element_type3A_217, %cond3A_218 : i32
    scf.if %cond3A_219 {
      %mul3A_225 = arith.constant 640 : i32
      %mul3A_226 = arith.muli %arg1, %mul3A_225 : i32
      %multiple_of3A = tpu.assume_multiple %mul3A_226, 8 : i32
      "tpu.region"() ({
        %run_scoped3A = tpu.sem_alloc : memref<!tpu.dma_semaphore, #tpu.memory_space<semaphore_mem>>
        %dma_start3A_227 = arith.constant 0 : i32
        %dma_start3A_228 = tpu.memref_slice %arg6[%arg0, %multiple_of3A, %dma_start3A_227] : memref<2x10000x64xf32, #tpu.memory_space<hbm>> -> memref<1x640x64xf32, #tpu.memory_space<hbm>>
        %dma_start3A_229 = tpu.memref_squeeze %dma_start3A_228 : memref<1x640x64xf32, #tpu.memory_space<hbm>> -> memref<640x64xf32, #tpu.memory_space<hbm>>
        %dma_start3A_230 = arith.constant 0 : i32
        %dma_start3A_231 = tpu.memref_slice %arg10[%multiple_of3A, %dma_start3A_230] : memref<10016x64xf32, #tpu.memory_space<vmem_shared>> -> memref<640x64xf32, #tpu.memory_space<vmem_shared>>
        tpu.enqueue_dma source(%dma_start3A_231 : memref<640x64xf32, #tpu.memory_space<vmem_shared>>) target(%dma_start3A_229 : memref<640x64xf32, #tpu.memory_space<hbm>>) target_semaphore(%run_scoped3A : memref<!tpu.dma_semaphore, #tpu.memory_space<semaphore_mem>>)
        %dma_wait3A_232 = arith.constant 0 : i32
        %dma_wait3A_233 = tpu.memref_slice %arg6[%arg0, %multiple_of3A, %dma_wait3A_232] : memref<2x10000x64xf32, #tpu.memory_space<hbm>> -> memref<1x640x64xf32, #tpu.memory_space<hbm>>
        %dma_wait3A_234 = tpu.memref_squeeze %dma_wait3A_233 : memref<1x640x64xf32, #tpu.memory_space<hbm>> -> memref<640x64xf32, #tpu.memory_space<hbm>>
        %dma_wait3A_235 = arith.constant 0 : i32
        %dma_wait3A_236 = tpu.memref_slice %arg10[%multiple_of3A, %dma_wait3A_235] : memref<10016x64xf32, #tpu.memory_space<vmem_shared>> -> memref<640x64xf32, #tpu.memory_space<vmem_shared>>
        tpu.wait_dma2 semaphore(%run_scoped3A : memref<!tpu.dma_semaphore, #tpu.memory_space<semaphore_mem>>) src(%dma_wait3A_236 : memref<640x64xf32, #tpu.memory_space<vmem_shared>>) dst(%dma_wait3A_234 : memref<640x64xf32, #tpu.memory_space<hbm>>)
        tpu.yield
      }) : () -> ()
    } else {
    }
    %eq3A_220 = arith.constant 15 : i32
    %eq3A_221 = arith.cmpi eq, %arg1, %eq3A_220 : i32
    %convert_element_type3A_222 = arith.extui %eq3A_221 : i1 to i32
    %cond3A_223 = arith.constant 0 : i32
    %cond3A_224 = arith.cmpi ne, %convert_element_type3A_222, %cond3A_223 : i32
    scf.if %cond3A_224 {
      "tpu.region"() ({
        %run_scoped3A = tpu.sem_alloc : memref<!tpu.dma_semaphore, #tpu.memory_space<semaphore_mem>>
        %dma_start3A_225 = arith.constant 9600 : i32
        %dma_start3A_226 = arith.constant 0 : i32
        %dma_start3A_227 = tpu.memref_slice %arg6[%arg0, %dma_start3A_225, %dma_start3A_226] : memref<2x10000x64xf32, #tpu.memory_space<hbm>> -> memref<1x400x64xf32, #tpu.memory_space<hbm>>
        %dma_start3A_228 = tpu.memref_squeeze %dma_start3A_227 : memref<1x400x64xf32, #tpu.memory_space<hbm>> -> memref<400x64xf32, #tpu.memory_space<hbm>>
        %dma_start3A_229 = arith.constant 9600 : i32
        %dma_start3A_230 = arith.constant 0 : i32
        %dma_start3A_231 = tpu.memref_slice %arg10[%dma_start3A_229, %dma_start3A_230] : memref<10016x64xf32, #tpu.memory_space<vmem_shared>> -> memref<400x64xf32, #tpu.memory_space<vmem_shared>>
        tpu.enqueue_dma source(%dma_start3A_231 : memref<400x64xf32, #tpu.memory_space<vmem_shared>>) target(%dma_start3A_228 : memref<400x64xf32, #tpu.memory_space<hbm>>) target_semaphore(%run_scoped3A : memref<!tpu.dma_semaphore, #tpu.memory_space<semaphore_mem>>)
        %dma_wait3A_232 = arith.constant 9600 : i32
        %dma_wait3A_233 = arith.constant 0 : i32
        %dma_wait3A_234 = tpu.memref_slice %arg6[%arg0, %dma_wait3A_232, %dma_wait3A_233] : memref<2x10000x64xf32, #tpu.memory_space<hbm>> -> memref<1x400x64xf32, #tpu.memory_space<hbm>>
        %dma_wait3A_235 = tpu.memref_squeeze %dma_wait3A_234 : memref<1x400x64xf32, #tpu.memory_space<hbm>> -> memref<400x64xf32, #tpu.memory_space<hbm>>
        %dma_wait3A_236 = arith.constant 9600 : i32
        %dma_wait3A_237 = arith.constant 0 : i32
        %dma_wait3A_238 = tpu.memref_slice %arg10[%dma_wait3A_236, %dma_wait3A_237] : memref<10016x64xf32, #tpu.memory_space<vmem_shared>> -> memref<400x64xf32, #tpu.memory_space<vmem_shared>>
        tpu.wait_dma2 semaphore(%run_scoped3A : memref<!tpu.dma_semaphore, #tpu.memory_space<semaphore_mem>>) src(%dma_wait3A_238 : memref<400x64xf32, #tpu.memory_space<vmem_shared>>) dst(%dma_wait3A_235 : memref<400x64xf32, #tpu.memory_space<hbm>>)
        tpu.yield
      }) : () -> ()
    } else {
    }
    return
  }
}

#map = affine_map<(d0, d1) -> (0, 0)>
#map1 = affine_map<(d0, d1) -> (0, 0, 0)>
module attributes {stable_mosaic.version = 14 : i64} {
  func.func @_edge_body(%arg0: i32, %arg1: i32, %arg2: memref<10000x64xf32, #tpu.memory_space<hbm>>, %arg3: memref<32x125x80xi32, #tpu.memory_space<hbm>>, %arg4: memref<32x125x80xi32, #tpu.memory_space<hbm>>, %arg5: memref<640x64xf32, #tpu.memory_space<hbm>>, %arg6: memref<2x10000x64xf32, #tpu.memory_space<hbm>>, %arg7: memref<125x80xi32, #tpu.memory_space<vmem>>, %arg8: memref<125x80xi32, #tpu.memory_space<vmem>>, %arg9: memref<8x80x64xf32, #tpu.memory_space<vmem>>, %arg10: memref<10016x64xf32, #tpu.memory_space<vmem_shared>>, %arg11: memref<11x!tpu.dma_semaphore, #tpu.memory_space<semaphore_mem>>) attributes {dimension_semantics = [#tpu.dimension_semantics<core_parallel>, #tpu.dimension_semantics<subcore_parallel>], iteration_bounds = array<i64: 2, 16>, scalar_prefetch = 0 : i64, scratch_operands = 5 : i64, tpu.core_type = #tpu.core_type<sc_vector_subcore>, window_params = [{transform_indices = #map}, {transform_indices = #map1}, {transform_indices = #map1}, {transform_indices = #map}, {transform_indices = #map1}]} {
    %mul3A = arith.constant 2 : i32
    %mul3A_0 = arith.muli %arg1, %mul3A : i32
    %add3A = arith.addi %mul3A_0, %arg0 : i32
    %eq3A = arith.constant 0 : i32
    %eq3A_1 = arith.cmpi eq, %arg0, %eq3A : i32
    %lt3A = arith.constant 15 : i32
    %lt3A_2 = arith.cmpi slt, %arg1, %lt3A : i32
    %and3A = arith.andi %eq3A_1, %lt3A_2 : i1
    %convert_element_type3A = arith.extui %and3A : i1 to i32
    %cond3A = arith.constant 0 : i32
    %cond3A_3 = arith.cmpi ne, %convert_element_type3A, %cond3A : i32
    scf.if %cond3A_3 {
      %mul3A_225 = arith.constant 640 : i32
      %mul3A_226 = arith.muli %arg1, %mul3A_225 : i32
      %multiple_of3A = tpu.assume_multiple %mul3A_226, 8 : i32
      %dma_start3A_227 = arith.constant 8 : i32
      %dma_start3A_228 = tpu.memref_slice %arg11[%dma_start3A_227] : memref<11x!tpu.dma_semaphore, #tpu.memory_space<semaphore_mem>> -> memref<1x!tpu.dma_semaphore, #tpu.memory_space<semaphore_mem>>
      %dma_start3A_229 = tpu.memref_squeeze %dma_start3A_228 : memref<1x!tpu.dma_semaphore, #tpu.memory_space<semaphore_mem>> -> memref<!tpu.dma_semaphore, #tpu.memory_space<semaphore_mem>>
      %dma_start3A_230 = arith.constant 0 : i32
      %dma_start3A_231 = tpu.memref_slice %arg10[%multiple_of3A, %dma_start3A_230] : memref<10016x64xf32, #tpu.memory_space<vmem_shared>> -> memref<640x64xf32, #tpu.memory_space<vmem_shared>>
      %dma_start3A_232 = arith.constant 0 : i32
      %dma_start3A_233 = tpu.memref_slice %arg2[%multiple_of3A, %dma_start3A_232] : memref<10000x64xf32, #tpu.memory_space<hbm>> -> memref<640x64xf32, #tpu.memory_space<hbm>>
      tpu.enqueue_dma source(%dma_start3A_233 : memref<640x64xf32, #tpu.memory_space<hbm>>) target(%dma_start3A_231 : memref<640x64xf32, #tpu.memory_space<vmem_shared>>) target_semaphore(%dma_start3A_229 : memref<!tpu.dma_semaphore, #tpu.memory_space<semaphore_mem>>)
    } else {
    }
    %eq3A_4 = arith.constant 0 : i32
    %eq3A_5 = arith.cmpi eq, %arg0, %eq3A_4 : i32
    %eq3A_6 = arith.constant 15 : i32
    %eq3A_7 = arith.cmpi eq, %arg1, %eq3A_6 : i32
    %and3A_8 = arith.andi %eq3A_5, %eq3A_7 : i1
    %convert_element_type3A_9 = arith.extui %and3A_8 : i1 to i32
    %cond3A_10 = arith.constant 0 : i32
    %cond3A_11 = arith.cmpi ne, %convert_element_type3A_9, %cond3A_10 : i32
    scf.if %cond3A_11 {
      %dma_start3A_225 = arith.constant 8 : i32
      %dma_start3A_226 = tpu.memref_slice %arg11[%dma_start3A_225] : memref<11x!tpu.dma_semaphore, #tpu.memory_space<semaphore_mem>> -> memref<1x!tpu.dma_semaphore, #tpu.memory_space<semaphore_mem>>
      %dma_start3A_227 = tpu.memref_squeeze %dma_start3A_226 : memref<1x!tpu.dma_semaphore, #tpu.memory_space<semaphore_mem>> -> memref<!tpu.dma_semaphore, #tpu.memory_space<semaphore_mem>>
      %dma_start3A_228 = arith.constant 9600 : i32
      %dma_start3A_229 = arith.constant 0 : i32
      %dma_start3A_230 = tpu.memref_slice %arg10[%dma_start3A_228, %dma_start3A_229] : memref<10016x64xf32, #tpu.memory_space<vmem_shared>> -> memref<400x64xf32, #tpu.memory_space<vmem_shared>>
      %dma_start3A_231 = arith.constant 9600 : i32
      %dma_start3A_232 = arith.constant 0 : i32
      %dma_start3A_233 = tpu.memref_slice %arg2[%dma_start3A_231, %dma_start3A_232] : memref<10000x64xf32, #tpu.memory_space<hbm>> -> memref<400x64xf32, #tpu.memory_space<hbm>>
      tpu.enqueue_dma source(%dma_start3A_233 : memref<400x64xf32, #tpu.memory_space<hbm>>) target(%dma_start3A_230 : memref<400x64xf32, #tpu.memory_space<vmem_shared>>) target_semaphore(%dma_start3A_227 : memref<!tpu.dma_semaphore, #tpu.memory_space<semaphore_mem>>)
    } else {
    }
    %ne3A = arith.constant 0 : i32
    %ne3A_12 = arith.cmpi ne, %arg0, %ne3A : i32
    %lt3A_13 = arith.constant 15 : i32
    %lt3A_14 = arith.cmpi slt, %arg1, %lt3A_13 : i32
    %and3A_15 = arith.andi %ne3A_12, %lt3A_14 : i1
    %convert_element_type3A_16 = arith.extui %and3A_15 : i1 to i32
    %cond3A_17 = arith.constant 0 : i32
    %cond3A_18 = arith.cmpi ne, %convert_element_type3A_16, %cond3A_17 : i32
    scf.if %cond3A_18 {
      %mul3A_225 = arith.constant 640 : i32
      %mul3A_226 = arith.muli %arg1, %mul3A_225 : i32
      %multiple_of3A = tpu.assume_multiple %mul3A_226, 8 : i32
      %dma_start3A_227 = arith.constant 8 : i32
      %dma_start3A_228 = tpu.memref_slice %arg11[%dma_start3A_227] : memref<11x!tpu.dma_semaphore, #tpu.memory_space<semaphore_mem>> -> memref<1x!tpu.dma_semaphore, #tpu.memory_space<semaphore_mem>>
      %dma_start3A_229 = tpu.memref_squeeze %dma_start3A_228 : memref<1x!tpu.dma_semaphore, #tpu.memory_space<semaphore_mem>> -> memref<!tpu.dma_semaphore, #tpu.memory_space<semaphore_mem>>
      %dma_start3A_230 = arith.constant 0 : i32
      %dma_start3A_231 = tpu.memref_slice %arg10[%multiple_of3A, %dma_start3A_230] : memref<10016x64xf32, #tpu.memory_space<vmem_shared>> -> memref<640x64xf32, #tpu.memory_space<vmem_shared>>
      tpu.enqueue_dma source(%arg5 : memref<640x64xf32, #tpu.memory_space<hbm>>) target(%dma_start3A_231 : memref<640x64xf32, #tpu.memory_space<vmem_shared>>) target_semaphore(%dma_start3A_229 : memref<!tpu.dma_semaphore, #tpu.memory_space<semaphore_mem>>)
    } else {
    }
    %ne3A_19 = arith.constant 0 : i32
    %ne3A_20 = arith.cmpi ne, %arg0, %ne3A_19 : i32
    %eq3A_21 = arith.constant 15 : i32
    %eq3A_22 = arith.cmpi eq, %arg1, %eq3A_21 : i32
    %and3A_23 = arith.andi %ne3A_20, %eq3A_22 : i1
    %convert_element_type3A_24 = arith.extui %and3A_23 : i1 to i32
    %cond3A_25 = arith.constant 0 : i32
    %cond3A_26 = arith.cmpi ne, %convert_element_type3A_24, %cond3A_25 : i32
    scf.if %cond3A_26 {
      %dma_start3A_225 = arith.constant 8 : i32
      %dma_start3A_226 = tpu.memref_slice %arg11[%dma_start3A_225] : memref<11x!tpu.dma_semaphore, #tpu.memory_space<semaphore_mem>> -> memref<1x!tpu.dma_semaphore, #tpu.memory_space<semaphore_mem>>
      %dma_start3A_227 = tpu.memref_squeeze %dma_start3A_226 : memref<1x!tpu.dma_semaphore, #tpu.memory_space<semaphore_mem>> -> memref<!tpu.dma_semaphore, #tpu.memory_space<semaphore_mem>>
      %dma_start3A_228 = arith.constant 9600 : i32
      %dma_start3A_229 = arith.constant 0 : i32
      %dma_start3A_230 = tpu.memref_slice %arg10[%dma_start3A_228, %dma_start3A_229] : memref<10016x64xf32, #tpu.memory_space<vmem_shared>> -> memref<400x64xf32, #tpu.memory_space<vmem_shared>>
      %dma_start3A_231 = arith.constant 0 : i32
      %dma_start3A_232 = arith.constant 0 : i32
      %dma_start3A_233 = tpu.memref_slice %arg5[%dma_start3A_231, %dma_start3A_232] : memref<640x64xf32, #tpu.memory_space<hbm>> -> memref<400x64xf32, #tpu.memory_space<hbm>>
      tpu.enqueue_dma source(%dma_start3A_233 : memref<400x64xf32, #tpu.memory_space<hbm>>) target(%dma_start3A_230 : memref<400x64xf32, #tpu.memory_space<vmem_shared>>) target_semaphore(%dma_start3A_227 : memref<!tpu.dma_semaphore, #tpu.memory_space<semaphore_mem>>)
    } else {
    }
    %eq3A_27 = arith.constant 15 : i32
    %eq3A_28 = arith.cmpi eq, %arg1, %eq3A_27 : i32
    %convert_element_type3A_29 = arith.extui %eq3A_28 : i1 to i32
    %cond3A_30 = arith.constant 0 : i32
    %cond3A_31 = arith.cmpi ne, %convert_element_type3A_29, %cond3A_30 : i32
    scf.if %cond3A_31 {
      %dma_start3A_225 = arith.constant 10 : i32
      %dma_start3A_226 = tpu.memref_slice %arg11[%dma_start3A_225] : memref<11x!tpu.dma_semaphore, #tpu.memory_space<semaphore_mem>> -> memref<1x!tpu.dma_semaphore, #tpu.memory_space<semaphore_mem>>
      %dma_start3A_227 = tpu.memref_squeeze %dma_start3A_226 : memref<1x!tpu.dma_semaphore, #tpu.memory_space<semaphore_mem>> -> memref<!tpu.dma_semaphore, #tpu.memory_space<semaphore_mem>>
      %dma_start3A_228 = arith.constant 10000 : i32
      %dma_start3A_229 = arith.constant 0 : i32
      %dma_start3A_230 = tpu.memref_slice %arg10[%dma_start3A_228, %dma_start3A_229] : memref<10016x64xf32, #tpu.memory_space<vmem_shared>> -> memref<16x64xf32, #tpu.memory_space<vmem_shared>>
      %dma_start3A_231 = arith.constant 0 : i32
      %dma_start3A_232 = arith.constant 0 : i32
      %dma_start3A_233 = tpu.memref_slice %arg5[%dma_start3A_231, %dma_start3A_232] : memref<640x64xf32, #tpu.memory_space<hbm>> -> memref<16x64xf32, #tpu.memory_space<hbm>>
      tpu.enqueue_dma source(%dma_start3A_233 : memref<16x64xf32, #tpu.memory_space<hbm>>) target(%dma_start3A_230 : memref<16x64xf32, #tpu.memory_space<vmem_shared>>) target_semaphore(%dma_start3A_227 : memref<!tpu.dma_semaphore, #tpu.memory_space<semaphore_mem>>)
    } else {
    }
    %dma_start3A = arith.constant 9 : i32
    %dma_start3A_32 = arith.constant 0 : i32
    %dma_start3A_33 = arith.constant 0 : i32
    %dma_start3A_34 = tpu.memref_slice %arg4[%add3A, %dma_start3A_32, %dma_start3A_33] : memref<32x125x80xi32, #tpu.memory_space<hbm>> -> memref<1x125x80xi32, #tpu.memory_space<hbm>>
    %dma_start3A_35 = tpu.memref_squeeze %dma_start3A_34 : memref<1x125x80xi32, #tpu.memory_space<hbm>> -> memref<125x80xi32, #tpu.memory_space<hbm>>
    %dma_start3A_36 = tpu.memref_slice %arg11[%dma_start3A] : memref<11x!tpu.dma_semaphore, #tpu.memory_space<semaphore_mem>> -> memref<1x!tpu.dma_semaphore, #tpu.memory_space<semaphore_mem>>
    %dma_start3A_37 = tpu.memref_squeeze %dma_start3A_36 : memref<1x!tpu.dma_semaphore, #tpu.memory_space<semaphore_mem>> -> memref<!tpu.dma_semaphore, #tpu.memory_space<semaphore_mem>>
    %dma_start3A_38 = arith.constant 0 : i32
    %dma_start3A_39 = arith.constant 0 : i32
    %dma_start3A_40 = tpu.memref_slice %arg4[%add3A, %dma_start3A_38, %dma_start3A_39] : memref<32x125x80xi32, #tpu.memory_space<hbm>> -> memref<1x125x80xi32, #tpu.memory_space<hbm>>
    %dma_start3A_41 = tpu.memref_squeeze %dma_start3A_40 : memref<1x125x80xi32, #tpu.memory_space<hbm>> -> memref<125x80xi32, #tpu.memory_space<hbm>>
    tpu.enqueue_dma source(%dma_start3A_41 : memref<125x80xi32, #tpu.memory_space<hbm>>) target(%arg8 : memref<125x80xi32, #tpu.memory_space<vmem>>) target_semaphore(%dma_start3A_37 : memref<!tpu.dma_semaphore, #tpu.memory_space<semaphore_mem>>)
    "tpu.region"() ({
      %run_scoped3A = tpu.sem_alloc : memref<!tpu.dma_semaphore, #tpu.memory_space<semaphore_mem>>
      %dma_start3A_225 = arith.constant 0 : i32
      %dma_start3A_226 = arith.constant 0 : i32
      %dma_start3A_227 = tpu.memref_slice %arg3[%add3A, %dma_start3A_225, %dma_start3A_226] : memref<32x125x80xi32, #tpu.memory_space<hbm>> -> memref<1x125x80xi32, #tpu.memory_space<hbm>>
      %dma_start3A_228 = tpu.memref_squeeze %dma_start3A_227 : memref<1x125x80xi32, #tpu.memory_space<hbm>> -> memref<125x80xi32, #tpu.memory_space<hbm>>
      %dma_start3A_229 = arith.constant 0 : i32
      %dma_start3A_230 = arith.constant 0 : i32
      %dma_start3A_231 = tpu.memref_slice %arg3[%add3A, %dma_start3A_229, %dma_start3A_230] : memref<32x125x80xi32, #tpu.memory_space<hbm>> -> memref<1x125x80xi32, #tpu.memory_space<hbm>>
      %dma_start3A_232 = tpu.memref_squeeze %dma_start3A_231 : memref<1x125x80xi32, #tpu.memory_space<hbm>> -> memref<125x80xi32, #tpu.memory_space<hbm>>
      tpu.enqueue_dma source(%dma_start3A_232 : memref<125x80xi32, #tpu.memory_space<hbm>>) target(%arg7 : memref<125x80xi32, #tpu.memory_space<vmem>>) target_semaphore(%run_scoped3A : memref<!tpu.dma_semaphore, #tpu.memory_space<semaphore_mem>>)
      %dma_wait3A_233 = arith.constant 0 : i32
      %dma_wait3A_234 = arith.constant 0 : i32
      %dma_wait3A_235 = tpu.memref_slice %arg3[%add3A, %dma_wait3A_233, %dma_wait3A_234] : memref<32x125x80xi32, #tpu.memory_space<hbm>> -> memref<1x125x80xi32, #tpu.memory_space<hbm>>
      %dma_wait3A_236 = tpu.memref_squeeze %dma_wait3A_235 : memref<1x125x80xi32, #tpu.memory_space<hbm>> -> memref<125x80xi32, #tpu.memory_space<hbm>>
      %dma_wait3A_237 = arith.constant 0 : i32
      %dma_wait3A_238 = arith.constant 0 : i32
      %dma_wait3A_239 = tpu.memref_slice %arg3[%add3A, %dma_wait3A_237, %dma_wait3A_238] : memref<32x125x80xi32, #tpu.memory_space<hbm>> -> memref<1x125x80xi32, #tpu.memory_space<hbm>>
      %dma_wait3A_240 = tpu.memref_squeeze %dma_wait3A_239 : memref<1x125x80xi32, #tpu.memory_space<hbm>> -> memref<125x80xi32, #tpu.memory_space<hbm>>
      tpu.wait_dma2 semaphore(%run_scoped3A : memref<!tpu.dma_semaphore, #tpu.memory_space<semaphore_mem>>) src(%dma_wait3A_240 : memref<125x80xi32, #tpu.memory_space<hbm>>) dst(%arg7 : memref<125x80xi32, #tpu.memory_space<vmem>>)
      tpu.yield
    }) : () -> ()
    %dma_start3A_42 = arith.constant 0 : i32
    %dma_start3A_43 = arith.constant 0 : i32
    %dma_start3A_44 = arith.constant 0 : i32
    %dma_start3A_45 = arith.constant 0 : i32
    %dma_start3A_46 = arith.constant 0 : i32
    %dma_start3A_47 = tpu.memref_slice %arg9[%dma_start3A_43, %dma_start3A_45, %dma_start3A_46] : memref<8x80x64xf32, #tpu.memory_space<vmem>> -> memref<1x80x64xf32, #tpu.memory_space<vmem>>
    %dma_start3A_48 = tpu.memref_squeeze %dma_start3A_47 : memref<1x80x64xf32, #tpu.memory_space<vmem>> -> memref<80x64xf32, #tpu.memory_space<vmem>>
    %dma_start3A_49 = arith.constant 0 : i32
    %dma_start3A_50 = tpu.memref_slice %arg7[%dma_start3A_42, %dma_start3A_49] : memref<125x80xi32, #tpu.memory_space<vmem>> -> memref<1x80xi32, #tpu.memory_space<vmem>>
    %dma_start3A_51 = tpu.memref_squeeze %dma_start3A_50 : memref<1x80xi32, #tpu.memory_space<vmem>> -> memref<80xi32, #tpu.memory_space<vmem>>
    %dma_start3A_52 = arith.constant 0 : i32
    %dma_start3A_53 = arith.constant 0 : i32
    %dma_start3A_54 = tpu.memref_slice %arg2[%dma_start3A_52, %dma_start3A_53] : memref<10000x64xf32, #tpu.memory_space<hbm>> -> memref<10000x64xf32, #tpu.memory_space<hbm>>
    %dma_start3A_55 = tpu.memref_slice %arg11[%dma_start3A_44] : memref<11x!tpu.dma_semaphore, #tpu.memory_space<semaphore_mem>> -> memref<1x!tpu.dma_semaphore, #tpu.memory_space<semaphore_mem>>
    %dma_start3A_56 = tpu.memref_squeeze %dma_start3A_55 : memref<1x!tpu.dma_semaphore, #tpu.memory_space<semaphore_mem>> -> memref<!tpu.dma_semaphore, #tpu.memory_space<semaphore_mem>>
    tpu.enqueue_indirect_dma source(%dma_start3A_54 : memref<10000x64xf32, #tpu.memory_space<hbm>>) target(%dma_start3A_48 : memref<80x64xf32, #tpu.memory_space<vmem>>) offsets(%dma_start3A_51 : memref<80xi32, #tpu.memory_space<vmem>>) semaphore(%dma_start3A_56 : memref<!tpu.dma_semaphore, #tpu.memory_space<semaphore_mem>>)
    %dma_start3A_57 = arith.constant 1 : i32
    %dma_start3A_58 = arith.constant 1 : i32
    %dma_start3A_59 = arith.constant 1 : i32
    %dma_start3A_60 = arith.constant 0 : i32
    %dma_start3A_61 = arith.constant 0 : i32
    %dma_start3A_62 = tpu.memref_slice %arg9[%dma_start3A_58, %dma_start3A_60, %dma_start3A_61] : memref<8x80x64xf32, #tpu.memory_space<vmem>> -> memref<1x80x64xf32, #tpu.memory_space<vmem>>
    %dma_start3A_63 = tpu.memref_squeeze %dma_start3A_62 : memref<1x80x64xf32, #tpu.memory_space<vmem>> -> memref<80x64xf32, #tpu.memory_space<vmem>>
    %dma_start3A_64 = arith.constant 0 : i32
    %dma_start3A_65 = tpu.memref_slice %arg7[%dma_start3A_57, %dma_start3A_64] : memref<125x80xi32, #tpu.memory_space<vmem>> -> memref<1x80xi32, #tpu.memory_space<vmem>>
    %dma_start3A_66 = tpu.memref_squeeze %dma_start3A_65 : memref<1x80xi32, #tpu.memory_space<vmem>> -> memref<80xi32, #tpu.memory_space<vmem>>
    %dma_start3A_67 = arith.constant 0 : i32
    %dma_start3A_68 = arith.constant 0 : i32
    %dma_start3A_69 = tpu.memref_slice %arg2[%dma_start3A_67, %dma_start3A_68] : memref<10000x64xf32, #tpu.memory_space<hbm>> -> memref<10000x64xf32, #tpu.memory_space<hbm>>
    %dma_start3A_70 = tpu.memref_slice %arg11[%dma_start3A_59] : memref<11x!tpu.dma_semaphore, #tpu.memory_space<semaphore_mem>> -> memref<1x!tpu.dma_semaphore, #tpu.memory_space<semaphore_mem>>
    %dma_start3A_71 = tpu.memref_squeeze %dma_start3A_70 : memref<1x!tpu.dma_semaphore, #tpu.memory_space<semaphore_mem>> -> memref<!tpu.dma_semaphore, #tpu.memory_space<semaphore_mem>>
    tpu.enqueue_indirect_dma source(%dma_start3A_69 : memref<10000x64xf32, #tpu.memory_space<hbm>>) target(%dma_start3A_63 : memref<80x64xf32, #tpu.memory_space<vmem>>) offsets(%dma_start3A_66 : memref<80xi32, #tpu.memory_space<vmem>>) semaphore(%dma_start3A_71 : memref<!tpu.dma_semaphore, #tpu.memory_space<semaphore_mem>>)
    %dma_start3A_72 = arith.constant 2 : i32
    %dma_start3A_73 = arith.constant 2 : i32
    %dma_start3A_74 = arith.constant 2 : i32
    %dma_start3A_75 = arith.constant 0 : i32
    %dma_start3A_76 = arith.constant 0 : i32
    %dma_start3A_77 = tpu.memref_slice %arg9[%dma_start3A_73, %dma_start3A_75, %dma_start3A_76] : memref<8x80x64xf32, #tpu.memory_space<vmem>> -> memref<1x80x64xf32, #tpu.memory_space<vmem>>
    %dma_start3A_78 = tpu.memref_squeeze %dma_start3A_77 : memref<1x80x64xf32, #tpu.memory_space<vmem>> -> memref<80x64xf32, #tpu.memory_space<vmem>>
    %dma_start3A_79 = arith.constant 0 : i32
    %dma_start3A_80 = tpu.memref_slice %arg7[%dma_start3A_72, %dma_start3A_79] : memref<125x80xi32, #tpu.memory_space<vmem>> -> memref<1x80xi32, #tpu.memory_space<vmem>>
    %dma_start3A_81 = tpu.memref_squeeze %dma_start3A_80 : memref<1x80xi32, #tpu.memory_space<vmem>> -> memref<80xi32, #tpu.memory_space<vmem>>
    %dma_start3A_82 = arith.constant 0 : i32
    %dma_start3A_83 = arith.constant 0 : i32
    %dma_start3A_84 = tpu.memref_slice %arg2[%dma_start3A_82, %dma_start3A_83] : memref<10000x64xf32, #tpu.memory_space<hbm>> -> memref<10000x64xf32, #tpu.memory_space<hbm>>
    %dma_start3A_85 = tpu.memref_slice %arg11[%dma_start3A_74] : memref<11x!tpu.dma_semaphore, #tpu.memory_space<semaphore_mem>> -> memref<1x!tpu.dma_semaphore, #tpu.memory_space<semaphore_mem>>
    %dma_start3A_86 = tpu.memref_squeeze %dma_start3A_85 : memref<1x!tpu.dma_semaphore, #tpu.memory_space<semaphore_mem>> -> memref<!tpu.dma_semaphore, #tpu.memory_space<semaphore_mem>>
    tpu.enqueue_indirect_dma source(%dma_start3A_84 : memref<10000x64xf32, #tpu.memory_space<hbm>>) target(%dma_start3A_78 : memref<80x64xf32, #tpu.memory_space<vmem>>) offsets(%dma_start3A_81 : memref<80xi32, #tpu.memory_space<vmem>>) semaphore(%dma_start3A_86 : memref<!tpu.dma_semaphore, #tpu.memory_space<semaphore_mem>>)
    %dma_start3A_87 = arith.constant 3 : i32
    %dma_start3A_88 = arith.constant 3 : i32
    %dma_start3A_89 = arith.constant 3 : i32
    %dma_start3A_90 = arith.constant 0 : i32
    %dma_start3A_91 = arith.constant 0 : i32
    %dma_start3A_92 = tpu.memref_slice %arg9[%dma_start3A_88, %dma_start3A_90, %dma_start3A_91] : memref<8x80x64xf32, #tpu.memory_space<vmem>> -> memref<1x80x64xf32, #tpu.memory_space<vmem>>
    %dma_start3A_93 = tpu.memref_squeeze %dma_start3A_92 : memref<1x80x64xf32, #tpu.memory_space<vmem>> -> memref<80x64xf32, #tpu.memory_space<vmem>>
    %dma_start3A_94 = arith.constant 0 : i32
    %dma_start3A_95 = tpu.memref_slice %arg7[%dma_start3A_87, %dma_start3A_94] : memref<125x80xi32, #tpu.memory_space<vmem>> -> memref<1x80xi32, #tpu.memory_space<vmem>>
    %dma_start3A_96 = tpu.memref_squeeze %dma_start3A_95 : memref<1x80xi32, #tpu.memory_space<vmem>> -> memref<80xi32, #tpu.memory_space<vmem>>
    %dma_start3A_97 = arith.constant 0 : i32
    %dma_start3A_98 = arith.constant 0 : i32
    %dma_start3A_99 = tpu.memref_slice %arg2[%dma_start3A_97, %dma_start3A_98] : memref<10000x64xf32, #tpu.memory_space<hbm>> -> memref<10000x64xf32, #tpu.memory_space<hbm>>
    %dma_start3A_100 = tpu.memref_slice %arg11[%dma_start3A_89] : memref<11x!tpu.dma_semaphore, #tpu.memory_space<semaphore_mem>> -> memref<1x!tpu.dma_semaphore, #tpu.memory_space<semaphore_mem>>
    %dma_start3A_101 = tpu.memref_squeeze %dma_start3A_100 : memref<1x!tpu.dma_semaphore, #tpu.memory_space<semaphore_mem>> -> memref<!tpu.dma_semaphore, #tpu.memory_space<semaphore_mem>>
    tpu.enqueue_indirect_dma source(%dma_start3A_99 : memref<10000x64xf32, #tpu.memory_space<hbm>>) target(%dma_start3A_93 : memref<80x64xf32, #tpu.memory_space<vmem>>) offsets(%dma_start3A_96 : memref<80xi32, #tpu.memory_space<vmem>>) semaphore(%dma_start3A_101 : memref<!tpu.dma_semaphore, #tpu.memory_space<semaphore_mem>>)
    %eq3A_102 = arith.constant 0 : i32
    %eq3A_103 = arith.cmpi eq, %arg0, %eq3A_102 : i32
    %lt3A_104 = arith.constant 15 : i32
    %lt3A_105 = arith.cmpi slt, %arg1, %lt3A_104 : i32
    %and3A_106 = arith.andi %eq3A_103, %lt3A_105 : i1
    %convert_element_type3A_107 = arith.extui %and3A_106 : i1 to i32
    %cond3A_108 = arith.constant 0 : i32
    %cond3A_109 = arith.cmpi ne, %convert_element_type3A_107, %cond3A_108 : i32
    scf.if %cond3A_109 {
      %mul3A_225 = arith.constant 640 : i32
      %mul3A_226 = arith.muli %arg1, %mul3A_225 : i32
      %multiple_of3A = tpu.assume_multiple %mul3A_226, 8 : i32
      %dma_wait3A_227 = arith.constant 8 : i32
      %dma_wait3A_228 = tpu.memref_slice %arg11[%dma_wait3A_227] : memref<11x!tpu.dma_semaphore, #tpu.memory_space<semaphore_mem>> -> memref<1x!tpu.dma_semaphore, #tpu.memory_space<semaphore_mem>>
      %dma_wait3A_229 = tpu.memref_squeeze %dma_wait3A_228 : memref<1x!tpu.dma_semaphore, #tpu.memory_space<semaphore_mem>> -> memref<!tpu.dma_semaphore, #tpu.memory_space<semaphore_mem>>
      %dma_wait3A_230 = arith.constant 0 : i32
      %dma_wait3A_231 = tpu.memref_slice %arg10[%multiple_of3A, %dma_wait3A_230] : memref<10016x64xf32, #tpu.memory_space<vmem_shared>> -> memref<640x64xf32, #tpu.memory_space<vmem_shared>>
      %dma_wait3A_232 = arith.constant 0 : i32
      %dma_wait3A_233 = tpu.memref_slice %arg2[%multiple_of3A, %dma_wait3A_232] : memref<10000x64xf32, #tpu.memory_space<hbm>> -> memref<640x64xf32, #tpu.memory_space<hbm>>
      tpu.wait_dma2 semaphore(%dma_wait3A_229 : memref<!tpu.dma_semaphore, #tpu.memory_space<semaphore_mem>>) src(%dma_wait3A_233 : memref<640x64xf32, #tpu.memory_space<hbm>>) dst(%dma_wait3A_231 : memref<640x64xf32, #tpu.memory_space<vmem_shared>>)
    } else {
    }
    %eq3A_110 = arith.constant 0 : i32
    %eq3A_111 = arith.cmpi eq, %arg0, %eq3A_110 : i32
    %eq3A_112 = arith.constant 15 : i32
    %eq3A_113 = arith.cmpi eq, %arg1, %eq3A_112 : i32
    %and3A_114 = arith.andi %eq3A_111, %eq3A_113 : i1
    %convert_element_type3A_115 = arith.extui %and3A_114 : i1 to i32
    %cond3A_116 = arith.constant 0 : i32
    %cond3A_117 = arith.cmpi ne, %convert_element_type3A_115, %cond3A_116 : i32
    scf.if %cond3A_117 {
      %dma_wait3A_225 = arith.constant 8 : i32
      %dma_wait3A_226 = tpu.memref_slice %arg11[%dma_wait3A_225] : memref<11x!tpu.dma_semaphore, #tpu.memory_space<semaphore_mem>> -> memref<1x!tpu.dma_semaphore, #tpu.memory_space<semaphore_mem>>
      %dma_wait3A_227 = tpu.memref_squeeze %dma_wait3A_226 : memref<1x!tpu.dma_semaphore, #tpu.memory_space<semaphore_mem>> -> memref<!tpu.dma_semaphore, #tpu.memory_space<semaphore_mem>>
      %dma_wait3A_228 = arith.constant 9600 : i32
      %dma_wait3A_229 = arith.constant 0 : i32
      %dma_wait3A_230 = tpu.memref_slice %arg10[%dma_wait3A_228, %dma_wait3A_229] : memref<10016x64xf32, #tpu.memory_space<vmem_shared>> -> memref<400x64xf32, #tpu.memory_space<vmem_shared>>
      %dma_wait3A_231 = arith.constant 9600 : i32
      %dma_wait3A_232 = arith.constant 0 : i32
      %dma_wait3A_233 = tpu.memref_slice %arg2[%dma_wait3A_231, %dma_wait3A_232] : memref<10000x64xf32, #tpu.memory_space<hbm>> -> memref<400x64xf32, #tpu.memory_space<hbm>>
      tpu.wait_dma2 semaphore(%dma_wait3A_227 : memref<!tpu.dma_semaphore, #tpu.memory_space<semaphore_mem>>) src(%dma_wait3A_233 : memref<400x64xf32, #tpu.memory_space<hbm>>) dst(%dma_wait3A_230 : memref<400x64xf32, #tpu.memory_space<vmem_shared>>)
    } else {
    }
    %ne3A_118 = arith.constant 0 : i32
    %ne3A_119 = arith.cmpi ne, %arg0, %ne3A_118 : i32
    %lt3A_120 = arith.constant 15 : i32
    %lt3A_121 = arith.cmpi slt, %arg1, %lt3A_120 : i32
    %and3A_122 = arith.andi %ne3A_119, %lt3A_121 : i1
    %convert_element_type3A_123 = arith.extui %and3A_122 : i1 to i32
    %cond3A_124 = arith.constant 0 : i32
    %cond3A_125 = arith.cmpi ne, %convert_element_type3A_123, %cond3A_124 : i32
    scf.if %cond3A_125 {
      %mul3A_225 = arith.constant 640 : i32
      %mul3A_226 = arith.muli %arg1, %mul3A_225 : i32
      %multiple_of3A = tpu.assume_multiple %mul3A_226, 8 : i32
      %dma_wait3A_227 = arith.constant 8 : i32
      %dma_wait3A_228 = tpu.memref_slice %arg11[%dma_wait3A_227] : memref<11x!tpu.dma_semaphore, #tpu.memory_space<semaphore_mem>> -> memref<1x!tpu.dma_semaphore, #tpu.memory_space<semaphore_mem>>
      %dma_wait3A_229 = tpu.memref_squeeze %dma_wait3A_228 : memref<1x!tpu.dma_semaphore, #tpu.memory_space<semaphore_mem>> -> memref<!tpu.dma_semaphore, #tpu.memory_space<semaphore_mem>>
      %dma_wait3A_230 = arith.constant 0 : i32
      %dma_wait3A_231 = tpu.memref_slice %arg10[%multiple_of3A, %dma_wait3A_230] : memref<10016x64xf32, #tpu.memory_space<vmem_shared>> -> memref<640x64xf32, #tpu.memory_space<vmem_shared>>
      tpu.wait_dma2 semaphore(%dma_wait3A_229 : memref<!tpu.dma_semaphore, #tpu.memory_space<semaphore_mem>>) src(%arg5 : memref<640x64xf32, #tpu.memory_space<hbm>>) dst(%dma_wait3A_231 : memref<640x64xf32, #tpu.memory_space<vmem_shared>>)
    } else {
    }
    %ne3A_126 = arith.constant 0 : i32
    %ne3A_127 = arith.cmpi ne, %arg0, %ne3A_126 : i32
    %eq3A_128 = arith.constant 15 : i32
    %eq3A_129 = arith.cmpi eq, %arg1, %eq3A_128 : i32
    %and3A_130 = arith.andi %ne3A_127, %eq3A_129 : i1
    %convert_element_type3A_131 = arith.extui %and3A_130 : i1 to i32
    %cond3A_132 = arith.constant 0 : i32
    %cond3A_133 = arith.cmpi ne, %convert_element_type3A_131, %cond3A_132 : i32
    scf.if %cond3A_133 {
      %dma_wait3A_225 = arith.constant 8 : i32
      %dma_wait3A_226 = tpu.memref_slice %arg11[%dma_wait3A_225] : memref<11x!tpu.dma_semaphore, #tpu.memory_space<semaphore_mem>> -> memref<1x!tpu.dma_semaphore, #tpu.memory_space<semaphore_mem>>
      %dma_wait3A_227 = tpu.memref_squeeze %dma_wait3A_226 : memref<1x!tpu.dma_semaphore, #tpu.memory_space<semaphore_mem>> -> memref<!tpu.dma_semaphore, #tpu.memory_space<semaphore_mem>>
      %dma_wait3A_228 = arith.constant 9600 : i32
      %dma_wait3A_229 = arith.constant 0 : i32
      %dma_wait3A_230 = tpu.memref_slice %arg10[%dma_wait3A_228, %dma_wait3A_229] : memref<10016x64xf32, #tpu.memory_space<vmem_shared>> -> memref<400x64xf32, #tpu.memory_space<vmem_shared>>
      %dma_wait3A_231 = arith.constant 0 : i32
      %dma_wait3A_232 = arith.constant 0 : i32
      %dma_wait3A_233 = tpu.memref_slice %arg5[%dma_wait3A_231, %dma_wait3A_232] : memref<640x64xf32, #tpu.memory_space<hbm>> -> memref<400x64xf32, #tpu.memory_space<hbm>>
      tpu.wait_dma2 semaphore(%dma_wait3A_227 : memref<!tpu.dma_semaphore, #tpu.memory_space<semaphore_mem>>) src(%dma_wait3A_233 : memref<400x64xf32, #tpu.memory_space<hbm>>) dst(%dma_wait3A_230 : memref<400x64xf32, #tpu.memory_space<vmem_shared>>)
    } else {
    }
    %eq3A_134 = arith.constant 15 : i32
    %eq3A_135 = arith.cmpi eq, %arg1, %eq3A_134 : i32
    %convert_element_type3A_136 = arith.extui %eq3A_135 : i1 to i32
    %cond3A_137 = arith.constant 0 : i32
    %cond3A_138 = arith.cmpi ne, %convert_element_type3A_136, %cond3A_137 : i32
    scf.if %cond3A_138 {
      %dma_wait3A_225 = arith.constant 10 : i32
      %dma_wait3A_226 = tpu.memref_slice %arg11[%dma_wait3A_225] : memref<11x!tpu.dma_semaphore, #tpu.memory_space<semaphore_mem>> -> memref<1x!tpu.dma_semaphore, #tpu.memory_space<semaphore_mem>>
      %dma_wait3A_227 = tpu.memref_squeeze %dma_wait3A_226 : memref<1x!tpu.dma_semaphore, #tpu.memory_space<semaphore_mem>> -> memref<!tpu.dma_semaphore, #tpu.memory_space<semaphore_mem>>
      %dma_wait3A_228 = arith.constant 10000 : i32
      %dma_wait3A_229 = arith.constant 0 : i32
      %dma_wait3A_230 = tpu.memref_slice %arg10[%dma_wait3A_228, %dma_wait3A_229] : memref<10016x64xf32, #tpu.memory_space<vmem_shared>> -> memref<16x64xf32, #tpu.memory_space<vmem_shared>>
      %dma_wait3A_231 = arith.constant 0 : i32
      %dma_wait3A_232 = arith.constant 0 : i32
      %dma_wait3A_233 = tpu.memref_slice %arg5[%dma_wait3A_231, %dma_wait3A_232] : memref<640x64xf32, #tpu.memory_space<hbm>> -> memref<16x64xf32, #tpu.memory_space<hbm>>
      tpu.wait_dma2 semaphore(%dma_wait3A_227 : memref<!tpu.dma_semaphore, #tpu.memory_space<semaphore_mem>>) src(%dma_wait3A_233 : memref<16x64xf32, #tpu.memory_space<hbm>>) dst(%dma_wait3A_230 : memref<16x64xf32, #tpu.memory_space<vmem_shared>>)
    } else {
    }
    %dma_wait3A = arith.constant 9 : i32
    %dma_wait3A_139 = arith.constant 0 : i32
    %dma_wait3A_140 = arith.constant 0 : i32
    %dma_wait3A_141 = tpu.memref_slice %arg4[%add3A, %dma_wait3A_139, %dma_wait3A_140] : memref<32x125x80xi32, #tpu.memory_space<hbm>> -> memref<1x125x80xi32, #tpu.memory_space<hbm>>
    %dma_wait3A_142 = tpu.memref_squeeze %dma_wait3A_141 : memref<1x125x80xi32, #tpu.memory_space<hbm>> -> memref<125x80xi32, #tpu.memory_space<hbm>>
    %dma_wait3A_143 = tpu.memref_slice %arg11[%dma_wait3A] : memref<11x!tpu.dma_semaphore, #tpu.memory_space<semaphore_mem>> -> memref<1x!tpu.dma_semaphore, #tpu.memory_space<semaphore_mem>>
    %dma_wait3A_144 = tpu.memref_squeeze %dma_wait3A_143 : memref<1x!tpu.dma_semaphore, #tpu.memory_space<semaphore_mem>> -> memref<!tpu.dma_semaphore, #tpu.memory_space<semaphore_mem>>
    %dma_wait3A_145 = arith.constant 0 : i32
    %dma_wait3A_146 = arith.constant 0 : i32
    %dma_wait3A_147 = tpu.memref_slice %arg4[%add3A, %dma_wait3A_145, %dma_wait3A_146] : memref<32x125x80xi32, #tpu.memory_space<hbm>> -> memref<1x125x80xi32, #tpu.memory_space<hbm>>
    %dma_wait3A_148 = tpu.memref_squeeze %dma_wait3A_147 : memref<1x125x80xi32, #tpu.memory_space<hbm>> -> memref<125x80xi32, #tpu.memory_space<hbm>>
    tpu.wait_dma2 semaphore(%dma_wait3A_144 : memref<!tpu.dma_semaphore, #tpu.memory_space<semaphore_mem>>) src(%dma_wait3A_148 : memref<125x80xi32, #tpu.memory_space<hbm>>) dst(%arg8 : memref<125x80xi32, #tpu.memory_space<vmem>>)
    %barrier3A = arith.constant 0 : index
    tpu.barrier barrier_id(%barrier3A)
    %scan3A = arith.constant 0 : i32
    %scan3A_149 = arith.constant 0 : i32
    %scan3A_150 = arith.constant 125 : i32
    %scan3A_151 = arith.addi %scan3A_149, %scan3A_150 : i32
    %scan3A_152 = arith.constant 1 : i32
    scf.for %scan3A_225 = %scan3A_149 to %scan3A_151 step %scan3A_152  : i32 {
      %rem3A = arith.constant 8 : i32
      %rem3A_226 = arith.remsi %scan3A_225, %rem3A : i32
      %add3A_227 = arith.constant 4 : i32
      %add3A_228 = arith.addi %scan3A_225, %add3A_227 : i32
      %rem3A_229 = arith.constant 8 : i32
      %rem3A_230 = arith.remsi %add3A_228, %rem3A_229 : i32
      %dma_wait3A_231 = arith.constant 0 : i32
      %dma_wait3A_232 = arith.constant 0 : i32
      %dma_wait3A_233 = arith.constant 0 : i32
      %dma_wait3A_234 = tpu.memref_slice %arg9[%rem3A_226, %dma_wait3A_232, %dma_wait3A_233] : memref<8x80x64xf32, #tpu.memory_space<vmem>> -> memref<1x80x64xf32, #tpu.memory_space<vmem>>
      %dma_wait3A_235 = tpu.memref_squeeze %dma_wait3A_234 : memref<1x80x64xf32, #tpu.memory_space<vmem>> -> memref<80x64xf32, #tpu.memory_space<vmem>>
      %dma_wait3A_236 = arith.constant 0 : i32
      %dma_wait3A_237 = tpu.memref_slice %arg7[%dma_wait3A_231, %dma_wait3A_236] : memref<125x80xi32, #tpu.memory_space<vmem>> -> memref<1x80xi32, #tpu.memory_space<vmem>>
      %dma_wait3A_238 = tpu.memref_squeeze %dma_wait3A_237 : memref<1x80xi32, #tpu.memory_space<vmem>> -> memref<80xi32, #tpu.memory_space<vmem>>
      %dma_wait3A_239 = arith.constant 0 : i32
      %dma_wait3A_240 = arith.constant 0 : i32
      %dma_wait3A_241 = tpu.memref_slice %arg2[%dma_wait3A_239, %dma_wait3A_240] : memref<10000x64xf32, #tpu.memory_space<hbm>> -> memref<10000x64xf32, #tpu.memory_space<hbm>>
      %dma_wait3A_242 = tpu.memref_slice %arg11[%rem3A_226] : memref<11x!tpu.dma_semaphore, #tpu.memory_space<semaphore_mem>> -> memref<1x!tpu.dma_semaphore, #tpu.memory_space<semaphore_mem>>
      %dma_wait3A_243 = tpu.memref_squeeze %dma_wait3A_242 : memref<1x!tpu.dma_semaphore, #tpu.memory_space<semaphore_mem>> -> memref<!tpu.dma_semaphore, #tpu.memory_space<semaphore_mem>>
      tpu.wait_indirect_dma semaphore(%dma_wait3A_243 : memref<!tpu.dma_semaphore, #tpu.memory_space<semaphore_mem>>) src(%dma_wait3A_241 : memref<10000x64xf32, #tpu.memory_space<hbm>>) dst(%dma_wait3A_235 : memref<80x64xf32, #tpu.memory_space<vmem>>)
      %dma_start3A_244 = arith.constant 0 : i32
      %dma_start3A_245 = arith.constant 0 : i32
      %dma_start3A_246 = tpu.memref_slice %arg9[%rem3A_226, %dma_start3A_244, %dma_start3A_245] : memref<8x80x64xf32, #tpu.memory_space<vmem>> -> memref<1x80x64xf32, #tpu.memory_space<vmem>>
      %dma_start3A_247 = tpu.memref_squeeze %dma_start3A_246 : memref<1x80x64xf32, #tpu.memory_space<vmem>> -> memref<80x64xf32, #tpu.memory_space<vmem>>
      %dma_start3A_248 = arith.constant 0 : i32
      %dma_start3A_249 = tpu.memref_slice %arg8[%scan3A_225, %dma_start3A_248] : memref<125x80xi32, #tpu.memory_space<vmem>> -> memref<1x80xi32, #tpu.memory_space<vmem>>
      %dma_start3A_250 = tpu.memref_squeeze %dma_start3A_249 : memref<1x80xi32, #tpu.memory_space<vmem>> -> memref<80xi32, #tpu.memory_space<vmem>>
      %dma_start3A_251 = arith.constant 0 : i32
      %dma_start3A_252 = arith.constant 0 : i32
      %dma_start3A_253 = tpu.memref_slice %arg10[%dma_start3A_251, %dma_start3A_252] : memref<10016x64xf32, #tpu.memory_space<vmem_shared>> -> memref<10016x64xf32, #tpu.memory_space<vmem_shared>>
      %dma_start3A_254 = tpu.memref_slice %arg11[%rem3A_226] : memref<11x!tpu.dma_semaphore, #tpu.memory_space<semaphore_mem>> -> memref<1x!tpu.dma_semaphore, #tpu.memory_space<semaphore_mem>>
      %dma_start3A_255 = tpu.memref_squeeze %dma_start3A_254 : memref<1x!tpu.dma_semaphore, #tpu.memory_space<semaphore_mem>> -> memref<!tpu.dma_semaphore, #tpu.memory_space<semaphore_mem>>
      tpu.enqueue_indirect_dma source(%dma_start3A_247 : memref<80x64xf32, #tpu.memory_space<vmem>>) target(%dma_start3A_253 : memref<10016x64xf32, #tpu.memory_space<vmem_shared>>) offsets(%dma_start3A_250 : memref<80xi32, #tpu.memory_space<vmem>>) semaphore(%dma_start3A_255 : memref<!tpu.dma_semaphore, #tpu.memory_space<semaphore_mem>>) {add = true}
      %ge3A = arith.constant 4 : i32
      %ge3A_256 = arith.cmpi sge, %scan3A_225, %ge3A : i32
      %convert_element_type3A_257 = arith.extui %ge3A_256 : i1 to i32
      %cond3A_258 = arith.constant 0 : i32
      %cond3A_259 = arith.cmpi ne, %convert_element_type3A_257, %cond3A_258 : i32
      scf.if %cond3A_259 {
        %dma_wait3A_267 = arith.constant 0 : i32
        %dma_wait3A_268 = arith.constant 0 : i32
        %dma_wait3A_269 = arith.constant 0 : i32
        %dma_wait3A_270 = tpu.memref_slice %arg9[%rem3A_230, %dma_wait3A_268, %dma_wait3A_269] : memref<8x80x64xf32, #tpu.memory_space<vmem>> -> memref<1x80x64xf32, #tpu.memory_space<vmem>>
        %dma_wait3A_271 = tpu.memref_squeeze %dma_wait3A_270 : memref<1x80x64xf32, #tpu.memory_space<vmem>> -> memref<80x64xf32, #tpu.memory_space<vmem>>
        %dma_wait3A_272 = arith.constant 0 : i32
        %dma_wait3A_273 = tpu.memref_slice %arg8[%dma_wait3A_267, %dma_wait3A_272] : memref<125x80xi32, #tpu.memory_space<vmem>> -> memref<1x80xi32, #tpu.memory_space<vmem>>
        %dma_wait3A_274 = tpu.memref_squeeze %dma_wait3A_273 : memref<1x80xi32, #tpu.memory_space<vmem>> -> memref<80xi32, #tpu.memory_space<vmem>>
        %dma_wait3A_275 = arith.constant 0 : i32
        %dma_wait3A_276 = arith.constant 0 : i32
        %dma_wait3A_277 = tpu.memref_slice %arg10[%dma_wait3A_275, %dma_wait3A_276] : memref<10016x64xf32, #tpu.memory_space<vmem_shared>> -> memref<10016x64xf32, #tpu.memory_space<vmem_shared>>
        %dma_wait3A_278 = tpu.memref_slice %arg11[%rem3A_230] : memref<11x!tpu.dma_semaphore, #tpu.memory_space<semaphore_mem>> -> memref<1x!tpu.dma_semaphore, #tpu.memory_space<semaphore_mem>>
        %dma_wait3A_279 = tpu.memref_squeeze %dma_wait3A_278 : memref<1x!tpu.dma_semaphore, #tpu.memory_space<semaphore_mem>> -> memref<!tpu.dma_semaphore, #tpu.memory_space<semaphore_mem>>
        tpu.wait_indirect_dma semaphore(%dma_wait3A_279 : memref<!tpu.dma_semaphore, #tpu.memory_space<semaphore_mem>>) src(%dma_wait3A_271 : memref<80x64xf32, #tpu.memory_space<vmem>>) dst(%dma_wait3A_277 : memref<10016x64xf32, #tpu.memory_space<vmem_shared>>)
      } else {
      }
      %add3A_260 = arith.constant 4 : i32
      %add3A_261 = arith.addi %scan3A_225, %add3A_260 : i32
      %lt3A_262 = arith.constant 125 : i32
      %lt3A_263 = arith.cmpi slt, %add3A_261, %lt3A_262 : i32
      %convert_element_type3A_264 = arith.extui %lt3A_263 : i1 to i32
      %cond3A_265 = arith.constant 0 : i32
      %cond3A_266 = arith.cmpi ne, %convert_element_type3A_264, %cond3A_265 : i32
      scf.if %cond3A_266 {
        %add3A_267 = arith.constant 4 : i32
        %add3A_268 = arith.addi %scan3A_225, %add3A_267 : i32
        %dma_start3A_269 = arith.constant 0 : i32
        %dma_start3A_270 = arith.constant 0 : i32
        %dma_start3A_271 = tpu.memref_slice %arg9[%rem3A_230, %dma_start3A_269, %dma_start3A_270] : memref<8x80x64xf32, #tpu.memory_space<vmem>> -> memref<1x80x64xf32, #tpu.memory_space<vmem>>
        %dma_start3A_272 = tpu.memref_squeeze %dma_start3A_271 : memref<1x80x64xf32, #tpu.memory_space<vmem>> -> memref<80x64xf32, #tpu.memory_space<vmem>>
        %dma_start3A_273 = arith.constant 0 : i32
        %dma_start3A_274 = tpu.memref_slice %arg7[%add3A_268, %dma_start3A_273] : memref<125x80xi32, #tpu.memory_space<vmem>> -> memref<1x80xi32, #tpu.memory_space<vmem>>
        %dma_start3A_275 = tpu.memref_squeeze %dma_start3A_274 : memref<1x80xi32, #tpu.memory_space<vmem>> -> memref<80xi32, #tpu.memory_space<vmem>>
        %dma_start3A_276 = arith.constant 0 : i32
        %dma_start3A_277 = arith.constant 0 : i32
        %dma_start3A_278 = tpu.memref_slice %arg2[%dma_start3A_276, %dma_start3A_277] : memref<10000x64xf32, #tpu.memory_space<hbm>> -> memref<10000x64xf32, #tpu.memory_space<hbm>>
        %dma_start3A_279 = tpu.memref_slice %arg11[%rem3A_230] : memref<11x!tpu.dma_semaphore, #tpu.memory_space<semaphore_mem>> -> memref<1x!tpu.dma_semaphore, #tpu.memory_space<semaphore_mem>>
        %dma_start3A_280 = tpu.memref_squeeze %dma_start3A_279 : memref<1x!tpu.dma_semaphore, #tpu.memory_space<semaphore_mem>> -> memref<!tpu.dma_semaphore, #tpu.memory_space<semaphore_mem>>
        tpu.enqueue_indirect_dma source(%dma_start3A_278 : memref<10000x64xf32, #tpu.memory_space<hbm>>) target(%dma_start3A_272 : memref<80x64xf32, #tpu.memory_space<vmem>>) offsets(%dma_start3A_275 : memref<80xi32, #tpu.memory_space<vmem>>) semaphore(%dma_start3A_280 : memref<!tpu.dma_semaphore, #tpu.memory_space<semaphore_mem>>)
      } else {
      }
    }
    %scan3A_153 = arith.constant 125 : i32
    %dma_wait3A_154 = arith.constant 1 : i32
    %dma_wait3A_155 = arith.constant 0 : i32
    %dma_wait3A_156 = arith.constant 1 : i32
    %dma_wait3A_157 = arith.constant 0 : i32
    %dma_wait3A_158 = arith.constant 0 : i32
    %dma_wait3A_159 = tpu.memref_slice %arg9[%dma_wait3A_154, %dma_wait3A_157, %dma_wait3A_158] : memref<8x80x64xf32, #tpu.memory_space<vmem>> -> memref<1x80x64xf32, #tpu.memory_space<vmem>>
    %dma_wait3A_160 = tpu.memref_squeeze %dma_wait3A_159 : memref<1x80x64xf32, #tpu.memory_space<vmem>> -> memref<80x64xf32, #tpu.memory_space<vmem>>
    %dma_wait3A_161 = arith.constant 0 : i32
    %dma_wait3A_162 = tpu.memref_slice %arg8[%dma_wait3A_155, %dma_wait3A_161] : memref<125x80xi32, #tpu.memory_space<vmem>> -> memref<1x80xi32, #tpu.memory_space<vmem>>
    %dma_wait3A_163 = tpu.memref_squeeze %dma_wait3A_162 : memref<1x80xi32, #tpu.memory_space<vmem>> -> memref<80xi32, #tpu.memory_space<vmem>>
    %dma_wait3A_164 = arith.constant 0 : i32
    %dma_wait3A_165 = arith.constant 0 : i32
    %dma_wait3A_166 = tpu.memref_slice %arg10[%dma_wait3A_164, %dma_wait3A_165] : memref<10016x64xf32, #tpu.memory_space<vmem_shared>> -> memref<10016x64xf32, #tpu.memory_space<vmem_shared>>
    %dma_wait3A_167 = tpu.memref_slice %arg11[%dma_wait3A_156] : memref<11x!tpu.dma_semaphore, #tpu.memory_space<semaphore_mem>> -> memref<1x!tpu.dma_semaphore, #tpu.memory_space<semaphore_mem>>
    %dma_wait3A_168 = tpu.memref_squeeze %dma_wait3A_167 : memref<1x!tpu.dma_semaphore, #tpu.memory_space<semaphore_mem>> -> memref<!tpu.dma_semaphore, #tpu.memory_space<semaphore_mem>>
    tpu.wait_indirect_dma semaphore(%dma_wait3A_168 : memref<!tpu.dma_semaphore, #tpu.memory_space<semaphore_mem>>) src(%dma_wait3A_160 : memref<80x64xf32, #tpu.memory_space<vmem>>) dst(%dma_wait3A_166 : memref<10016x64xf32, #tpu.memory_space<vmem_shared>>)
    %dma_wait3A_169 = arith.constant 2 : i32
    %dma_wait3A_170 = arith.constant 0 : i32
    %dma_wait3A_171 = arith.constant 2 : i32
    %dma_wait3A_172 = arith.constant 0 : i32
    %dma_wait3A_173 = arith.constant 0 : i32
    %dma_wait3A_174 = tpu.memref_slice %arg9[%dma_wait3A_169, %dma_wait3A_172, %dma_wait3A_173] : memref<8x80x64xf32, #tpu.memory_space<vmem>> -> memref<1x80x64xf32, #tpu.memory_space<vmem>>
    %dma_wait3A_175 = tpu.memref_squeeze %dma_wait3A_174 : memref<1x80x64xf32, #tpu.memory_space<vmem>> -> memref<80x64xf32, #tpu.memory_space<vmem>>
    %dma_wait3A_176 = arith.constant 0 : i32
    %dma_wait3A_177 = tpu.memref_slice %arg8[%dma_wait3A_170, %dma_wait3A_176] : memref<125x80xi32, #tpu.memory_space<vmem>> -> memref<1x80xi32, #tpu.memory_space<vmem>>
    %dma_wait3A_178 = tpu.memref_squeeze %dma_wait3A_177 : memref<1x80xi32, #tpu.memory_space<vmem>> -> memref<80xi32, #tpu.memory_space<vmem>>
    %dma_wait3A_179 = arith.constant 0 : i32
    %dma_wait3A_180 = arith.constant 0 : i32
    %dma_wait3A_181 = tpu.memref_slice %arg10[%dma_wait3A_179, %dma_wait3A_180] : memref<10016x64xf32, #tpu.memory_space<vmem_shared>> -> memref<10016x64xf32, #tpu.memory_space<vmem_shared>>
    %dma_wait3A_182 = tpu.memref_slice %arg11[%dma_wait3A_171] : memref<11x!tpu.dma_semaphore, #tpu.memory_space<semaphore_mem>> -> memref<1x!tpu.dma_semaphore, #tpu.memory_space<semaphore_mem>>
    %dma_wait3A_183 = tpu.memref_squeeze %dma_wait3A_182 : memref<1x!tpu.dma_semaphore, #tpu.memory_space<semaphore_mem>> -> memref<!tpu.dma_semaphore, #tpu.memory_space<semaphore_mem>>
    tpu.wait_indirect_dma semaphore(%dma_wait3A_183 : memref<!tpu.dma_semaphore, #tpu.memory_space<semaphore_mem>>) src(%dma_wait3A_175 : memref<80x64xf32, #tpu.memory_space<vmem>>) dst(%dma_wait3A_181 : memref<10016x64xf32, #tpu.memory_space<vmem_shared>>)
    %dma_wait3A_184 = arith.constant 3 : i32
    %dma_wait3A_185 = arith.constant 0 : i32
    %dma_wait3A_186 = arith.constant 3 : i32
    %dma_wait3A_187 = arith.constant 0 : i32
    %dma_wait3A_188 = arith.constant 0 : i32
    %dma_wait3A_189 = tpu.memref_slice %arg9[%dma_wait3A_184, %dma_wait3A_187, %dma_wait3A_188] : memref<8x80x64xf32, #tpu.memory_space<vmem>> -> memref<1x80x64xf32, #tpu.memory_space<vmem>>
    %dma_wait3A_190 = tpu.memref_squeeze %dma_wait3A_189 : memref<1x80x64xf32, #tpu.memory_space<vmem>> -> memref<80x64xf32, #tpu.memory_space<vmem>>
    %dma_wait3A_191 = arith.constant 0 : i32
    %dma_wait3A_192 = tpu.memref_slice %arg8[%dma_wait3A_185, %dma_wait3A_191] : memref<125x80xi32, #tpu.memory_space<vmem>> -> memref<1x80xi32, #tpu.memory_space<vmem>>
    %dma_wait3A_193 = tpu.memref_squeeze %dma_wait3A_192 : memref<1x80xi32, #tpu.memory_space<vmem>> -> memref<80xi32, #tpu.memory_space<vmem>>
    %dma_wait3A_194 = arith.constant 0 : i32
    %dma_wait3A_195 = arith.constant 0 : i32
    %dma_wait3A_196 = tpu.memref_slice %arg10[%dma_wait3A_194, %dma_wait3A_195] : memref<10016x64xf32, #tpu.memory_space<vmem_shared>> -> memref<10016x64xf32, #tpu.memory_space<vmem_shared>>
    %dma_wait3A_197 = tpu.memref_slice %arg11[%dma_wait3A_186] : memref<11x!tpu.dma_semaphore, #tpu.memory_space<semaphore_mem>> -> memref<1x!tpu.dma_semaphore, #tpu.memory_space<semaphore_mem>>
    %dma_wait3A_198 = tpu.memref_squeeze %dma_wait3A_197 : memref<1x!tpu.dma_semaphore, #tpu.memory_space<semaphore_mem>> -> memref<!tpu.dma_semaphore, #tpu.memory_space<semaphore_mem>>
    tpu.wait_indirect_dma semaphore(%dma_wait3A_198 : memref<!tpu.dma_semaphore, #tpu.memory_space<semaphore_mem>>) src(%dma_wait3A_190 : memref<80x64xf32, #tpu.memory_space<vmem>>) dst(%dma_wait3A_196 : memref<10016x64xf32, #tpu.memory_space<vmem_shared>>)
    %dma_wait3A_199 = arith.constant 4 : i32
    %dma_wait3A_200 = arith.constant 0 : i32
    %dma_wait3A_201 = arith.constant 4 : i32
    %dma_wait3A_202 = arith.constant 0 : i32
    %dma_wait3A_203 = arith.constant 0 : i32
    %dma_wait3A_204 = tpu.memref_slice %arg9[%dma_wait3A_199, %dma_wait3A_202, %dma_wait3A_203] : memref<8x80x64xf32, #tpu.memory_space<vmem>> -> memref<1x80x64xf32, #tpu.memory_space<vmem>>
    %dma_wait3A_205 = tpu.memref_squeeze %dma_wait3A_204 : memref<1x80x64xf32, #tpu.memory_space<vmem>> -> memref<80x64xf32, #tpu.memory_space<vmem>>
    %dma_wait3A_206 = arith.constant 0 : i32
    %dma_wait3A_207 = tpu.memref_slice %arg8[%dma_wait3A_200, %dma_wait3A_206] : memref<125x80xi32, #tpu.memory_space<vmem>> -> memref<1x80xi32, #tpu.memory_space<vmem>>
    %dma_wait3A_208 = tpu.memref_squeeze %dma_wait3A_207 : memref<1x80xi32, #tpu.memory_space<vmem>> -> memref<80xi32, #tpu.memory_space<vmem>>
    %dma_wait3A_209 = arith.constant 0 : i32
    %dma_wait3A_210 = arith.constant 0 : i32
    %dma_wait3A_211 = tpu.memref_slice %arg10[%dma_wait3A_209, %dma_wait3A_210] : memref<10016x64xf32, #tpu.memory_space<vmem_shared>> -> memref<10016x64xf32, #tpu.memory_space<vmem_shared>>
    %dma_wait3A_212 = tpu.memref_slice %arg11[%dma_wait3A_201] : memref<11x!tpu.dma_semaphore, #tpu.memory_space<semaphore_mem>> -> memref<1x!tpu.dma_semaphore, #tpu.memory_space<semaphore_mem>>
    %dma_wait3A_213 = tpu.memref_squeeze %dma_wait3A_212 : memref<1x!tpu.dma_semaphore, #tpu.memory_space<semaphore_mem>> -> memref<!tpu.dma_semaphore, #tpu.memory_space<semaphore_mem>>
    tpu.wait_indirect_dma semaphore(%dma_wait3A_213 : memref<!tpu.dma_semaphore, #tpu.memory_space<semaphore_mem>>) src(%dma_wait3A_205 : memref<80x64xf32, #tpu.memory_space<vmem>>) dst(%dma_wait3A_211 : memref<10016x64xf32, #tpu.memory_space<vmem_shared>>)
    %barrier3A_214 = arith.constant 0 : index
    tpu.barrier barrier_id(%barrier3A_214)
    %lt3A_215 = arith.constant 15 : i32
    %lt3A_216 = arith.cmpi slt, %arg1, %lt3A_215 : i32
    %convert_element_type3A_217 = arith.extui %lt3A_216 : i1 to i32
    %cond3A_218 = arith.constant 0 : i32
    %cond3A_219 = arith.cmpi ne, %convert_element_type3A_217, %cond3A_218 : i32
    scf.if %cond3A_219 {
      %mul3A_225 = arith.constant 640 : i32
      %mul3A_226 = arith.muli %arg1, %mul3A_225 : i32
      %multiple_of3A = tpu.assume_multiple %mul3A_226, 8 : i32
      "tpu.region"() ({
        %run_scoped3A = tpu.sem_alloc : memref<!tpu.dma_semaphore, #tpu.memory_space<semaphore_mem>>
        %dma_start3A_227 = arith.constant 0 : i32
        %dma_start3A_228 = tpu.memref_slice %arg6[%arg0, %multiple_of3A, %dma_start3A_227] : memref<2x10000x64xf32, #tpu.memory_space<hbm>> -> memref<1x640x64xf32, #tpu.memory_space<hbm>>
        %dma_start3A_229 = tpu.memref_squeeze %dma_start3A_228 : memref<1x640x64xf32, #tpu.memory_space<hbm>> -> memref<640x64xf32, #tpu.memory_space<hbm>>
        %dma_start3A_230 = arith.constant 0 : i32
        %dma_start3A_231 = tpu.memref_slice %arg10[%multiple_of3A, %dma_start3A_230] : memref<10016x64xf32, #tpu.memory_space<vmem_shared>> -> memref<640x64xf32, #tpu.memory_space<vmem_shared>>
        tpu.enqueue_dma source(%dma_start3A_231 : memref<640x64xf32, #tpu.memory_space<vmem_shared>>) target(%dma_start3A_229 : memref<640x64xf32, #tpu.memory_space<hbm>>) target_semaphore(%run_scoped3A : memref<!tpu.dma_semaphore, #tpu.memory_space<semaphore_mem>>)
        %dma_wait3A_232 = arith.constant 0 : i32
        %dma_wait3A_233 = tpu.memref_slice %arg6[%arg0, %multiple_of3A, %dma_wait3A_232] : memref<2x10000x64xf32, #tpu.memory_space<hbm>> -> memref<1x640x64xf32, #tpu.memory_space<hbm>>
        %dma_wait3A_234 = tpu.memref_squeeze %dma_wait3A_233 : memref<1x640x64xf32, #tpu.memory_space<hbm>> -> memref<640x64xf32, #tpu.memory_space<hbm>>
        %dma_wait3A_235 = arith.constant 0 : i32
        %dma_wait3A_236 = tpu.memref_slice %arg10[%multiple_of3A, %dma_wait3A_235] : memref<10016x64xf32, #tpu.memory_space<vmem_shared>> -> memref<640x64xf32, #tpu.memory_space<vmem_shared>>
        tpu.wait_dma2 semaphore(%run_scoped3A : memref<!tpu.dma_semaphore, #tpu.memory_space<semaphore_mem>>) src(%dma_wait3A_236 : memref<640x64xf32, #tpu.memory_space<vmem_shared>>) dst(%dma_wait3A_234 : memref<640x64xf32, #tpu.memory_space<hbm>>)
        tpu.yield
      }) : () -> ()
    } else {
    }
    %eq3A_220 = arith.constant 15 : i32
    %eq3A_221 = arith.cmpi eq, %arg1, %eq3A_220 : i32
    %convert_element_type3A_222 = arith.extui %eq3A_221 : i1 to i32
    %cond3A_223 = arith.constant 0 : i32
    %cond3A_224 = arith.cmpi ne, %convert_element_type3A_222, %cond3A_223 : i32
    scf.if %cond3A_224 {
      "tpu.region"() ({
        %run_scoped3A = tpu.sem_alloc : memref<!tpu.dma_semaphore, #tpu.memory_space<semaphore_mem>>
        %dma_start3A_225 = arith.constant 9600 : i32
        %dma_start3A_226 = arith.constant 0 : i32
        %dma_start3A_227 = tpu.memref_slice %arg6[%arg0, %dma_start3A_225, %dma_start3A_226] : memref<2x10000x64xf32, #tpu.memory_space<hbm>> -> memref<1x400x64xf32, #tpu.memory_space<hbm>>
        %dma_start3A_228 = tpu.memref_squeeze %dma_start3A_227 : memref<1x400x64xf32, #tpu.memory_space<hbm>> -> memref<400x64xf32, #tpu.memory_space<hbm>>
        %dma_start3A_229 = arith.constant 9600 : i32
        %dma_start3A_230 = arith.constant 0 : i32
        %dma_start3A_231 = tpu.memref_slice %arg10[%dma_start3A_229, %dma_start3A_230] : memref<10016x64xf32, #tpu.memory_space<vmem_shared>> -> memref<400x64xf32, #tpu.memory_space<vmem_shared>>
        tpu.enqueue_dma source(%dma_start3A_231 : memref<400x64xf32, #tpu.memory_space<vmem_shared>>) target(%dma_start3A_228 : memref<400x64xf32, #tpu.memory_space<hbm>>) target_semaphore(%run_scoped3A : memref<!tpu.dma_semaphore, #tpu.memory_space<semaphore_mem>>)
        %dma_wait3A_232 = arith.constant 9600 : i32
        %dma_wait3A_233 = arith.constant 0 : i32
        %dma_wait3A_234 = tpu.memref_slice %arg6[%arg0, %dma_wait3A_232, %dma_wait3A_233] : memref<2x10000x64xf32, #tpu.memory_space<hbm>> -> memref<1x400x64xf32, #tpu.memory_space<hbm>>
        %dma_wait3A_235 = tpu.memref_squeeze %dma_wait3A_234 : memref<1x400x64xf32, #tpu.memory_space<hbm>> -> memref<400x64xf32, #tpu.memory_space<hbm>>
        %dma_wait3A_236 = arith.constant 9600 : i32
        %dma_wait3A_237 = arith.constant 0 : i32
        %dma_wait3A_238 = tpu.memref_slice %arg10[%dma_wait3A_236, %dma_wait3A_237] : memref<10016x64xf32, #tpu.memory_space<vmem_shared>> -> memref<400x64xf32, #tpu.memory_space<vmem_shared>>
        tpu.wait_dma2 semaphore(%run_scoped3A : memref<!tpu.dma_semaphore, #tpu.memory_space<semaphore_mem>>) src(%dma_wait3A_238 : memref<400x64xf32, #tpu.memory_space<vmem_shared>>) dst(%dma_wait3A_235 : memref<400x64xf32, #tpu.memory_space<hbm>>)
        tpu.yield
      }) : () -> ()
    } else {
    }
    return
  }
}

module attributes {stable_mosaic.version = 14 : i64} {
  func.func @_mm0_body(%arg0: memref<10000x128xf32, #tpu.memory_space<vmem>>, %arg1: memref<128x64xf32, #tpu.memory_space<vmem>>, %arg2: memref<10000x64xf32, #tpu.memory_space<vmem>>) attributes {dimension_semantics = [], scalar_prefetch = 0 : i64, scratch_operands = 0 : i64, tpu.core_type = #tpu.core_type<tc>} {
    %get3A = arith.constant 0 : index
    %get3A_0 = arith.constant 0 : index
    %get3A_1 = vector.load %arg0[%get3A, %get3A_0] : memref<10000x128xf32, #tpu.memory_space<vmem>>, vector<10000x128xf32>
    %get3A_2 = arith.constant 0 : index
    %get3A_3 = arith.constant 0 : index
    %get3A_4 = vector.load %arg1[%get3A_2, %get3A_3] : memref<128x64xf32, #tpu.memory_space<vmem>>, vector<128x64xf32>
    %dot_general3A = arith.constant dense<0.000000e+00> : vector<10000x64xf32>
    %dot_general3A_5 = tpu.matmul %get3A_1, %get3A_4, %dot_general3A {dimension_numbers = #tpu.dot_dimension_numbers<[1], [0], [0], [1], [0, 0, 1, 1], [], []>, precision = #tpu.contract_precision<fp32>, transpose_lhs_hint = false} : vector<10000x128xf32>, vector<128x64xf32>, vector<10000x64xf32> -> vector<10000x64xf32>
    %swap3A = arith.constant 0 : index
    %swap3A_6 = arith.constant 0 : index
    %swap3A_7 = vector.load %arg2[%swap3A, %swap3A_6] : memref<10000x64xf32, #tpu.memory_space<vmem>>, vector<10000x64xf32>
    tpu.vector_store %arg2[%swap3A, %swap3A_6], %dot_general3A_5 {strides = array<i32>} : memref<10000x64xf32, #tpu.memory_space<vmem>>, vector<10000x64xf32>,
    return
  }
}

module attributes {stable_mosaic.version = 14 : i64} {
  func.func @_head_body(%arg0: memref<32x10000xf32, #tpu.memory_space<vmem>>, %arg1: memref<10000x64xf32, #tpu.memory_space<vmem>>, %arg2: memref<10000x64xf32, #tpu.memory_space<vmem>>, %arg3: memref<10000x1xf32, #tpu.memory_space<vmem>>) attributes {dimension_semantics = [], scalar_prefetch = 0 : i64, scratch_operands = 0 : i64, tpu.core_type = #tpu.core_type<tc>} {
    %get3A = arith.constant 0 : index
    %get3A_0 = arith.constant 0 : index
    %get3A_1 = vector.load %arg0[%get3A, %get3A_0] : memref<32x10000xf32, #tpu.memory_space<vmem>>, vector<32x10000xf32>
    %reduce_sum3A = arith.constant dense<0.000000e+00> : vector<10000xf32>
    %reduce_sum3A_2 = vector.multi_reduction <add>, %get3A_1, %reduce_sum3A [0] : vector<32x10000xf32> to vector<10000xf32>
    %add3A = arith.constant 1.000000e+00 : f32
    %add3A_3 = vector.broadcast %add3A : f32 to vector<10000xf32>
    %add3A_4 = arith.addf %reduce_sum3A_2, %add3A_3 : vector<10000xf32>
    %rsqrt3A = math.rsqrt %add3A_4 : vector<10000xf32>
    %broadcast_in_dim3A = vector.shape_cast %rsqrt3A : vector<10000xf32> to vector<10000x1xf32>
    %get3A_5 = arith.constant 0 : index
    %get3A_6 = arith.constant 0 : index
    %get3A_7 = vector.load %arg1[%get3A_5, %get3A_6] : memref<10000x64xf32, #tpu.memory_space<vmem>>, vector<10000x64xf32>
    %mul3A = vector.broadcast %broadcast_in_dim3A : vector<10000x1xf32> to vector<10000x64xf32>
    %mul3A_8 = arith.mulf %mul3A, %get3A_7 : vector<10000x64xf32>
    %swap3A = arith.constant 0 : index
    %swap3A_9 = arith.constant 0 : index
    %swap3A_10 = vector.load %arg2[%swap3A, %swap3A_9] : memref<10000x64xf32, #tpu.memory_space<vmem>>, vector<10000x64xf32>
    tpu.vector_store %arg2[%swap3A, %swap3A_9], %mul3A_8 {strides = array<i32>} : memref<10000x64xf32, #tpu.memory_space<vmem>>, vector<10000x64xf32>,
    %swap3A_11 = arith.constant 0 : index
    %swap3A_12 = arith.constant 0 : index
    %swap3A_13 = vector.load %arg3[%swap3A_11, %swap3A_12] : memref<10000x1xf32, #tpu.memory_space<vmem>>, vector<10000x1xf32>
    tpu.vector_store %arg3[%swap3A_11, %swap3A_12], %broadcast_in_dim3A {strides = array<i32>} : memref<10000x1xf32, #tpu.memory_space<vmem>>, vector<10000x1xf32>,
    return
  }
}

module attributes {stable_mosaic.version = 14 : i64} {
  func.func @_mid_body(%arg0: memref<2x10000x64xf32, #tpu.memory_space<vmem>>, %arg1: memref<10000x1xf32, #tpu.memory_space<vmem>>, %arg2: memref<1x64xf32, #tpu.memory_space<vmem>>, %arg3: memref<1x64xf32, #tpu.memory_space<vmem>>, %arg4: memref<1x64xf32, #tpu.memory_space<vmem>>, %arg5: memref<64x64xf32, #tpu.memory_space<vmem>>, %arg6: memref<10000x64xf32, #tpu.memory_space<vmem>>) attributes {dimension_semantics = [], scalar_prefetch = 0 : i64, scratch_operands = 0 : i64, tpu.core_type = #tpu.core_type<tc>} {
    %get3A = arith.constant 0 : index
    %get3A_0 = arith.constant 0 : index
    %get3A_1 = vector.load %arg1[%get3A, %get3A_0] : memref<10000x1xf32, #tpu.memory_space<vmem>>, vector<10000x1xf32>
    %get3A_2 = arith.constant 0 : index
    %get3A_3 = arith.constant 0 : index
    %get3A_4 = arith.constant 0 : index
    %get3A_5 = vector.load %arg0[%get3A_2, %get3A_3, %get3A_4] : memref<2x10000x64xf32, #tpu.memory_space<vmem>>, vector<1x10000x64xf32>
    %get3A_6 = vector.shape_cast %get3A_5 : vector<1x10000x64xf32> to vector<10000x64xf32>
    %get3A_7 = arith.constant 1 : index
    %get3A_8 = arith.constant 0 : index
    %get3A_9 = arith.constant 0 : index
    %get3A_10 = vector.load %arg0[%get3A_7, %get3A_8, %get3A_9] : memref<2x10000x64xf32, #tpu.memory_space<vmem>>, vector<1x10000x64xf32>
    %get3A_11 = vector.shape_cast %get3A_10 : vector<1x10000x64xf32> to vector<10000x64xf32>
    %add3A = arith.addf %get3A_6, %get3A_11 : vector<10000x64xf32>
    %mul3A = vector.broadcast %get3A_1 : vector<10000x1xf32> to vector<10000x64xf32>
    %mul3A_12 = arith.mulf %mul3A, %add3A : vector<10000x64xf32>
    %get3A_13 = arith.constant 0 : index
    %get3A_14 = arith.constant 0 : index
    %get3A_15 = vector.load %arg2[%get3A_13, %get3A_14] : memref<1x64xf32, #tpu.memory_space<vmem>>, vector<1x64xf32>
    %add3A_16 = vector.broadcast %get3A_15 : vector<1x64xf32> to vector<10000x64xf32>
    %add3A_17 = arith.addf %mul3A_12, %add3A_16 : vector<10000x64xf32>
    %reduce_sum3A = arith.constant dense<0.000000e+00> : vector<64xf32>
    %reduce_sum3A_18 = vector.multi_reduction <add>, %add3A_17, %reduce_sum3A [0] : vector<10000x64xf32> to vector<64xf32>
    %broadcast_in_dim3A = vector.shape_cast %reduce_sum3A_18 : vector<64xf32> to vector<1x64xf32>
    %div3A = arith.constant 1.000000e+04 : f32
    %div3A_19 = vector.broadcast %div3A : f32 to vector<1x64xf32>
    %div3A_20 = arith.divf %broadcast_in_dim3A, %div3A_19 : vector<1x64xf32>
    %sub3A = vector.broadcast %div3A_20 : vector<1x64xf32> to vector<10000x64xf32>
    %sub3A_21 = arith.subf %add3A_17, %sub3A : vector<10000x64xf32>
    %mul3A_22 = arith.mulf %sub3A_21, %sub3A_21 : vector<10000x64xf32>
    %reduce_sum3A_23 = arith.constant dense<0.000000e+00> : vector<64xf32>
    %reduce_sum3A_24 = vector.multi_reduction <add>, %mul3A_22, %reduce_sum3A_23 [0] : vector<10000x64xf32> to vector<64xf32>
    %broadcast_in_dim3A_25 = vector.shape_cast %reduce_sum3A_24 : vector<64xf32> to vector<1x64xf32>
    %div3A_26 = arith.constant 1.000000e+04 : f32
    %div3A_27 = vector.broadcast %div3A_26 : f32 to vector<1x64xf32>
    %div3A_28 = arith.divf %broadcast_in_dim3A_25, %div3A_27 : vector<1x64xf32>
    %add3A_29 = arith.constant 9.99999974E-6 : f32
    %add3A_30 = vector.broadcast %add3A_29 : f32 to vector<1x64xf32>
    %add3A_31 = arith.addf %div3A_28, %add3A_30 : vector<1x64xf32>
    %rsqrt3A = math.rsqrt %add3A_31 : vector<1x64xf32>
    %mul3A_32 = vector.broadcast %rsqrt3A : vector<1x64xf32> to vector<10000x64xf32>
    %mul3A_33 = arith.mulf %sub3A_21, %mul3A_32 : vector<10000x64xf32>
    %get3A_34 = arith.constant 0 : index
    %get3A_35 = arith.constant 0 : index
    %get3A_36 = vector.load %arg3[%get3A_34, %get3A_35] : memref<1x64xf32, #tpu.memory_space<vmem>>, vector<1x64xf32>
    %mul3A_37 = vector.broadcast %get3A_36 : vector<1x64xf32> to vector<10000x64xf32>
    %mul3A_38 = arith.mulf %mul3A_33, %mul3A_37 : vector<10000x64xf32>
    %get3A_39 = arith.constant 0 : index
    %get3A_40 = arith.constant 0 : index
    %get3A_41 = vector.load %arg4[%get3A_39, %get3A_40] : memref<1x64xf32, #tpu.memory_space<vmem>>, vector<1x64xf32>
    %add3A_42 = vector.broadcast %get3A_41 : vector<1x64xf32> to vector<10000x64xf32>
    %add3A_43 = arith.addf %mul3A_38, %add3A_42 : vector<10000x64xf32>
    %max3A = arith.constant 0.000000e+00 : f32
    %max3A_44 = vector.broadcast %max3A : f32 to vector<10000x64xf32>
    %max3A_45 = arith.maximumf %add3A_43, %max3A_44 : vector<10000x64xf32>
    %get3A_46 = arith.constant 0 : index
    %get3A_47 = arith.constant 0 : index
    %get3A_48 = vector.load %arg1[%get3A_46, %get3A_47] : memref<10000x1xf32, #tpu.memory_space<vmem>>, vector<10000x1xf32>
    %get3A_49 = arith.constant 0 : index
    %get3A_50 = arith.constant 0 : index
    %get3A_51 = vector.load %arg5[%get3A_49, %get3A_50] : memref<64x64xf32, #tpu.memory_space<vmem>>, vector<64x64xf32>
    %dot_general3A = arith.constant dense<0.000000e+00> : vector<10000x64xf32>
    %dot_general3A_52 = tpu.matmul %max3A_45, %get3A_51, %dot_general3A {dimension_numbers = #tpu.dot_dimension_numbers<[1], [0], [0], [1], [0, 0, 1, 1], [], []>, precision = #tpu.contract_precision<fp32>, transpose_lhs_hint = false} : vector<10000x64xf32>, vector<64x64xf32>, vector<10000x64xf32> -> vector<10000x64xf32>
    %mul3A_53 = vector.broadcast %get3A_48 : vector<10000x1xf32> to vector<10000x64xf32>
    %mul3A_54 = arith.mulf %mul3A_53, %dot_general3A_52 : vector<10000x64xf32>
    %swap3A = arith.constant 0 : index
    %swap3A_55 = arith.constant 0 : index
    %swap3A_56 = vector.load %arg6[%swap3A, %swap3A_55] : memref<10000x64xf32, #tpu.memory_space<vmem>>, vector<10000x64xf32>
    tpu.vector_store %arg6[%swap3A, %swap3A_55], %mul3A_54 {strides = array<i32>} : memref<10000x64xf32, #tpu.memory_space<vmem>>, vector<10000x64xf32>,
    return
  }
}

module attributes {stable_mosaic.version = 14 : i64} {
  func.func @_final_body(%arg0: memref<2x10000x64xf32, #tpu.memory_space<vmem>>, %arg1: memref<10000x1xf32, #tpu.memory_space<vmem>>, %arg2: memref<1x64xf32, #tpu.memory_space<vmem>>, %arg3: memref<1x64xf32, #tpu.memory_space<vmem>>, %arg4: memref<1x64xf32, #tpu.memory_space<vmem>>, %arg5: memref<1x10000xi32, #tpu.memory_space<vmem>>, %arg6: memref<64x32xf32, #tpu.memory_space<vmem>>, %arg7: memref<1x32xf32, #tpu.memory_space<vmem>>, %arg8: memref<32x10xf32, #tpu.memory_space<vmem>>, %arg9: memref<1x10xf32, #tpu.memory_space<vmem>>, %arg10: memref<64x10xf32, #tpu.memory_space<vmem>>) attributes {dimension_semantics = [], scalar_prefetch = 0 : i64, scratch_operands = 0 : i64, tpu.core_type = #tpu.core_type<tc>} {
    %get3A = arith.constant 0 : index
    %get3A_0 = arith.constant 0 : index
    %get3A_1 = vector.load %arg1[%get3A, %get3A_0] : memref<10000x1xf32, #tpu.memory_space<vmem>>, vector<10000x1xf32>
    %get3A_2 = arith.constant 0 : index
    %get3A_3 = arith.constant 0 : index
    %get3A_4 = arith.constant 0 : index
    %get3A_5 = vector.load %arg0[%get3A_2, %get3A_3, %get3A_4] : memref<2x10000x64xf32, #tpu.memory_space<vmem>>, vector<1x10000x64xf32>
    %get3A_6 = vector.shape_cast %get3A_5 : vector<1x10000x64xf32> to vector<10000x64xf32>
    %get3A_7 = arith.constant 1 : index
    %get3A_8 = arith.constant 0 : index
    %get3A_9 = arith.constant 0 : index
    %get3A_10 = vector.load %arg0[%get3A_7, %get3A_8, %get3A_9] : memref<2x10000x64xf32, #tpu.memory_space<vmem>>, vector<1x10000x64xf32>
    %get3A_11 = vector.shape_cast %get3A_10 : vector<1x10000x64xf32> to vector<10000x64xf32>
    %add3A = arith.addf %get3A_6, %get3A_11 : vector<10000x64xf32>
    %mul3A = vector.broadcast %get3A_1 : vector<10000x1xf32> to vector<10000x64xf32>
    %mul3A_12 = arith.mulf %mul3A, %add3A : vector<10000x64xf32>
    %get3A_13 = arith.constant 0 : index
    %get3A_14 = arith.constant 0 : index
    %get3A_15 = vector.load %arg2[%get3A_13, %get3A_14] : memref<1x64xf32, #tpu.memory_space<vmem>>, vector<1x64xf32>
    %add3A_16 = vector.broadcast %get3A_15 : vector<1x64xf32> to vector<10000x64xf32>
    %add3A_17 = arith.addf %mul3A_12, %add3A_16 : vector<10000x64xf32>
    %reduce_sum3A = arith.constant dense<0.000000e+00> : vector<64xf32>
    %reduce_sum3A_18 = vector.multi_reduction <add>, %add3A_17, %reduce_sum3A [0] : vector<10000x64xf32> to vector<64xf32>
    %broadcast_in_dim3A = vector.shape_cast %reduce_sum3A_18 : vector<64xf32> to vector<1x64xf32>
    %div3A = arith.constant 1.000000e+04 : f32
    %div3A_19 = vector.broadcast %div3A : f32 to vector<1x64xf32>
    %div3A_20 = arith.divf %broadcast_in_dim3A, %div3A_19 : vector<1x64xf32>
    %sub3A = vector.broadcast %div3A_20 : vector<1x64xf32> to vector<10000x64xf32>
    %sub3A_21 = arith.subf %add3A_17, %sub3A : vector<10000x64xf32>
    %mul3A_22 = arith.mulf %sub3A_21, %sub3A_21 : vector<10000x64xf32>
    %reduce_sum3A_23 = arith.constant dense<0.000000e+00> : vector<64xf32>
    %reduce_sum3A_24 = vector.multi_reduction <add>, %mul3A_22, %reduce_sum3A_23 [0] : vector<10000x64xf32> to vector<64xf32>
    %broadcast_in_dim3A_25 = vector.shape_cast %reduce_sum3A_24 : vector<64xf32> to vector<1x64xf32>
    %div3A_26 = arith.constant 1.000000e+04 : f32
    %div3A_27 = vector.broadcast %div3A_26 : f32 to vector<1x64xf32>
    %div3A_28 = arith.divf %broadcast_in_dim3A_25, %div3A_27 : vector<1x64xf32>
    %add3A_29 = arith.constant 9.99999974E-6 : f32
    %add3A_30 = vector.broadcast %add3A_29 : f32 to vector<1x64xf32>
    %add3A_31 = arith.addf %div3A_28, %add3A_30 : vector<1x64xf32>
    %rsqrt3A = math.rsqrt %add3A_31 : vector<1x64xf32>
    %mul3A_32 = vector.broadcast %rsqrt3A : vector<1x64xf32> to vector<10000x64xf32>
    %mul3A_33 = arith.mulf %sub3A_21, %mul3A_32 : vector<10000x64xf32>
    %get3A_34 = arith.constant 0 : index
    %get3A_35 = arith.constant 0 : index
    %get3A_36 = vector.load %arg3[%get3A_34, %get3A_35] : memref<1x64xf32, #tpu.memory_space<vmem>>, vector<1x64xf32>
    %mul3A_37 = vector.broadcast %get3A_36 : vector<1x64xf32> to vector<10000x64xf32>
    %mul3A_38 = arith.mulf %mul3A_33, %mul3A_37 : vector<10000x64xf32>
    %get3A_39 = arith.constant 0 : index
    %get3A_40 = arith.constant 0 : index
    %get3A_41 = vector.load %arg4[%get3A_39, %get3A_40] : memref<1x64xf32, #tpu.memory_space<vmem>>, vector<1x64xf32>
    %add3A_42 = vector.broadcast %get3A_41 : vector<1x64xf32> to vector<10000x64xf32>
    %add3A_43 = arith.addf %mul3A_38, %add3A_42 : vector<10000x64xf32>
    %max3A = arith.constant 0.000000e+00 : f32
    %max3A_44 = vector.broadcast %max3A : f32 to vector<10000x64xf32>
    %max3A_45 = arith.maximumf %add3A_43, %max3A_44 : vector<10000x64xf32>
    %iota3A = tpu.iota {dimensions = array<i32: 0>} : vector<64x10000xi32>
    %get3A_46 = arith.constant 0 : index
    %get3A_47 = arith.constant 0 : index
    %get3A_48 = vector.load %arg5[%get3A_46, %get3A_47] : memref<1x10000xi32, #tpu.memory_space<vmem>>, vector<1x10000xi32>
    %eq3A = vector.broadcast %get3A_48 : vector<1x10000xi32> to vector<64x10000xi32>
    %eq3A_49 = arith.cmpi eq, %eq3A, %iota3A : vector<64x10000xi32>
    %convert_element_type3A = arith.extui %eq3A_49 : vector<64x10000xi1> to vector<64x10000xi32>
    %convert_element_type3A_50 = arith.sitofp %convert_element_type3A : vector<64x10000xi32> to vector<64x10000xf32>
    %reduce_sum3A_51 = arith.constant dense<0.000000e+00> : vector<64xf32>
    %reduce_sum3A_52 = vector.multi_reduction <add>, %convert_element_type3A_50, %reduce_sum3A_51 [1] : vector<64x10000xf32> to vector<64xf32>
    %broadcast_in_dim3A_53 = vector.shape_cast %reduce_sum3A_52 : vector<64xf32> to vector<64x1xf32>
    %dot_general3A = arith.constant dense<0.000000e+00> : vector<64x64xf32>
    %dot_general3A_54 = tpu.matmul %convert_element_type3A_50, %max3A_45, %dot_general3A {dimension_numbers = #tpu.dot_dimension_numbers<[1], [0], [0], [1], [0, 0, 1, 1], [], []>, precision = #tpu.contract_precision<fp32>, transpose_lhs_hint = false} : vector<64x10000xf32>, vector<10000x64xf32>, vector<64x64xf32> -> vector<64x64xf32>
    %max3A_55 = arith.constant 1.000000e+00 : f32
    %max3A_56 = vector.broadcast %max3A_55 : f32 to vector<64x1xf32>
    %max3A_57 = arith.maximumf %broadcast_in_dim3A_53, %max3A_56 : vector<64x1xf32>
    %div3A_58 = vector.broadcast %max3A_57 : vector<64x1xf32> to vector<64x64xf32>
    %div3A_59 = arith.divf %dot_general3A_54, %div3A_58 : vector<64x64xf32>
    %get3A_60 = arith.constant 0 : index
    %get3A_61 = arith.constant 0 : index
    %get3A_62 = vector.load %arg6[%get3A_60, %get3A_61] : memref<64x32xf32, #tpu.memory_space<vmem>>, vector<64x32xf32>
    %dot_general3A_63 = arith.constant dense<0.000000e+00> : vector<64x32xf32>
    %dot_general3A_64 = tpu.matmul %div3A_59, %get3A_62, %dot_general3A_63 {dimension_numbers = #tpu.dot_dimension_numbers<[1], [0], [0], [1], [0, 0, 1, 1], [], []>, precision = #tpu.contract_precision<fp32>, transpose_lhs_hint = false} : vector<64x64xf32>, vector<64x32xf32>, vector<64x32xf32> -> vector<64x32xf32>
    %get3A_65 = arith.constant 0 : index
    %get3A_66 = arith.constant 0 : index
    %get3A_67 = vector.load %arg7[%get3A_65, %get3A_66] : memref<1x32xf32, #tpu.memory_space<vmem>>, vector<1x32xf32>
    %add3A_68 = vector.broadcast %get3A_67 : vector<1x32xf32> to vector<64x32xf32>
    %add3A_69 = arith.addf %dot_general3A_64, %add3A_68 : vector<64x32xf32>
    %max3A_70 = arith.constant 0.000000e+00 : f32
    %max3A_71 = vector.broadcast %max3A_70 : f32 to vector<64x32xf32>
    %max3A_72 = arith.maximumf %add3A_69, %max3A_71 : vector<64x32xf32>
    %get3A_73 = arith.constant 0 : index
    %get3A_74 = arith.constant 0 : index
    %get3A_75 = vector.load %arg8[%get3A_73, %get3A_74] : memref<32x10xf32, #tpu.memory_space<vmem>>, vector<32x10xf32>
    %dot_general3A_76 = arith.constant dense<0.000000e+00> : vector<64x10xf32>
    %dot_general3A_77 = tpu.matmul %max3A_72, %get3A_75, %dot_general3A_76 {dimension_numbers = #tpu.dot_dimension_numbers<[1], [0], [0], [1], [0, 0, 1, 1], [], []>, precision = #tpu.contract_precision<fp32>, transpose_lhs_hint = false} : vector<64x32xf32>, vector<32x10xf32>, vector<64x10xf32> -> vector<64x10xf32>
    %get3A_78 = arith.constant 0 : index
    %get3A_79 = arith.constant 0 : index
    %get3A_80 = vector.load %arg9[%get3A_78, %get3A_79] : memref<1x10xf32, #tpu.memory_space<vmem>>, vector<1x10xf32>
    %add3A_81 = vector.broadcast %get3A_80 : vector<1x10xf32> to vector<64x10xf32>
    %add3A_82 = arith.addf %dot_general3A_77, %add3A_81 : vector<64x10xf32>
    %reduce_max3A = arith.constant dense<0xFF800000> : vector<64xf32>
    %reduce_max3A_83 = vector.multi_reduction <maximumf>, %add3A_82, %reduce_max3A [1] : vector<64x10xf32> to vector<64xf32>
    %broadcast_in_dim3A_84 = vector.shape_cast %reduce_max3A_83 : vector<64xf32> to vector<64x1xf32>
    %sub3A_85 = vector.broadcast %broadcast_in_dim3A_84 : vector<64x1xf32> to vector<64x10xf32>
    %sub3A_86 = arith.subf %add3A_82, %sub3A_85 : vector<64x10xf32>
    %exp3A = math.exp %sub3A_86 : vector<64x10xf32>
    %reduce_sum3A_87 = arith.constant dense<0.000000e+00> : vector<64xf32>
    %reduce_sum3A_88 = vector.multi_reduction <add>, %exp3A, %reduce_sum3A_87 [1] : vector<64x10xf32> to vector<64xf32>
    %broadcast_in_dim3A_89 = vector.shape_cast %reduce_sum3A_88 : vector<64xf32> to vector<64x1xf32>
    %log3A = math.log %broadcast_in_dim3A_89 : vector<64x1xf32>
    %add3A_90 = arith.addf %log3A, %broadcast_in_dim3A_84 : vector<64x1xf32>
    %sub3A_91 = vector.broadcast %add3A_90 : vector<64x1xf32> to vector<64x10xf32>
    %sub3A_92 = arith.subf %add3A_82, %sub3A_91 : vector<64x10xf32>
    %swap3A = arith.constant 0 : index
    %swap3A_93 = arith.constant 0 : index
    %swap3A_94 = vector.load %arg10[%swap3A, %swap3A_93] : memref<64x10xf32, #tpu.memory_space<vmem>>, vector<64x10xf32>
    tpu.vector_store %arg10[%swap3A, %swap3A_93], %sub3A_92 {strides = array<i32>} : memref<64x10xf32, #tpu.memory_space<vmem>>, vector<64x10xf32>,
    return
  }
}

</mosaic_0001>

<sc_bundles>
// kernel: kernel.11.cloned.1.call-start
scs
__scs_entry_jumppad:
0x0: {  	(pc) =	sbr.rel $0x88, $3  }
0x1: {  	(tag) =	ssettag $0x0;
	lr =	simm.s32 $0x1  }
0x2: {  	[smem:$0x3F8E] =	sst lr;
	_ =	strace $0xD0000000  }
0x3: {  	_ = 	snop  }
0x4: {  	_ = 	snop  }
0x5: {  	_ = 	snop  }
0x6: {  	_ = 	snop  }
0x7: {  	_ = 	snop  }
__scs_overlays_trampoline_lowered:
0x8: {  	[smem:$0x3F9D] =	sst s0  }
0x9: {  	[smem:$0x3F9E] =	sst s1  }
0xa: {  	[smem:$0x3F9F] =	sst s2  }
0xb: {  	[smem:$0x3FA0] =	sst s3  }
0xc: {  	[smem:$0x3FA1] =	sst s4  }
0xd: {  	[smem:$0x3FA2] =	sst s5  }
0xe: {  	[smem:$0x3FA3] =	sst s6  }
0xf: {  	[smem:$0x3FA4] =	sst s7  }
0x10: {  	[smem:$0x3FA5] =	sst s8  }
0x11: {  	[smem:$0x3FA6] =	sst s9;
	s0 =	simm.s32 @!p0 $0x0  }
0x12: {  	s1 =	sld [smem:$0x3F8C];
	s0 =	simm.s32 @p0 $0x1  }
0x13: {  	[smem:$0x3FA7] =	sst s0;
	s0 =	simm.s32 @!p1 $0x0  }
0x14: {  	s2 =	sld [smem:$0x3F8B];
	s0 =	simm.s32 @p1 $0x1  }
0x15: {  	[smem:$0x3FA8] =	sst s0;
	s0 =	simm.s32 @!p2 $0x0  }
0x16: {  	s3 =	sld [smem:$0x3FDB];
	s0 =	simm.s32 @p2 $0x1  }
0x17: {  	s4 =	simm.s32 $0x1BF5;
	[smem:$0x3FAA] =	sst s0  }
0x18: {  	s0 =	sld [smem:$0x3F8D];
	_ =	swait.ge [sflag:s4], $0x0  }
0x19: {  	s7 =	sld [smem:$0x3F8E]  }
0x1a: {  	s8 =	sadd.s32 $0xFFFFE003, lr  }
0x1b: {  	s9 =	sadd.s32 $0xFFFFFEF7, lr;
	s5 =	simm.s32 $0xFFFFFFFF;
	p2 =	slt.u32 s8, $0xFFFFF086  }
0x1c: {  	p1 =	slt.u32 s9, $0xF7A;
	s5 =	simm.s32 @!p2 $0x0  }
0x1d: {  	s5 =	simm.s32 @p1 $0x1;
	p0 =	seq.s32 s7, s2  }
0x1e: {  	s7 =	smul.u32 @!p0 $0xF7A, s2;
	p2 =	seq.s32 @!p0 s5, $0x0  }
0x1f: {  	s9 =	smul.u32 $0xF7A, s1;
	s8 =	simm.s32 @!p0 $0x1BF5;
	p2 =	por !p2, p0  }
0x20: {  	[sflag:s8] =	ssyncset.s32 @!p0 $0xFFFFF086;
	s6 =	sadd.s32 @!p0 s3, s7;
	s7 =	simm.s32 @!p0 $0x108  }
0x21: {  	s3 =	sadd.s32 s3, s9;
	s6 =	sadd.s32 @!p0 $0x88, s6;
	s7 =	simm.s32 @p2 $0x1082  }
0x22: {  	[simem:s7], [sflag:s8] =	dma.local @!p0 [hbm:s6], $0xF7A  }
0x23: {  	s9 =	sor.u32 $0xD0000000, s2;
	s6 =	simm.s32 $0x108;
	_ =	swait.ge @!p0 [sflag:s8], $0x0  }
0x24: {  	s3 =	sadd.s32 $0x88, s3;
	s6 =	simm.s32 @!p1 $0x1082;
	[sflag:s4] =	ssyncset.s32 $0xFFFFF086  }
0x25: {  	[simem:s6], [sflag:s4] =	dma.local [hbm:s3], $0xF7A  }
0x26: {  	[smem:$0x3F8E] =	sst s1;
	(tag) =	ssettag s2;
	_ =	strace s9  }
0x27: {  	s1 =	sld [smem:$0x3F9E]  }
0x28: {  	s2 =	sld [smem:$0x3F9F]  }
0x29: {  	s4 =	sld [smem:$0x3FA1]  }
0x2a: {  	p0 =	seq.s32 s5, $0x0;
	s5 =	sld [smem:$0x3FA2]  }
0x2b: {  	s6 =	sld [smem:$0x3FA3]  }
0x2c: {  	s7 =	sld [smem:$0x3FA4]  }
0x2d: {  	s3 =	simm.s32 $0x108;
	s8 =	sld [smem:$0x3FA5]  }
0x2e: {  	s3 =	simm.s32 @!p0 $0x1082;
	s9 =	sld [smem:$0x3FA6]  }
0x2f: {  	lr =	sadd.s32 s0, s3;
	s0 =	sld [smem:$0x3F9D]  }
0x30: {  	s3 =	sld [smem:$0x3FA0]  }
0x31: {  	[smem:$0x3FA9] =	sst s10  }
0x32: {  	s10 =	sld [smem:$0x3FA7];
	_ =	sdelay $0x3  }
0x33: {  	p0 =	seq.s32 s10, $0x1;
	s10 =	sld [smem:$0x3FA9];
	_ =	sdelay $0x3  }
0x34: {  	[smem:$0x3FA9] =	sst s10  }
0x35: {  	s10 =	sld [smem:$0x3FA8];
	_ =	sdelay $0x3  }
0x36: {  	p1 =	seq.s32 s10, $0x1;
	s10 =	sld [smem:$0x3FA9];
	_ =	sdelay $0x3  }
0x37: {  	[smem:$0x3FA9] =	sst s10  }
0x38: {  	s10 =	sld [smem:$0x3FAA]  }
0x39: {  	_ = 	snop;
	(pc) =	sbr.ind lr, $3  }
0x3a: {  	_ = 	snop  }
0x3b: {  	_ = 	snop  }
0x3c: {  	p2 =	seq.s32 s10, $0x1;
	s10 =	sld [smem:$0x3FA9]  }
0x3d: {  	_ =	shalt  }
0x3e: {  	_ =	shalt  }
0x3f: {  	_ =	shalt  }
0x40: {  	_ =	shalt  }
0x41: {  	_ =	shalt  }
0x42: {  	_ =	shalt  }
0x43: {  	_ =	shalt  }
0x44: {  	_ =	shalt  }
0x45: {  	_ =	shalt  }
0x46: {  	_ =	shalt  }
0x47: {  	_ =	shalt  }
0x48: {  	_ =	shalt  }
0x49: {  	_ =	shalt  }
0x4a: {  	_ =	shalt  }
0x4b: {  	_ =	shalt  }
0x4c: {  	_ =	shalt  }
0x4d: {  	_ =	shalt  }
0x4e: {  	_ =	shalt  }
0x4f: {  	_ =	shalt  }
0x50: {  	_ =	shalt  }
0x51: {  	_ =	shalt  }
0x52: {  	_ =	shalt  }
0x53: {  	_ =	shalt  }
0x54: {  	_ =	shalt  }
0x55: {  	_ =	shalt  }
0x56: {  	_ =	shalt  }
0x57: {  	_ =	shalt  }
0x58: {  	_ =	shalt  }
0x59: {  	_ =	shalt  }
0x5a: {  	_ =	shalt  }
0x5b: {  	_ =	shalt  }
0x5c: {  	_ =	shalt  }
0x5d: {  	_ =	shalt  }
0x5e: {  	_ =	shalt  }
0x5f: {  	_ =	shalt  }
0x60: {  	_ =	shalt  }
0x61: {  	_ =	shalt  }
0x62: {  	_ =	shalt  }
0x63: {  	_ =	shalt  }
0x64: {  	_ =	shalt  }
0x65: {  	_ =	shalt  }
0x66: {  	_ =	shalt  }
0x67: {  	_ =	shalt  }
0x68: {  	_ =	shalt  }
0x69: {  	_ =	shalt  }
0x6a: {  	_ =	shalt  }
0x6b: {  	_ =	shalt  }
0x6c: {  	_ =	shalt  }
0x6d: {  	_ =	shalt  }
0x6e: {  	_ =	shalt  }
0x6f: {  	_ =	shalt  }
0x70: {  	_ =	shalt  }
0x71: {  	_ =	shalt  }
0x72: {  	_ =	shalt  }
0x73: {  	_ =	shalt  }
0x74: {  	_ =	shalt  }
0x75: {  	_ =	shalt  }
0x76: {  	_ =	shalt  }
0x77: {  	_ =	shalt  }
0x78: {  	_ =	shalt  }
0x79: {  	_ =	shalt  }
0x7a: {  	_ =	shalt  }
0x7b: {  	_ =	shalt  }
0x7c: {  	_ =	shalt  }
0x7d: {  	_ =	shalt  }
0x7e: {  	_ =	shalt  }
0x7f: {  	_ =	shalt  }
0x80: {  	_ =	shalt  }
0x81: {  	_ =	shalt  }
0x82: {  	_ =	shalt  }
0x83: {  	_ =	shalt  }
0x84: {  	_ =	shalt  }
0x85: {  	_ =	shalt  }
0x86: {  	_ =	shalt  }
0x87: {  	_ =	shalt  }
.Lfunc_end0:
.L_simem_size_0:
called_computation_lowered:
.L_overlay_start_0:
0x88: {  	s2 =	sld [smem:$0x3FD9]  }
0x89: {  	s3 =	sld [smem:$0x3FFE];
	_ =	sdelay $0x1  }
0x8a: {  	s1 =	srdreg.scid  }
0x8b: {  	s0 =	sand.u32 $0x1, s1  }
0x8c: {  	s16 =	sshll.u32 s0, $0xA;
	s2 =	sadd.s32 s3, s2  }
0x8d: {  	s2 =	sadd.s32 s2, s16  }
0x8e: {  	[smem:$0x3FB5] =	sst s2  }
0x8f: {  	_ = 	snop  }
0x90: {  	(tm) =	ssettm $0x1  }
0x91: {  	s17 =	sld [smem:$0x3FFB];
	_ =	sdelay $0x3  }
0x92: {  	_ =	strace s17  }
0x93: {  	s2 =	sld [smem:$0x3FFC];
	_ =	sdelay $0x3  }
0x94: {  	_ =	strace s2  }
0x95: {  	s2 =	sld [smem:$0x3FFD];
	_ =	sdelay $0x3  }
0x96: {  	_ =	strace s2  }
0x97: {  	_ =	strace $0x8FFFFFFF  }
0x98: {  	s18 =	sld [smem:$0x3FDB];
	_ =	sdelay $0x1  }
0x99: {  	s19 =	simm.s32 $_scs_section_size  }
0x9a: {  	s4 =	simm.s32 $_size__tile_overlayer_lowered;
	s5 =	simm.s32 $_tile_overlayer_lowered  }
0x9b: {  	s22 =	simm.s32 $0x1BFF;
	s21 =	sshll.u32 s5, $0x1;
	s2 =	sadd.s32 s19, s18  }
0x9c: {  	s6 =	simm.s32 $0x0;
	s20 =	sshll.u32 s4, $0x1;
	s4 =	sadd.s32 s21, s2  }
0x9d: {  	[timem:s6], [sflag:s22] =	dma.local [hbm:s4], s20  }
0x9e: {  	_ =	swait.ge [sflag:s22], s20  }
0x9f: {  	s3 =	ssub.s32 $0x0, s20;
	[sflag:s22] =	ssyncset.done $0x0  }
0xa0: {  	[sflag:s22] =	ssyncadd.s32 s3;
	_ =	sdelay $0x1  }
0xa1: {  	s23 =	simm.s32 $0x1B8B  }
0xa2: {  	_ =	swait.ge [sflag:s23], $0x1  }
0xa3: {  	[sflag:s23] =	ssyncset.done $0x0  }
0xa4: {  	s25 =	simm.s32 $0x1B8E;
	s24 =	sld [smem:$0x3FFE];
	[sflag:s23] =	ssyncadd.s32 $0xFFFFFFFF  }
0xa5: {  	s26 =	simm.s32 $execute0_lowered;
	[smem:$0x3FD2] =	sst s25  }
0xa6: {  	s4 =	sshll.u32 s26, $0x1;
	_ =	strace $0x80000046;
	[dreg:$0x1] =	wrdreg $0xFFFFFFFF  }
0xa7: {  	s28 =	simm.s32 $_size_execute0_lowered;
	s2 =	sadd.s32 s2, s4;
	[dreg:$0x0] =	wrdreg $0x0  }
0xa8: {  	s4 =	sshll.u32 s28, $0x1;
	[dreg:$0x2] =	wrdreg s2  }
0xa9: {  	[dreg:$0x3] =	wrdreg s4  }
0xaa: {  	[dreg:$0x4] =	wrdreg $0xC0  }
0xab: {  	_ =	task [dreg:s6], $0x5FFFF  }
0xac: {  	[dreg:$0x1] =	wrdreg $0xFFFFFFFF  }
0xad: {  	[dreg:$0x0] =	wrdreg $0x60  }
0xae: {  	[dreg:$0x2] =	wrdreg s24  }
0xaf: {  	[dreg:$0x3] =	wrdreg $0x9  }
0xb0: {  	_ =	task.clear_ibuf [dreg:s6], $0x4FFFF;
	_ =	strace $0x90000046  }
0xb1: {  	s29 =	simm.s32 $0x9;
	_ =	strace $0x80000048  }
0xb2: {  	_ =	swait.ge [sflag:s29], $0x1  }
0xb3: {  	[sflag:s29] =	ssyncadd.s32 $0xFFFFFFFF  }
0xb4: {  	_ =	strace $0x90000048  }
0xb5: {  	_ =	sfence  }
0xb6: {  	s30 =	sld [smem:$0x0];
	_ =	sdelay $0x2  }
0xb7: {  	s31 =	sshll.u32 s1, $0xD;
	s1 =	sshrl.u32 s1, $0x2  }
0xb8: {  	s3 =	sand.u32 $0x4000, s31;
	s1 =	sadd.s32 s1, s30  }
0xb9: {  	s0 =	sor.u32 s3, s0;
	s1 =	sshll.u32 s1, $0x11  }
0xba: {  	s0 =	sor.u32 s1, s0  }
0xbb: {  	s0 =	sadd.s32 $0x8F2B, s0  }
0xbc: {  	[sflag:s0] =	ssyncadd.remote.s32 $0x1  }
0xbd: {  	_ =	sfence.sel $0xFFFF  }
0xbe: {  	[dreg:$0x0] =	wrdreg $0xFFFFFFFF;
	(pc) =	sbr.abs _section_cstart, $3  }
0xbf: {  	[dreg:$0x1] =	wrdreg $0xFFFFFFFF  }
0xc0: {  	_ =	task.clear_ibuf [dreg:s6], $0x2FFFF;
	_ =	strace $0x9FFFFFFF  }
0xc1: {  	(tm) =	ssettm $0x7FFFFFFF  }
tec
execute0_lowered:
.L_overlay_start_1:
0x0: {  	(tag) =	ssettag $0x1  }
0x1: {  	s1 =	srdreg.scid;
	s0 =	stileid.u32  }
0x2: {  	s4 =	sand.u32 $0x1, s1;
	s2 =	sshll.u32 s0, $0x1  }
0x3: {  	s3 =	rddreg [dreg:$0x0];
	s5 =	sor.u32 s4, s2  }
0x4: {  	s7 =	simm.s32 $0x2710;
	s8 =	simm.s32 $0x0;
	s5 =	smul.u32 $0x4E2, s5  }
0x5: {  	s1 =	rddreg [dreg:$0x1];
	s2 =	simm.s32 $0x0;
	s4 =	ssub.s32 $0x2, s4  }
0x6: {  	[smem:$0x7FF] =	sst s2;
	s6 =	sshrl.u32 s4, $0x1;
	s5 =	sadd.s32 s5, s3  }
0x7: {  	_ =	strace $0x80000047;
	s6 =	ssub.s32 s4, s6;
	s3 =	sadd.s32 $0xD200, s5  }
0x8: {  	v0 =	vimm.f32 $0.0e+00;
	v1 =	vimm.f32 $1.000000000e+00;
	s4 =	sadd.s32 $0x17000, s5;
	s5 =	smax.u32 s6, $0x1;
	s6 =	simm.s32 $0x1  }
.LBB2_1:
0x9: {  	[tilespmem:s2], [sflag:$0x1] =	stream.linear.gather [hbm4b:s3+s2], $0x2710, $0x38;
	[tilespmem:$0x4E20] =	vst v63  }
0xa: {  	_ =	swait.ge [sflag:s6], $0x2710  }
0xb: {  	[sflag:s6] =	ssyncset.done $0x0  }
0xc: {  	s9 =	simm.s32 $0x0;
	[sflag:s6] =	ssyncadd.s32 $0xFFFFD8F0  }
.LBB2_2:
0xd: {  	p0 =	sne.s32 s9, $0x9C00  }
.Ltmp0:
0xe: {  	_ = 	snop;
	(pc) =	sbr.rel @p0 .LBB2_2-.Ltmp0, $3  }
0xf: {  	_ =	sdelay $0x1  }
0x10: {  	s10 =	sshra.s32 s9, $0x2  }
0x11: {  	s9 =	sadd.s32 $0x40, s9;
	[tilespmem:s10+$0x2710] =	vst v0  }
0x12: {  	s10 =	simm.s32 $0x0;
	s9 =	simm.s32 $0x40  }
.LBB2_4:
0x13: {  	p0 =	sne.s32 s9, $0x9C00;
	v2 =	vld [tilespmem:s10+$0x0];
	_ =	sdelay $0x3  }
.Ltmp1:
0x14: {  	(pc) =	sbr.rel @p0 .LBB2_4-.Ltmp1, $2  }
0x15: {  	_ =	sdelay $0x2  }
0x16: {  	s10 =	sshra.s32 s9, $0x2;
	s9 =	sadd.s32 $0x40, s9;
	[tilespmem:v2+s7+$0x0] =	vst.idx.add.f32.msk $0xffff, v1  }
0x17: {  	v2 =	vld [tilespmem:s10+$0x0];
	_ =	sdelay $0x5  }
0x18: {  	s8 =	sadd.s32 $0x1, s8  }
0x19: {  	p0 =	sne.s32 s8, s5  }
.Ltmp2:
0x1a: {  	[tilespmem:v2+s7+$0x0] =	vst.idx.add.f32.msk $0xffff, v1;
	(pc) =	sbr.rel @p0 .LBB2_1-.Ltmp2, $4  }
0x1b: {  	[hbm4b:s4+s2] =	stream.linear.scatter [tilespmem:s7], [sflag:$0x1], $0x2710, $0x38;
	[tilespmem:$0x4E20] =	vst v63  }
0x1c: {  	_ =	swait.ge [sflag:s6], $0x2710  }
0x1d: {  	[sflag:s6] =	ssyncset.done $0x0  }
0x1e: {  	[sflag:s6] =	ssyncadd.s32 $0xFFFFD8F0  }
0x1f: {  	_ =	sfence.sel $0x180000  }
0x20: {  	[bflag:$0x0] =	sbarrier.arrive $0xFFFF  }
0x21: {  	p0 =	sne.s32 s0, $0x0;
	_ =	strace $0x90000047  }
0x22: {  	s0 =	sadd.s32 @!p0 $0x100000, s1;
	[bflag:$0x2] =	sbarrier.arrive $0xFFFF  }
0x23: {  	[sflag:s0] =	ssyncadd.tile.s32 @!p0 $0x1;
	_ =	shalt  }
.Lfunc_end2:
_tile_overlayer_lowered:
.L_overlay_start_2:
0x24: {  	(tag) =	ssettag $0x2  }
0x25: {  	s0 =	rddreg [dreg:$0x0];
	s2 =	stileid.u32  }
0x26: {  	s1 =	rddreg [dreg:$0x1];
	p0 =	sne.s32 s2, $0x0  }
0x27: {  	s3 =	rddreg [dreg:$0x2];
	[bflag:$0x3] =	sbarrier.arrive $0xFFFF;
	s2 =	simm.s32 @!p0 $0x1C01  }
0x28: {  	[timem:s3], [sflag:s2] =	dma.local @!p0 [hbm:s0], s1  }
0x29: {  	s0 =	simm.s32 @!p0 $0x1  }
0x2a: {  	_ =	swait.ge @!p0 [sflag:s0], s1  }
0x2b: {  	s1 =	ssub.s32 @!p0 $0x0, s1;
	[sflag:s0] =	ssyncset.done @!p0 $0x0  }
0x2c: {  	[sflag:s0] =	ssyncadd.s32 @!p0 s1  }
0x2d: {  	[bflag:$0x3] =	sbarrier.arrive $0xFFFF  }
0x2e: {  	_ =	shalt  }

// kernel: kernel.14.cloned.1.call-start
scs
__scs_entry_jumppad:
0x0: {  	(pc) =	sbr.rel $0x88, $3  }
0x1: {  	(tag) =	ssettag $0x0;
	lr =	simm.s32 $0x1  }
0x2: {  	[smem:$0x3F8E] =	sst lr;
	_ =	strace $0xD0000000  }
0x3: {  	_ = 	snop  }
0x4: {  	_ = 	snop  }
0x5: {  	_ = 	snop  }
0x6: {  	_ = 	snop  }
0x7: {  	_ = 	snop  }
__scs_overlays_trampoline_lowered:
0x8: {  	[smem:$0x3F9D] =	sst s0  }
0x9: {  	[smem:$0x3F9E] =	sst s1  }
0xa: {  	[smem:$0x3F9F] =	sst s2  }
0xb: {  	[smem:$0x3FA0] =	sst s3  }
0xc: {  	[smem:$0x3FA1] =	sst s4  }
0xd: {  	[smem:$0x3FA2] =	sst s5  }
0xe: {  	[smem:$0x3FA3] =	sst s6  }
0xf: {  	[smem:$0x3FA4] =	sst s7  }
0x10: {  	[smem:$0x3FA5] =	sst s8  }
0x11: {  	[smem:$0x3FA6] =	sst s9;
	s0 =	simm.s32 @!p0 $0x0  }
0x12: {  	s1 =	sld [smem:$0x3F8C];
	s0 =	simm.s32 @p0 $0x1  }
0x13: {  	[smem:$0x3FA7] =	sst s0;
	s0 =	simm.s32 @!p1 $0x0  }
0x14: {  	s2 =	sld [smem:$0x3F8B];
	s0 =	simm.s32 @p1 $0x1  }
0x15: {  	[smem:$0x3FA8] =	sst s0;
	s0 =	simm.s32 @!p2 $0x0  }
0x16: {  	s3 =	sld [smem:$0x3FDB];
	s0 =	simm.s32 @p2 $0x1  }
0x17: {  	s4 =	simm.s32 $0x1BF5;
	[smem:$0x3FAA] =	sst s0  }
0x18: {  	s0 =	sld [smem:$0x3F8D];
	_ =	swait.ge [sflag:s4], $0x0  }
0x19: {  	s7 =	sld [smem:$0x3F8E]  }
0x1a: {  	s8 =	sadd.s32 $0xFFFFE003, lr  }
0x1b: {  	s9 =	sadd.s32 $0xFFFFFEF7, lr;
	s5 =	simm.s32 $0xFFFFFFFF;
	p2 =	slt.u32 s8, $0xFFFFF086  }
0x1c: {  	p1 =	slt.u32 s9, $0xF7A;
	s5 =	simm.s32 @!p2 $0x0  }
0x1d: {  	s5 =	simm.s32 @p1 $0x1;
	p0 =	seq.s32 s7, s2  }
0x1e: {  	s7 =	smul.u32 @!p0 $0xF7A, s2;
	p2 =	seq.s32 @!p0 s5, $0x0  }
0x1f: {  	s9 =	smul.u32 $0xF7A, s1;
	s8 =	simm.s32 @!p0 $0x1BF5;
	p2 =	por !p2, p0  }
0x20: {  	[sflag:s8] =	ssyncset.s32 @!p0 $0xFFFFF086;
	s6 =	sadd.s32 @!p0 s3, s7;
	s7 =	simm.s32 @!p0 $0x108  }
0x21: {  	s3 =	sadd.s32 s3, s9;
	s6 =	sadd.s32 @!p0 $0x88, s6;
	s7 =	simm.s32 @p2 $0x1082  }
0x22: {  	[simem:s7], [sflag:s8] =	dma.local @!p0 [hbm:s6], $0xF7A  }
0x23: {  	s9 =	sor.u32 $0xD0000000, s2;
	s6 =	simm.s32 $0x108;
	_ =	swait.ge @!p0 [sflag:s8], $0x0  }
0x24: {  	s3 =	sadd.s32 $0x88, s3;
	s6 =	simm.s32 @!p1 $0x1082;
	[sflag:s4] =	ssyncset.s32 $0xFFFFF086  }
0x25: {  	[simem:s6], [sflag:s4] =	dma.local [hbm:s3], $0xF7A  }
0x26: {  	[smem:$0x3F8E] =	sst s1;
	(tag) =	ssettag s2;
	_ =	strace s9  }
0x27: {  	s1 =	sld [smem:$0x3F9E]  }
0x28: {  	s2 =	sld [smem:$0x3F9F]  }
0x29: {  	s4 =	sld [smem:$0x3FA1]  }
0x2a: {  	p0 =	seq.s32 s5, $0x0;
	s5 =	sld [smem:$0x3FA2]  }
0x2b: {  	s6 =	sld [smem:$0x3FA3]  }
0x2c: {  	s7 =	sld [smem:$0x3FA4]  }
0x2d: {  	s3 =	simm.s32 $0x108;
	s8 =	sld [smem:$0x3FA5]  }
0x2e: {  	s3 =	simm.s32 @!p0 $0x1082;
	s9 =	sld [smem:$0x3FA6]  }
0x2f: {  	lr =	sadd.s32 s0, s3;
	s0 =	sld [smem:$0x3F9D]  }
0x30: {  	s3 =	sld [smem:$0x3FA0]  }
0x31: {  	[smem:$0x3FA9] =	sst s10  }
0x32: {  	s10 =	sld [smem:$0x3FA7];
	_ =	sdelay $0x3  }
0x33: {  	p0 =	seq.s32 s10, $0x1;
	s10 =	sld [smem:$0x3FA9];
	_ =	sdelay $0x3  }
0x34: {  	[smem:$0x3FA9] =	sst s10  }
0x35: {  	s10 =	sld [smem:$0x3FA8];
	_ =	sdelay $0x3  }
0x36: {  	p1 =	seq.s32 s10, $0x1;
	s10 =	sld [smem:$0x3FA9];
	_ =	sdelay $0x3  }
0x37: {  	[smem:$0x3FA9] =	sst s10  }
0x38: {  	s10 =	sld [smem:$0x3FAA]  }
0x39: {  	_ = 	snop;
	(pc) =	sbr.ind lr, $3  }
0x3a: {  	_ = 	snop  }
0x3b: {  	_ = 	snop  }
0x3c: {  	p2 =	seq.s32 s10, $0x1;
	s10 =	sld [smem:$0x3FA9]  }
0x3d: {  	_ =	shalt  }
0x3e: {  	_ =	shalt  }
0x3f: {  	_ =	shalt  }
0x40: {  	_ =	shalt  }
0x41: {  	_ =	shalt  }
0x42: {  	_ =	shalt  }
0x43: {  	_ =	shalt  }
0x44: {  	_ =	shalt  }
0x45: {  	_ =	shalt  }
0x46: {  	_ =	shalt  }
0x47: {  	_ =	shalt  }
0x48: {  	_ =	shalt  }
0x49: {  	_ =	shalt  }
0x4a: {  	_ =	shalt  }
0x4b: {  	_ =	shalt  }
0x4c: {  	_ =	shalt  }
0x4d: {  	_ =	shalt  }
0x4e: {  	_ =	shalt  }
0x4f: {  	_ =	shalt  }
0x50: {  	_ =	shalt  }
0x51: {  	_ =	shalt  }
0x52: {  	_ =	shalt  }
0x53: {  	_ =	shalt  }
0x54: {  	_ =	shalt  }
0x55: {  	_ =	shalt  }
0x56: {  	_ =	shalt  }
0x57: {  	_ =	shalt  }
0x58: {  	_ =	shalt  }
0x59: {  	_ =	shalt  }
0x5a: {  	_ =	shalt  }
0x5b: {  	_ =	shalt  }
0x5c: {  	_ =	shalt  }
0x5d: {  	_ =	shalt  }
0x5e: {  	_ =	shalt  }
0x5f: {  	_ =	shalt  }
0x60: {  	_ =	shalt  }
0x61: {  	_ =	shalt  }
0x62: {  	_ =	shalt  }
0x63: {  	_ =	shalt  }
0x64: {  	_ =	shalt  }
0x65: {  	_ =	shalt  }
0x66: {  	_ =	shalt  }
0x67: {  	_ =	shalt  }
0x68: {  	_ =	shalt  }
0x69: {  	_ =	shalt  }
0x6a: {  	_ =	shalt  }
0x6b: {  	_ =	shalt  }
0x6c: {  	_ =	shalt  }
0x6d: {  	_ =	shalt  }
0x6e: {  	_ =	shalt  }
0x6f: {  	_ =	shalt  }
0x70: {  	_ =	shalt  }
0x71: {  	_ =	shalt  }
0x72: {  	_ =	shalt  }
0x73: {  	_ =	shalt  }
0x74: {  	_ =	shalt  }
0x75: {  	_ =	shalt  }
0x76: {  	_ =	shalt  }
0x77: {  	_ =	shalt  }
0x78: {  	_ =	shalt  }
0x79: {  	_ =	shalt  }
0x7a: {  	_ =	shalt  }
0x7b: {  	_ =	shalt  }
0x7c: {  	_ =	shalt  }
0x7d: {  	_ =	shalt  }
0x7e: {  	_ =	shalt  }
0x7f: {  	_ =	shalt  }
0x80: {  	_ =	shalt  }
0x81: {  	_ =	shalt  }
0x82: {  	_ =	shalt  }
0x83: {  	_ =	shalt  }
0x84: {  	_ =	shalt  }
0x85: {  	_ =	shalt  }
0x86: {  	_ =	shalt  }
0x87: {  	_ =	shalt  }
.Lfunc_end0:
.L_simem_size_0:
called_computation.1_lowered:
.L_overlay_start_0:
0x88: {  	s2 =	sld [smem:$0x3FD9]  }
0x89: {  	s3 =	sld [smem:$0x3FFE];
	_ =	sdelay $0x1  }
0x8a: {  	s1 =	srdreg.scid  }
0x8b: {  	s0 =	sand.u32 $0x1, s1  }
0x8c: {  	s16 =	sshll.u32 s0, $0xA;
	s2 =	sadd.s32 s3, s2  }
0x8d: {  	s2 =	sadd.s32 s2, s16  }
0x8e: {  	[smem:$0x3FB5] =	sst s2  }
0x8f: {  	_ = 	snop  }
0x90: {  	(tm) =	ssettm $0x1  }
0x91: {  	s17 =	sld [smem:$0x3FFB];
	_ =	sdelay $0x3  }
0x92: {  	_ =	strace s17  }
0x93: {  	s2 =	sld [smem:$0x3FFC];
	_ =	sdelay $0x3  }
0x94: {  	_ =	strace s2  }
0x95: {  	s2 =	sld [smem:$0x3FFD];
	_ =	sdelay $0x3  }
0x96: {  	_ =	strace s2  }
0x97: {  	_ =	strace $0x8FFFFFFF  }
0x98: {  	s18 =	sld [smem:$0x3FDB];
	_ =	sdelay $0x1  }
0x99: {  	s19 =	simm.s32 $_scs_section_size  }
0x9a: {  	s4 =	simm.s32 $_size__tile_overlayer_lowered;
	s5 =	simm.s32 $_tile_overlayer_lowered  }
0x9b: {  	s22 =	simm.s32 $0x1BFF;
	s21 =	sshll.u32 s5, $0x1;
	s2 =	sadd.s32 s19, s18  }
0x9c: {  	s6 =	simm.s32 $0x0;
	s20 =	sshll.u32 s4, $0x1;
	s4 =	sadd.s32 s21, s2  }
0x9d: {  	[timem:s6], [sflag:s22] =	dma.local [hbm:s4], s20  }
0x9e: {  	_ =	swait.ge [sflag:s22], s20  }
0x9f: {  	s3 =	ssub.s32 $0x0, s20;
	[sflag:s22] =	ssyncset.done $0x0  }
0xa0: {  	[sflag:s22] =	ssyncadd.s32 s3;
	_ =	sdelay $0x1  }
0xa1: {  	s23 =	simm.s32 $0x1B8B  }
0xa2: {  	_ =	swait.ge [sflag:s23], $0x1  }
0xa3: {  	[sflag:s23] =	ssyncset.done $0x0  }
0xa4: {  	s25 =	simm.s32 $0x1B8E;
	s24 =	sld [smem:$0x3FFE];
	[sflag:s23] =	ssyncadd.s32 $0xFFFFFFFF  }
0xa5: {  	s26 =	simm.s32 $execute0_lowered;
	[smem:$0x3FD2] =	sst s25  }
0xa6: {  	s4 =	sshll.u32 s26, $0x1;
	_ =	strace $0x80000049;
	[dreg:$0x1] =	wrdreg $0xFFFFFFFF  }
0xa7: {  	s28 =	simm.s32 $_size_execute0_lowered;
	s2 =	sadd.s32 s2, s4;
	[dreg:$0x0] =	wrdreg $0x0  }
0xa8: {  	s4 =	sshll.u32 s28, $0x1;
	[dreg:$0x2] =	wrdreg s2  }
0xa9: {  	[dreg:$0x3] =	wrdreg s4  }
0xaa: {  	[dreg:$0x4] =	wrdreg $0xC0  }
0xab: {  	_ =	task [dreg:s6], $0x5FFFF  }
0xac: {  	[dreg:$0x1] =	wrdreg $0xFFFFFFFF  }
0xad: {  	[dreg:$0x0] =	wrdreg $0x60  }
0xae: {  	[dreg:$0x2] =	wrdreg s24  }
0xaf: {  	[dreg:$0x3] =	wrdreg $0xEE200  }
0xb0: {  	[dreg:$0x4] =	wrdreg $0x9  }
0xb1: {  	_ =	task.clear_ibuf [dreg:s6], $0x5FFFF;
	_ =	strace $0x90000049  }
0xb2: {  	s29 =	simm.s32 $0x9;
	_ =	strace $0x8000004B  }
0xb3: {  	_ =	swait.ge [sflag:s29], $0x1  }
0xb4: {  	[sflag:s29] =	ssyncadd.s32 $0xFFFFFFFF  }
0xb5: {  	_ =	strace $0x9000004B  }
0xb6: {  	_ =	sfence  }
0xb7: {  	s30 =	sld [smem:$0x0];
	_ =	sdelay $0x2  }
0xb8: {  	s31 =	sshll.u32 s1, $0xD;
	s1 =	sshrl.u32 s1, $0x2  }
0xb9: {  	s3 =	sand.u32 $0x4000, s31;
	s1 =	sadd.s32 s1, s30  }
0xba: {  	s0 =	sor.u32 s3, s0;
	s1 =	sshll.u32 s1, $0x11  }
0xbb: {  	s0 =	sor.u32 s1, s0  }
0xbc: {  	s0 =	sadd.s32 $0x8F2B, s0  }
0xbd: {  	[sflag:s0] =	ssyncadd.remote.s32 $0x1  }
0xbe: {  	_ =	sfence.sel $0xFFFF  }
0xbf: {  	[dreg:$0x0] =	wrdreg $0xFFFFFFFF;
	(pc) =	sbr.abs _section_cstart, $3  }
0xc0: {  	[dreg:$0x1] =	wrdreg $0xFFFFFFFF  }
0xc1: {  	_ =	task.clear_ibuf [dreg:s6], $0x2FFFF;
	_ =	strace $0x9FFFFFFF  }
0xc2: {  	(tm) =	ssettm $0x7FFFFFFF  }
0xc3: {  	_ =	shalt  }
tec
execute0_lowered:
.L_overlay_start_1:
0x0: {  	(tag) =	ssettag $0x1  }
0x1: {  	s0 =	srdreg.scid;
	s1 =	rddreg [dreg:$0x0]  }
0x2: {  	s16 =	stileid.u32;
	s2 =	rddreg [dreg:$0x1]  }
0x3: {  	s29 =	simm.s32 $0x7620;
	s31 =	simm.s32 $0x8A20;
	s28 =	simm.s32 $0x2  }
0x4: {  	s30 =	simm.s32 $0x3;
	s0 =	sand.u32 $0x1, s0;
	s3 =	sshll.u32 s16, $0x1  }
0x5: {  	s7 =	sadd.s32 $0x2BE00, s1;
	p1 =	sne.s32 s16, $0xF;
	s10 =	smul.u32 $0xA000, s16  }
0x6: {  	p4 =	seq.s32 s16, $0xF;
	s26 =	sadd.s32 $0x96000, s2;
	s15 =	smul.u32 $0x28000, s16  }
0x7: {  	s22 =	sshll.u32 s16, $0x6;
	s4 =	sor.u32 s0, s3;
	s3 =	simm.s32 $0x0  }
0x8: {  	s8 =	ssub.s32 $0x2, s0;
	p0 =	seq.s32 s0, $0x0;
	s23 =	sor.u32 $0x1C09, s22  }
0x9: {  	s25 =	sshrl.u32 s26, $0x3;
	s5 =	smul.u32 $0x4E2, s4;
	[smem:$0x7FF] =	sst s3  }
0xa: {  	s4 =	sadd.s32 $0x17000, s1;
	s9 =	sshrl.u32 s8, $0x1;
	p2 =	por !p0, !p1  }
0xb: {  	p0 =	por !p0, !p4;
	s17 =	sadd.s32 s10, s2;
	s11 =	sshrl.u32 s10, $0x3  }
0xc: {  	_ =	strace $0x8000004A;
	s9 =	ssub.s32 s8, s9;
	p2 =	por !p2, !p2  }
0xd: {  	p0 =	por !p0, !p0;
	s11 =	sadd.s32 s4, s11;
	[dreg:$0x8] =	wrdreg s23  }
0xe: {  	s24 =	sshrl.u32 s17, $0x3;
	[dreg:$0xc] =	wrdreg s25;
	s23 =	simm.s32 $0xC  }
0xf: {  	s25 =	simm.s32 $0x4E20;
	s6 =	sadd.s32 s5, s1;
	s5 =	sadd.s32 $0x2AA00, s1  }
0x10: {  	s8 =	simm.s32 @!p2 $0x0;
	s1 =	sadd.s32 $0x29C00, s1;
	[dreg:$0x4] =	wrdreg s11  }
0x11: {  	s14 =	smax.u32 s9, $0x1;
	[dreg:$0x9] =	wrdreg s24;
	s11 =	smov.u32 s26  }
0x12: {  	s24 =	simm.s32 $0x50;
	s9 =	simm.s32 $0x5;
	s8 =	simm.s32 @p2 $0x1  }
0x13: {  	[dreg:$0x3] =	wrdreg s1;
	s1 =	sshrl.u32 s15, $0x2;
	s15 =	sadd.s32 $0x9C400, s2  }
0x14: {  	s19 =	sadd.s32 $0xD200, s6;
	s6 =	sadd.s32 $0x3400, s6;
	[smem:$0x7FA] =	sst s8  }
0x15: {  	s8 =	simm.s32 @!p0 $0x0;
	s1 =	sadd.s32 s1, s2;
	[dreg:$0x5] =	wrdreg s19  }
0x16: {  	[dreg:$0x6] =	wrdreg s6;
	s26 =	sshrl.u32 s15, $0x3;
	s19 =	simm.s32 $0x0  }
0x17: {  	s8 =	simm.s32 @p0 $0x1;
	p0 =	seq.s32 s0, $0x1;
	s0 =	smul.u32 $0x9C400, s0  }
0x18: {  	[dreg:$0xe] =	wrdreg s26;
	s26 =	simm.s32 $0x6220;
	s12 =	simm.s32 @!p0 $0x0  }
0x19: {  	[smem:$0x7FB] =	sst s8;
	s12 =	simm.s32 @p0 $0x1;
	p0 =	por !p1, !p0  }
0x1a: {  	s18 =	sadd.s32 s10, s0;
	s0 =	sshrl.u32 s0, $0x3;
	[smem:$0x7FC] =	sst s12  }
0x1b: {  	p6 =	por !p0, !p0;
	s20 =	sshrl.u32 s18, $0x3;
	s0 =	sadd.s32 s7, s0  }
0x1c: {  	s12 =	smov.u32 s17;
	s21 =	sadd.s32 s7, s20;
	s13 =	sadd.s32 $0x12C00, s0  }
0x1d: {  	s6 =	sshll.u32 @p6 s16, $0x6;
	s1 =	sshrl.u32 @p6 s1, $0x3;
	[dreg:$0x7] =	wrdreg s21  }
0x1e: {  	s0 =	sor.u32 $0x1C0B, s22;
	s22 =	simm.s32 $0x2710;
	[dreg:$0xb] =	wrdreg s1  }
0x1f: {  	s6 =	sor.u32 @p6 $0x1C09, s6;
	[dreg:$0xd] =	wrdreg s0;
	s0 =	simm.s32 @!p6 $0x0  }
0x20: {  	s7 =	simm.s32 $0x1;
	[dreg:$0xa] =	wrdreg s6;
	s0 =	simm.s32 @p6 $0x1  }
0x21: {  	s16 =	simm.s32 $0x4;
	s1 =	simm.s32 $0xA;
	[smem:$0x7FD] =	sst s0  }
.LBB2_1:
0x22: {  	s0 =	sld [smem:$0x7FA];
	_ =	sdelay $0x2  }
0x23: {  	p0 =	seq.s32 s0, $0x1  }
.Ltmp0:
0x24: {  	_ = 	snop;
	(pc) =	sbr.rel @!p0 .LBB2_5-.Ltmp0, $1  }
0x25: {  	_ =	sdelay $0x3  }
.Ltmp1:
0x26: {  	(pc) =	sbr.rel .LBB2_3-.Ltmp1, $4  }
0x27: {  	s0 =	rddreg [dreg:$0x4]  }
0x28: {  	s6 =	rddreg [dreg:$0x8]  }
0x29: {  	s8 =	rddreg [dreg:$0x9];
	p0 =	por $0x0, $0x0  }
0x2a: {  	[spmem:s8], [sflag:s6] =	dma.local [hbm:s0], $0x1400  }
.LBB2_5:
0x2b: {  	s0 =	sld [smem:$0x7FB];
	_ =	sdelay $0x2  }
0x2c: {  	p1 =	seq.s32 s0, $0x1  }
.Ltmp2:
0x2d: {  	_ = 	snop;
	(pc) =	sbr.rel @!p1 .LBB2_3-.Ltmp2, $2  }
0x2e: {  	_ =	sdelay $0x2  }
0x2f: {  	p0 =	por p4, p4  }
.Ltmp3:
0x30: {  	(pc) =	sbr.rel .LBB2_8-.Ltmp3, $4  }
0x31: {  	s0 =	rddreg [dreg:$0x3]  }
0x32: {  	s6 =	rddreg [dreg:$0xc];
	s8 =	simm.s32 $0x1FC9  }
0x33: {  	p2 =	por $0x1, $0x1;
	p6 =	por $0x0, $0x0;
	p1 =	por $0x0, $0x0  }
0x34: {  	[spmem:s6], [sflag:s8] =	dma.local [hbm:s0], $0xC80  }
.LBB2_3:
0x35: {  	s0 =	rddreg [dreg:$0xa]  }
0x36: {  	s6 =	rddreg [dreg:$0xb]  }
0x37: {  	[spmem:s6], [sflag:s0] =	dma.local @p6 [hbm:s5], $0x1400  }
0x38: {  	s0 =	sld [smem:$0x7FC];
	_ =	sdelay $0x2  }
0x39: {  	p1 =	por @p6 $0x1, $0x1;
	p2 =	seq.s32 s0, $0x1  }
0x3a: {  	p1 =	por @!p6 p2, p2  }
0x3b: {  	p1 =	por !p1, !p0  }
0x3c: {  	p1 =	por !p1, !p1  }
.Ltmp4:
0x3d: {  	_ = 	snop;
	(pc) =	sbr.rel @!p1 .LBB2_7-.Ltmp4, $1  }
0x3e: {  	_ =	sdelay $0x3  }
.Ltmp5:
0x3f: {  	(pc) =	sbr.rel @p0 .LBB2_8-.Ltmp5, $4  }
.Ltmp6:
0x40: {  	s0 =	rddreg [dreg:$0x8];
	(pc) =	sbr.rel @!p0 .LBB2_9-.Ltmp6, $4  }
0x41: {  	s6 =	rddreg [dreg:$0xc];
	p1 =	por $0x1, $0x1  }
0x42: {  	p2 =	por $0x0, $0x0;
	p5 =	por $0x0, $0x0;
	p3 =	por $0x0, $0x0  }
0x43: {  	[spmem:s6], [sflag:s0] =	dma.local [hbm:s5], $0xC80  }
0x44: {  	_ = 	snop  }
.LBB2_7:
.Ltmp7:
0x45: {  	(pc) =	sbr.rel @!p0 .LBB2_9-.Ltmp7, $3  }
0x46: {  	_ =	sdelay $0x1  }
0x47: {  	p2 =	por $0x0, $0x0  }
0x48: {  	p1 =	por $0x0, $0x0;
	p5 =	por $0x0, $0x0;
	p3 =	por $0x0, $0x0  }
.LBB2_8:
0x49: {  	s0 =	rddreg [dreg:$0xd]  }
0x4a: {  	s6 =	rddreg [dreg:$0xe];
	p5 =	por $0x1, $0x1;
	p3 =	por p1, p1  }
0x4b: {  	[spmem:s6], [sflag:s0] =	dma.local [hbm:s5], $0x80  }
.LBB2_9:
0x4c: {  	s0 =	rddreg [dreg:$0x5]  }
0x4d: {  	[tilespmem:s22], [sflag:$0xA] =	stream.linear.gather [hbm4b:s0+s3], $0x2710, $0x38;
	[tilespmem:$0x18AA0] =	vst v63  }
0x4e: {  	s6 =	rddreg [dreg:$0x6]  }
0x4f: {  	[tilespmem:s3], [sflag:$0xC] =	stream.linear.gather [hbm4b:s6+s3], $0x2710, $0x38;
	[tilespmem:$0x18AA0] =	vst v63  }
0x50: {  	_ =	swait.ge [sflag:s23], $0x2710  }
0x51: {  	[sflag:s23] =	ssyncset.done $0x0  }
0x52: {  	s15 =	sld [smem:$0x7FA];
	[sflag:s23] =	ssyncadd.s32 $0xFFFFD8F0  }
0x53: {  	[tilespmem:s25], [sflag:$0x1] =	stream.indirect.gather [hbm4b:s4+s24], $0x40, s3, s24, $0xb8;
	[tilespmem:$0x18AA0] =	vst v63  }
0x54: {  	_ = 	snop  }
0x55: {  	[tilespmem:s26], [sflag:$0x2] =	stream.indirect.gather [hbm4b:s4+s24], $0x40, s24, s24, $0xb8;
	[tilespmem:$0x18AA0] =	vst v63  }
0x56: {  	s8 =	simm.s32 $0xA0;
	p0 =	seq.s32 s15, $0x1  }
0x57: {  	[tilespmem:s29], [sflag:$0x3] =	stream.indirect.gather [hbm4b:s4+s24], $0x40, s8, s24, $0xb8;
	[tilespmem:$0x18AA0] =	vst v63  }
0x58: {  	s10 =	simm.s32 $0xF0;
	s0 =	simm.s32 @p0 $0x9  }
0x59: {  	[tilespmem:s31], [sflag:$0x4] =	stream.indirect.gather [hbm4b:s4+s24], $0x40, s10, s24, $0xb8;
	[tilespmem:$0x18AA0] =	vst v63  }
0x5a: {  	_ =	swait.ge @p0 [sflag:s0], $0x1400  }
0x5b: {  	[sflag:s0] =	ssyncset.done @p0 $0x0  }
0x5c: {  	[sflag:s0] =	ssyncadd.s32 @p0 $0xFFFFEC00;
	s0 =	simm.s32 @p2 $0x9  }
0x5d: {  	_ =	swait.ge @p2 [sflag:s0], $0xC80  }
0x5e: {  	[sflag:s0] =	ssyncset.done @p2 $0x0  }
0x5f: {  	[sflag:s0] =	ssyncadd.s32 @p2 $0xFFFFF380;
	s0 =	simm.s32 @p6 $0x9  }
0x60: {  	_ =	swait.ge @p6 [sflag:s0], $0x1400  }
0x61: {  	[sflag:s0] =	ssyncset.done @p6 $0x0  }
0x62: {  	[sflag:s0] =	ssyncadd.s32 @p6 $0xFFFFEC00;
	s0 =	simm.s32 @p3 $0x9  }
0x63: {  	_ =	swait.ge @p3 [sflag:s0], $0xC80  }
0x64: {  	[sflag:s0] =	ssyncset.done @p3 $0x0  }
0x65: {  	[sflag:s0] =	ssyncadd.s32 @p3 $0xFFFFF380;
	s0 =	simm.s32 @p5 $0xB  }
0x66: {  	_ =	swait.ge @p5 [sflag:s0], $0x80  }
0x67: {  	[sflag:s0] =	ssyncset.done @p5 $0x0  }
0x68: {  	[sflag:s0] =	ssyncadd.s32 @p5 $0xFFFFFF80  }
0x69: {  	_ =	swait.ge [sflag:s1], $0x2710  }
0x6a: {  	[sflag:s1] =	ssyncset.done $0x0  }
0x6b: {  	[sflag:s1] =	ssyncadd.s32 $0xFFFFD8F0  }
0x6c: {  	[bflag:$0x0] =	sbarrier.arrive $0xFFFF  }
0x6d: {  	_ =	swait.ge [sflag:s7], $0x1400  }
0x6e: {  	[sflag:s7] =	ssyncset.done $0x0  }
0x6f: {  	[sflag:s7] =	ssyncadd.s32 $0xFFFFEC00  }
0x70: {  	[spmem:s2] =	stream.indirect.scatter.add.f32 [tilespmem:s25], [sflag:$0x1], $0x40, s22, s24, $0xb8;
	[tilespmem:$0x18AA0] =	vst v63  }
0x71: {  	s17 =	simm.s32 $0x140;
	s6 =	simm.s32 $0x9E20  }
0x72: {  	[tilespmem:s6], [sflag:$0x5] =	stream.indirect.gather [hbm4b:s4+s24], $0x40, s17, s24, $0xb8;
	[tilespmem:$0x18AA0] =	vst v63  }
0x73: {  	_ =	swait.ge [sflag:s28], $0x1400  }
0x74: {  	[sflag:s28] =	ssyncset.done $0x0  }
0x75: {  	s18 =	simm.s32 $0x2760;
	[sflag:s28] =	ssyncadd.s32 $0xFFFFEC00  }
0x76: {  	[spmem:s2] =	stream.indirect.scatter.add.f32 [tilespmem:s26], [sflag:$0x2], $0x40, s18, s24, $0xb8;
	[tilespmem:$0x18AA0] =	vst v63  }
0x77: {  	s20 =	simm.s32 $0x190;
	s21 =	simm.s32 $0xB220  }
0x78: {  	[tilespmem:s21], [sflag:$0x6] =	stream.indirect.gather [hbm4b:s4+s24], $0x40, s20, s24, $0xb8;
	[tilespmem:$0x18AA0] =	vst v63  }
0x79: {  	_ =	swait.ge [sflag:s30], $0x1400  }
0x7a: {  	[sflag:s30] =	ssyncset.done $0x0  }
0x7b: {  	s6 =	simm.s32 $0x27B0;
	[sflag:s30] =	ssyncadd.s32 $0xFFFFEC00  }
0x7c: {  	[spmem:s2] =	stream.indirect.scatter.add.f32 [tilespmem:s29], [sflag:$0x3], $0x40, s6, s24, $0xb8;
	[tilespmem:$0x18AA0] =	vst v63  }
0x7d: {  	s8 =	simm.s32 $0x1E0;
	s10 =	simm.s32 $0xC620  }
0x7e: {  	[tilespmem:s10], [sflag:$0x7] =	stream.indirect.gather [hbm4b:s4+s24], $0x40, s8, s24, $0xb8;
	[tilespmem:$0x18AA0] =	vst v63  }
0x7f: {  	_ =	swait.ge [sflag:s16], $0x1400  }
0x80: {  	s15 =	simm.s32 $0x2800;
	[sflag:s16] =	ssyncset.done $0x0  }
0x81: {  	p6 =	por $0x0, $0x0;
	s20 =	simm.s32 $0x4;
	[sflag:s16] =	ssyncadd.s32 $0xFFFFEC00  }
0x82: {  	[spmem:s2] =	stream.indirect.scatter.add.f32 [tilespmem:s31], [sflag:$0x4], $0x40, s15, s24, $0xb8;
	[tilespmem:$0x18AA0] =	vst v63  }
0x83: {  	s17 =	simm.s32 $0x230;
	s18 =	simm.s32 $0xDA20;
	s0 =	sand.u32 $0x7, s20  }
0x84: {  	[tilespmem:s18], [sflag:$0x8] =	stream.indirect.gather [hbm4b:s4+s24], $0x40, s17, s24, $0xb8;
	[tilespmem:$0x18AA0] =	vst v63  }
0x85: {  	s21 =	simm.s32 $0x8;
	s18 =	sadd.s32 $0x1, s0;
	s0 =	smul.u32 $0x5000, s0  }
0x86: {  	s20 =	simm.s32 $0x280;
	s6 =	sand.u32 $0x7, s21;
	_ =	swait.ge [sflag:s18], $0x1400  }
0x87: {  	s15 =	sadd.s32 $0x1, s6;
	[sflag:s18] =	ssyncset.done $0x0;
	s0 =	sshrl.u32 s0, $0x2  }
0x88: {  	s17 =	simm.s32 $0x2850;
	[sflag:s18] =	ssyncadd.s32 $0xFFFFEC00;
	s0 =	sadd.s32 $0x4E20, s0  }
0x89: {  	[spmem:s2] =	stream.indirect.scatter.add.f32 [tilespmem:s0], [sflag:s18], $0x40, s17, s24, $0xb8;
	[tilespmem:$0x18AA0] =	vst v63  }
0x8a: {  	s21 =	simm.s32 $0x9;
	s0 =	smul.u32 @!p6 $0x5000, s6;
	_ =	swait.ge [sflag:s15], $0x1400  }
0x8b: {  	s17 =	simm.s32 $0x28A0;
	s18 =	simm.s32 $0x2D0;
	[sflag:s15] =	ssyncset.done $0x0  }
0x8c: {  	s6 =	sshrl.u32 @!p6 s0, $0x2;
	s0 =	simm.s32 @!p6 $0x50;
	[sflag:s15] =	ssyncadd.s32 $0xFFFFEC00  }
.LBB2_10:
0x8d: {  	s8 =	sadd.s32 $0xFFFFFFFC, s21  }
0x8e: {  	s6 =	sadd.s32 @!p6 $0x4E20, s6;
	s10 =	smov.u32 s21;
	s21 =	sadd.s32 $0x1, s21  }
0x8f: {  	[tilespmem:s6], [sflag:s15] =	stream.indirect.gather @!p6 [hbm4b:s4+s0], $0x40, s20, s0, $0xb8;
	[tilespmem:$0x18AA0] =	vst v63  }
0x90: {  	s0 =	sand.u32 $0x7, s8;
	p2 =	sne.s32 s21, $0x81;
	s20 =	smov.u32 s18  }
0x91: {  	s6 =	sadd.s32 $0x1, s0;
	s0 =	smul.u32 $0x5000, s0  }
0x92: {  	p6 =	sgt.u32 s8, $0x78;
	s8 =	sand.u32 $0x7, s10;
	_ =	swait.ge [sflag:s6], $0x1400  }
0x93: {  	s15 =	sadd.s32 $0x1, s8;
	s0 =	sshrl.u32 s0, $0x2;
	[sflag:s6] =	ssyncset.done $0x0  }
.Ltmp8:
0x94: {  	s0 =	sadd.s32 $0x4E20, s0;
	[sflag:s6] =	ssyncadd.s32 $0xFFFFEC00;
	(pc) =	sbr.rel @p2 .LBB2_10-.Ltmp8, $4  }
0x95: {  	[spmem:s2] =	stream.indirect.scatter.add.f32 [tilespmem:s0], [sflag:s6], $0x40, s17, s24, $0xb8;
	[tilespmem:$0x18AA0] =	vst v63  }
0x96: {  	s0 =	smul.u32 @!p6 $0x5000, s8;
	_ =	swait.ge [sflag:s15], $0x1400  }
0x97: {  	s18 =	sadd.s32 $0x50, s18;
	s17 =	sadd.s32 $0x50, s17;
	[sflag:s15] =	ssyncset.done $0x0  }
0x98: {  	s6 =	sshrl.u32 @!p6 s0, $0x2;
	s0 =	simm.s32 @!p6 $0x50;
	[sflag:s15] =	ssyncadd.s32 $0xFFFFEC00  }
0x99: {  	s6 =	sadd.s32 @!p6 $0x4E20, s6  }
0x9a: {  	[tilespmem:s6], [sflag:s15] =	stream.indirect.gather @!p6 [hbm4b:s4+s0], $0x40, s20, s0, $0xb8;
	[tilespmem:$0x18AA0] =	vst v63  }
0x9b: {  	_ =	swait.ge [sflag:s28], $0x1400  }
0x9c: {  	[sflag:s28] =	ssyncset.done $0x0  }
0x9d: {  	[sflag:s28] =	ssyncadd.s32 $0xFFFFEC00  }
0x9e: {  	_ =	swait.ge [sflag:s30], $0x1400  }
0x9f: {  	[sflag:s30] =	ssyncset.done $0x0  }
0xa0: {  	[sflag:s30] =	ssyncadd.s32 $0xFFFFEC00  }
0xa1: {  	_ =	swait.ge [sflag:s16], $0x1400  }
0xa2: {  	[sflag:s16] =	ssyncset.done $0x0  }
0xa3: {  	[sflag:s16] =	ssyncadd.s32 $0xFFFFEC00  }
0xa4: {  	_ =	swait.ge [sflag:s9], $0x1400  }
0xa5: {  	[sflag:s9] =	ssyncset.done $0x0  }
0xa6: {  	s10 =	stileid.u32;
	[sflag:s9] =	ssyncadd.s32 $0xFFFFEC00  }
0xa7: {  	s0 =	sshll.u32 @!p4 s10, $0x6;
	[bflag:$0x0] =	sbarrier.arrive $0xFFFF  }
0xa8: {  	s6 =	sshrl.u32 @!p4 s12, $0x3;
	s0 =	sor.u32 @!p4 $0x1C0C, s0;
	s8 =	rddreg [dreg:$0x7]  }
0xa9: {  	[hbm:s8], [sflag:s0] =	dma.local @!p4 [spmem:s6], $0x1400  }
0xaa: {  	s0 =	simm.s32 @!p4 $0xC  }
0xab: {  	_ =	swait.ge @!p4 [sflag:s0], $0x1400  }
0xac: {  	s19 =	sadd.s32 $0x1, s19;
	s6 =	sshll.u32 @p5 s10, $0x6;
	[sflag:s0] =	ssyncset.done @!p4 $0x0  }
0xad: {  	[sflag:s0] =	ssyncadd.s32 @!p4 $0xFFFFEC00;
	s0 =	sor.u32 @p5 $0x1C0C, s6;
	s6 =	sshrl.u32 @p5 s11, $0x3  }
0xae: {  	[hbm:s13], [sflag:s0] =	dma.local @p5 [spmem:s6], $0xC80  }
0xaf: {  	p0 =	sne.s32 s19, s14;
	s0 =	simm.s32 @p5 $0xC  }
.Ltmp9:
0xb0: {  	_ =	swait.ge @p5 [sflag:s0], $0xC80;
	(pc) =	sbr.rel @p0 .LBB2_1-.Ltmp9, $3  }
0xb1: {  	s21 =	sld [smem:$0x7FD];
	_ =	sdelay $0x1  }
0xb2: {  	[sflag:s0] =	ssyncset.done @p5 $0x0  }
0xb3: {  	s8 =	stileid.u32;
	[sflag:s0] =	ssyncadd.s32 @p5 $0xFFFFF380;
	p6 =	seq.s32 s21, $0x1  }
0xb4: {  	_ =	sfence.sel $0x180000  }
0xb5: {  	[bflag:$0x0] =	sbarrier.arrive $0xFFFF  }
0xb6: {  	_ =	strace $0x9000004A  }
0xb7: {  	[bflag:$0x2] =	sbarrier.arrive $0xFFFF  }
0xb8: {  	p0 =	sne.s32 s8, $0x0;
	s0 =	rddreg [dreg:$0x2]  }
0xb9: {  	s0 =	sadd.s32 @!p0 $0x100000, s0  }
0xba: {  	[sflag:s0] =	ssyncadd.tile.s32 @!p0 $0x1;
	_ =	shalt  }
.Lfunc_end2:
_tile_overlayer_lowered:
.L_overlay_start_2:
0xbb: {  	(tag) =	ssettag $0x2  }
0xbc: {  	s0 =	rddreg [dreg:$0x0];
	s2 =	stileid.u32  }
0xbd: {  	s1 =	rddreg [dreg:$0x1];
	p0 =	sne.s32 s2, $0x0  }
0xbe: {  	s3 =	rddreg [dreg:$0x2];
	[bflag:$0x3] =	sbarrier.arrive $0xFFFF;
	s2 =	simm.s32 @!p0 $0x1C0C  }
0xbf: {  	[timem:s3], [sflag:s2] =	dma.local @!p0 [hbm:s0], s1  }
0xc0: {  	s0 =	simm.s32 @!p0 $0xC  }
0xc1: {  	_ =	swait.ge @!p0 [sflag:s0], s1  }
0xc2: {  	s1 =	ssub.s32 @!p0 $0x0, s1;
	[sflag:s0] =	ssyncset.done @!p0 $0x0  }
0xc3: {  	[sflag:s0] =	ssyncadd.s32 @!p0 s1  }
0xc4: {  	[bflag:$0x3] =	sbarrier.arrive $0xFFFF  }
0xc5: {  	_ =	shalt  }

// kernel: kernel.17.cloned.1.call-start
scs
__scs_entry_jumppad:
0x0: {  	(pc) =	sbr.rel $0x88, $3  }
0x1: {  	(tag) =	ssettag $0x0;
	lr =	simm.s32 $0x1  }
0x2: {  	[smem:$0x3F8E] =	sst lr;
	_ =	strace $0xD0000000  }
0x3: {  	_ = 	snop  }
0x4: {  	_ = 	snop  }
0x5: {  	_ = 	snop  }
0x6: {  	_ = 	snop  }
0x7: {  	_ = 	snop  }
__scs_overlays_trampoline_lowered:
0x8: {  	[smem:$0x3F9D] =	sst s0  }
0x9: {  	[smem:$0x3F9E] =	sst s1  }
0xa: {  	[smem:$0x3F9F] =	sst s2  }
0xb: {  	[smem:$0x3FA0] =	sst s3  }
0xc: {  	[smem:$0x3FA1] =	sst s4  }
0xd: {  	[smem:$0x3FA2] =	sst s5  }
0xe: {  	[smem:$0x3FA3] =	sst s6  }
0xf: {  	[smem:$0x3FA4] =	sst s7  }
0x10: {  	[smem:$0x3FA5] =	sst s8  }
0x11: {  	[smem:$0x3FA6] =	sst s9;
	s0 =	simm.s32 @!p0 $0x0  }
0x12: {  	s1 =	sld [smem:$0x3F8C];
	s0 =	simm.s32 @p0 $0x1  }
0x13: {  	[smem:$0x3FA7] =	sst s0;
	s0 =	simm.s32 @!p1 $0x0  }
0x14: {  	s2 =	sld [smem:$0x3F8B];
	s0 =	simm.s32 @p1 $0x1  }
0x15: {  	[smem:$0x3FA8] =	sst s0;
	s0 =	simm.s32 @!p2 $0x0  }
0x16: {  	s3 =	sld [smem:$0x3FDB];
	s0 =	simm.s32 @p2 $0x1  }
0x17: {  	s4 =	simm.s32 $0x1BF5;
	[smem:$0x3FAA] =	sst s0  }
0x18: {  	s0 =	sld [smem:$0x3F8D];
	_ =	swait.ge [sflag:s4], $0x0  }
0x19: {  	s7 =	sld [smem:$0x3F8E]  }
0x1a: {  	s8 =	sadd.s32 $0xFFFFE003, lr  }
0x1b: {  	s9 =	sadd.s32 $0xFFFFFEF7, lr;
	s5 =	simm.s32 $0xFFFFFFFF;
	p2 =	slt.u32 s8, $0xFFFFF086  }
0x1c: {  	p1 =	slt.u32 s9, $0xF7A;
	s5 =	simm.s32 @!p2 $0x0  }
0x1d: {  	s5 =	simm.s32 @p1 $0x1;
	p0 =	seq.s32 s7, s2  }
0x1e: {  	s7 =	smul.u32 @!p0 $0xF7A, s2;
	p2 =	seq.s32 @!p0 s5, $0x0  }
0x1f: {  	s9 =	smul.u32 $0xF7A, s1;
	s8 =	simm.s32 @!p0 $0x1BF5;
	p2 =	por !p2, p0  }
0x20: {  	[sflag:s8] =	ssyncset.s32 @!p0 $0xFFFFF086;
	s6 =	sadd.s32 @!p0 s3, s7;
	s7 =	simm.s32 @!p0 $0x108  }
0x21: {  	s3 =	sadd.s32 s3, s9;
	s6 =	sadd.s32 @!p0 $0x88, s6;
	s7 =	simm.s32 @p2 $0x1082  }
0x22: {  	[simem:s7], [sflag:s8] =	dma.local @!p0 [hbm:s6], $0xF7A  }
0x23: {  	s9 =	sor.u32 $0xD0000000, s2;
	s6 =	simm.s32 $0x108;
	_ =	swait.ge @!p0 [sflag:s8], $0x0  }
0x24: {  	s3 =	sadd.s32 $0x88, s3;
	s6 =	simm.s32 @!p1 $0x1082;
	[sflag:s4] =	ssyncset.s32 $0xFFFFF086  }
0x25: {  	[simem:s6], [sflag:s4] =	dma.local [hbm:s3], $0xF7A  }
0x26: {  	[smem:$0x3F8E] =	sst s1;
	(tag) =	ssettag s2;
	_ =	strace s9  }
0x27: {  	s1 =	sld [smem:$0x3F9E]  }
0x28: {  	s2 =	sld [smem:$0x3F9F]  }
0x29: {  	s4 =	sld [smem:$0x3FA1]  }
0x2a: {  	p0 =	seq.s32 s5, $0x0;
	s5 =	sld [smem:$0x3FA2]  }
0x2b: {  	s6 =	sld [smem:$0x3FA3]  }
0x2c: {  	s7 =	sld [smem:$0x3FA4]  }
0x2d: {  	s3 =	simm.s32 $0x108;
	s8 =	sld [smem:$0x3FA5]  }
0x2e: {  	s3 =	simm.s32 @!p0 $0x1082;
	s9 =	sld [smem:$0x3FA6]  }
0x2f: {  	lr =	sadd.s32 s0, s3;
	s0 =	sld [smem:$0x3F9D]  }
0x30: {  	s3 =	sld [smem:$0x3FA0]  }
0x31: {  	[smem:$0x3FA9] =	sst s10  }
0x32: {  	s10 =	sld [smem:$0x3FA7];
	_ =	sdelay $0x3  }
0x33: {  	p0 =	seq.s32 s10, $0x1;
	s10 =	sld [smem:$0x3FA9];
	_ =	sdelay $0x3  }
0x34: {  	[smem:$0x3FA9] =	sst s10  }
0x35: {  	s10 =	sld [smem:$0x3FA8];
	_ =	sdelay $0x3  }
0x36: {  	p1 =	seq.s32 s10, $0x1;
	s10 =	sld [smem:$0x3FA9];
	_ =	sdelay $0x3  }
0x37: {  	[smem:$0x3FA9] =	sst s10  }
0x38: {  	s10 =	sld [smem:$0x3FAA]  }
0x39: {  	_ = 	snop;
	(pc) =	sbr.ind lr, $3  }
0x3a: {  	_ = 	snop  }
0x3b: {  	_ = 	snop  }
0x3c: {  	p2 =	seq.s32 s10, $0x1;
	s10 =	sld [smem:$0x3FA9]  }
0x3d: {  	_ =	shalt  }
0x3e: {  	_ =	shalt  }
0x3f: {  	_ =	shalt  }
0x40: {  	_ =	shalt  }
0x41: {  	_ =	shalt  }
0x42: {  	_ =	shalt  }
0x43: {  	_ =	shalt  }
0x44: {  	_ =	shalt  }
0x45: {  	_ =	shalt  }
0x46: {  	_ =	shalt  }
0x47: {  	_ =	shalt  }
0x48: {  	_ =	shalt  }
0x49: {  	_ =	shalt  }
0x4a: {  	_ =	shalt  }
0x4b: {  	_ =	shalt  }
0x4c: {  	_ =	shalt  }
0x4d: {  	_ =	shalt  }
0x4e: {  	_ =	shalt  }
0x4f: {  	_ =	shalt  }
0x50: {  	_ =	shalt  }
0x51: {  	_ =	shalt  }
0x52: {  	_ =	shalt  }
0x53: {  	_ =	shalt  }
0x54: {  	_ =	shalt  }
0x55: {  	_ =	shalt  }
0x56: {  	_ =	shalt  }
0x57: {  	_ =	shalt  }
0x58: {  	_ =	shalt  }
0x59: {  	_ =	shalt  }
0x5a: {  	_ =	shalt  }
0x5b: {  	_ =	shalt  }
0x5c: {  	_ =	shalt  }
0x5d: {  	_ =	shalt  }
0x5e: {  	_ =	shalt  }
0x5f: {  	_ =	shalt  }
0x60: {  	_ =	shalt  }
0x61: {  	_ =	shalt  }
0x62: {  	_ =	shalt  }
0x63: {  	_ =	shalt  }
0x64: {  	_ =	shalt  }
0x65: {  	_ =	shalt  }
0x66: {  	_ =	shalt  }
0x67: {  	_ =	shalt  }
0x68: {  	_ =	shalt  }
0x69: {  	_ =	shalt  }
0x6a: {  	_ =	shalt  }
0x6b: {  	_ =	shalt  }
0x6c: {  	_ =	shalt  }
0x6d: {  	_ =	shalt  }
0x6e: {  	_ =	shalt  }
0x6f: {  	_ =	shalt  }
0x70: {  	_ =	shalt  }
0x71: {  	_ =	shalt  }
0x72: {  	_ =	shalt  }
0x73: {  	_ =	shalt  }
0x74: {  	_ =	shalt  }
0x75: {  	_ =	shalt  }
0x76: {  	_ =	shalt  }
0x77: {  	_ =	shalt  }
0x78: {  	_ =	shalt  }
0x79: {  	_ =	shalt  }
0x7a: {  	_ =	shalt  }
0x7b: {  	_ =	shalt  }
0x7c: {  	_ =	shalt  }
0x7d: {  	_ =	shalt  }
0x7e: {  	_ =	shalt  }
0x7f: {  	_ =	shalt  }
0x80: {  	_ =	shalt  }
0x81: {  	_ =	shalt  }
0x82: {  	_ =	shalt  }
0x83: {  	_ =	shalt  }
0x84: {  	_ =	shalt  }
0x85: {  	_ =	shalt  }
0x86: {  	_ =	shalt  }
0x87: {  	_ =	shalt  }
.Lfunc_end0:
.L_simem_size_0:
called_computation.2_lowered:
.L_overlay_start_0:
0x88: {  	s2 =	sld [smem:$0x3FD9]  }
0x89: {  	s3 =	sld [smem:$0x3FFE];
	_ =	sdelay $0x1  }
0x8a: {  	s1 =	srdreg.scid  }
0x8b: {  	s0 =	sand.u32 $0x1, s1  }
0x8c: {  	s16 =	sshll.u32 s0, $0xA;
	s2 =	sadd.s32 s3, s2  }
0x8d: {  	s2 =	sadd.s32 s2, s16  }
0x8e: {  	[smem:$0x3FB5] =	sst s2  }
0x8f: {  	_ = 	snop  }
0x90: {  	(tm) =	ssettm $0x1  }
0x91: {  	s17 =	sld [smem:$0x3FFB];
	_ =	sdelay $0x3  }
0x92: {  	_ =	strace s17  }
0x93: {  	s2 =	sld [smem:$0x3FFC];
	_ =	sdelay $0x3  }
0x94: {  	_ =	strace s2  }
0x95: {  	s2 =	sld [smem:$0x3FFD];
	_ =	sdelay $0x3  }
0x96: {  	_ =	strace s2  }
0x97: {  	_ =	strace $0x8FFFFFFF  }
0x98: {  	s18 =	sld [smem:$0x3FDB];
	_ =	sdelay $0x1  }
0x99: {  	s19 =	simm.s32 $_scs_section_size  }
0x9a: {  	s4 =	simm.s32 $_size__tile_overlayer_lowered;
	s5 =	simm.s32 $_tile_overlayer_lowered  }
0x9b: {  	s22 =	simm.s32 $0x1BFF;
	s21 =	sshll.u32 s5, $0x1;
	s2 =	sadd.s32 s19, s18  }
0x9c: {  	s6 =	simm.s32 $0x0;
	s20 =	sshll.u32 s4, $0x1;
	s4 =	sadd.s32 s21, s2  }
0x9d: {  	[timem:s6], [sflag:s22] =	dma.local [hbm:s4], s20  }
0x9e: {  	_ =	swait.ge [sflag:s22], s20  }
0x9f: {  	s3 =	ssub.s32 $0x0, s20;
	[sflag:s22] =	ssyncset.done $0x0  }
0xa0: {  	[sflag:s22] =	ssyncadd.s32 s3;
	_ =	sdelay $0x1  }
0xa1: {  	s23 =	simm.s32 $0x1B8B  }
0xa2: {  	_ =	swait.ge [sflag:s23], $0x1  }
0xa3: {  	[sflag:s23] =	ssyncset.done $0x0  }
0xa4: {  	s25 =	simm.s32 $0x1B8E;
	s24 =	sld [smem:$0x3FFE];
	[sflag:s23] =	ssyncadd.s32 $0xFFFFFFFF  }
0xa5: {  	s26 =	simm.s32 $execute0_lowered;
	[smem:$0x3FD2] =	sst s25  }
0xa6: {  	s4 =	sshll.u32 s26, $0x1;
	_ =	strace $0x8000004C;
	[dreg:$0x1] =	wrdreg $0xFFFFFFFF  }
0xa7: {  	s28 =	simm.s32 $_size_execute0_lowered;
	s2 =	sadd.s32 s2, s4;
	[dreg:$0x0] =	wrdreg $0x0  }
0xa8: {  	s4 =	sshll.u32 s28, $0x1;
	[dreg:$0x2] =	wrdreg s2  }
0xa9: {  	[dreg:$0x3] =	wrdreg s4  }
0xaa: {  	[dreg:$0x4] =	wrdreg $0xC0  }
0xab: {  	_ =	task [dreg:s6], $0x5FFFF  }
0xac: {  	[dreg:$0x1] =	wrdreg $0xFFFFFFFF  }
0xad: {  	[dreg:$0x0] =	wrdreg $0x60  }
0xae: {  	[dreg:$0x2] =	wrdreg s24  }
0xaf: {  	[dreg:$0x3] =	wrdreg $0xEE200  }
0xb0: {  	[dreg:$0x4] =	wrdreg $0x9  }
0xb1: {  	_ =	task.clear_ibuf [dreg:s6], $0x5FFFF;
	_ =	strace $0x9000004C  }
0xb2: {  	s29 =	simm.s32 $0x9;
	_ =	strace $0x8000004E  }
0xb3: {  	_ =	swait.ge [sflag:s29], $0x1  }
0xb4: {  	[sflag:s29] =	ssyncadd.s32 $0xFFFFFFFF  }
0xb5: {  	_ =	strace $0x9000004E  }
0xb6: {  	_ =	sfence  }
0xb7: {  	s30 =	sld [smem:$0x0];
	_ =	sdelay $0x2  }
0xb8: {  	s31 =	sshll.u32 s1, $0xD;
	s1 =	sshrl.u32 s1, $0x2  }
0xb9: {  	s3 =	sand.u32 $0x4000, s31;
	s1 =	sadd.s32 s1, s30  }
0xba: {  	s0 =	sor.u32 s3, s0;
	s1 =	sshll.u32 s1, $0x11  }
0xbb: {  	s0 =	sor.u32 s1, s0  }
0xbc: {  	s0 =	sadd.s32 $0x8F2B, s0  }
0xbd: {  	[sflag:s0] =	ssyncadd.remote.s32 $0x1  }
0xbe: {  	_ =	sfence.sel $0xFFFF  }
0xbf: {  	[dreg:$0x0] =	wrdreg $0xFFFFFFFF;
	(pc) =	sbr.abs _section_cstart, $3  }
0xc0: {  	[dreg:$0x1] =	wrdreg $0xFFFFFFFF  }
0xc1: {  	_ =	task.clear_ibuf [dreg:s6], $0x2FFFF;
	_ =	strace $0x9FFFFFFF  }
0xc2: {  	(tm) =	ssettm $0x7FFFFFFF  }
0xc3: {  	_ =	shalt  }
tec
execute0_lowered:
.L_overlay_start_1:
0x0: {  	(tag) =	ssettag $0x1  }
0x1: {  	s0 =	srdreg.scid;
	s1 =	rddreg [dreg:$0x0]  }
0x2: {  	s16 =	stileid.u32;
	s2 =	rddreg [dreg:$0x1]  }
0x3: {  	s29 =	simm.s32 $0x7620;
	s31 =	simm.s32 $0x8A20;
	s28 =	simm.s32 $0x2  }
0x4: {  	s30 =	simm.s32 $0x3;
	s0 =	sand.u32 $0x1, s0;
	s3 =	sshll.u32 s16, $0x1  }
0x5: {  	s7 =	sadd.s32 $0x2BE00, s1;
	p1 =	sne.s32 s16, $0xF;
	s10 =	smul.u32 $0xA000, s16  }
0x6: {  	p4 =	seq.s32 s16, $0xF;
	s26 =	sadd.s32 $0x96000, s2;
	s15 =	smul.u32 $0x28000, s16  }
0x7: {  	s22 =	sshll.u32 s16, $0x6;
	s4 =	sor.u32 s0, s3;
	s3 =	simm.s32 $0x0  }
0x8: {  	s8 =	ssub.s32 $0x2, s0;
	p0 =	seq.s32 s0, $0x0;
	s23 =	sor.u32 $0x1C09, s22  }
0x9: {  	s25 =	sshrl.u32 s26, $0x3;
	s5 =	smul.u32 $0x4E2, s4;
	[smem:$0x7FF] =	sst s3  }
0xa: {  	s4 =	sadd.s32 $0x17000, s1;
	s9 =	sshrl.u32 s8, $0x1;
	p2 =	por !p0, !p1  }
0xb: {  	p0 =	por !p0, !p4;
	s17 =	sadd.s32 s10, s2;
	s11 =	sshrl.u32 s10, $0x3  }
0xc: {  	_ =	strace $0x8000004D;
	s9 =	ssub.s32 s8, s9;
	p2 =	por !p2, !p2  }
0xd: {  	p0 =	por !p0, !p0;
	s11 =	sadd.s32 s4, s11;
	[dreg:$0x8] =	wrdreg s23  }
0xe: {  	s24 =	sshrl.u32 s17, $0x3;
	[dreg:$0xc] =	wrdreg s25;
	s23 =	simm.s32 $0xC  }
0xf: {  	s25 =	simm.s32 $0x4E20;
	s6 =	sadd.s32 s5, s1;
	s5 =	sadd.s32 $0x2AA00, s1  }
0x10: {  	s8 =	simm.s32 @!p2 $0x0;
	s1 =	sadd.s32 $0x29C00, s1;
	[dreg:$0x4] =	wrdreg s11  }
0x11: {  	s14 =	smax.u32 s9, $0x1;
	[dreg:$0x9] =	wrdreg s24;
	s11 =	smov.u32 s26  }
0x12: {  	s24 =	simm.s32 $0x50;
	s9 =	simm.s32 $0x5;
	s8 =	simm.s32 @p2 $0x1  }
0x13: {  	[dreg:$0x3] =	wrdreg s1;
	s1 =	sshrl.u32 s15, $0x2;
	s15 =	sadd.s32 $0x9C400, s2  }
0x14: {  	s19 =	sadd.s32 $0xD200, s6;
	s6 =	sadd.s32 $0x3400, s6;
	[smem:$0x7FA] =	sst s8  }
0x15: {  	s8 =	simm.s32 @!p0 $0x0;
	s1 =	sadd.s32 s1, s2;
	[dreg:$0x5] =	wrdreg s19  }
0x16: {  	[dreg:$0x6] =	wrdreg s6;
	s26 =	sshrl.u32 s15, $0x3;
	s19 =	simm.s32 $0x0  }
0x17: {  	s8 =	simm.s32 @p0 $0x1;
	p0 =	seq.s32 s0, $0x1;
	s0 =	smul.u32 $0x9C400, s0  }
0x18: {  	[dreg:$0xe] =	wrdreg s26;
	s26 =	simm.s32 $0x6220;
	s12 =	simm.s32 @!p0 $0x0  }
0x19: {  	[smem:$0x7FB] =	sst s8;
	s12 =	simm.s32 @p0 $0x1;
	p0 =	por !p1, !p0  }
0x1a: {  	s18 =	sadd.s32 s10, s0;
	s0 =	sshrl.u32 s0, $0x3;
	[smem:$0x7FC] =	sst s12  }
0x1b: {  	p6 =	por !p0, !p0;
	s20 =	sshrl.u32 s18, $0x3;
	s0 =	sadd.s32 s7, s0  }
0x1c: {  	s12 =	smov.u32 s17;
	s21 =	sadd.s32 s7, s20;
	s13 =	sadd.s32 $0x12C00, s0  }
0x1d: {  	s6 =	sshll.u32 @p6 s16, $0x6;
	s1 =	sshrl.u32 @p6 s1, $0x3;
	[dreg:$0x7] =	wrdreg s21  }
0x1e: {  	s0 =	sor.u32 $0x1C0B, s22;
	s22 =	simm.s32 $0x2710;
	[dreg:$0xb] =	wrdreg s1  }
0x1f: {  	s6 =	sor.u32 @p6 $0x1C09, s6;
	[dreg:$0xd] =	wrdreg s0;
	s0 =	simm.s32 @!p6 $0x0  }
0x20: {  	s7 =	simm.s32 $0x1;
	[dreg:$0xa] =	wrdreg s6;
	s0 =	simm.s32 @p6 $0x1  }
0x21: {  	s16 =	simm.s32 $0x4;
	s1 =	simm.s32 $0xA;
	[smem:$0x7FD] =	sst s0  }
.LBB2_1:
0x22: {  	s0 =	sld [smem:$0x7FA];
	_ =	sdelay $0x2  }
0x23: {  	p0 =	seq.s32 s0, $0x1  }
.Ltmp0:
0x24: {  	_ = 	snop;
	(pc) =	sbr.rel @!p0 .LBB2_5-.Ltmp0, $1  }
0x25: {  	_ =	sdelay $0x3  }
.Ltmp1:
0x26: {  	(pc) =	sbr.rel .LBB2_3-.Ltmp1, $4  }
0x27: {  	s0 =	rddreg [dreg:$0x4]  }
0x28: {  	s6 =	rddreg [dreg:$0x8]  }
0x29: {  	s8 =	rddreg [dreg:$0x9];
	p0 =	por $0x0, $0x0  }
0x2a: {  	[spmem:s8], [sflag:s6] =	dma.local [hbm:s0], $0x1400  }
.LBB2_5:
0x2b: {  	s0 =	sld [smem:$0x7FB];
	_ =	sdelay $0x2  }
0x2c: {  	p1 =	seq.s32 s0, $0x1  }
.Ltmp2:
0x2d: {  	_ = 	snop;
	(pc) =	sbr.rel @!p1 .LBB2_3-.Ltmp2, $2  }
0x2e: {  	_ =	sdelay $0x2  }
0x2f: {  	p0 =	por p4, p4  }
.Ltmp3:
0x30: {  	(pc) =	sbr.rel .LBB2_8-.Ltmp3, $4  }
0x31: {  	s0 =	rddreg [dreg:$0x3]  }
0x32: {  	s6 =	rddreg [dreg:$0xc];
	s8 =	simm.s32 $0x1FC9  }
0x33: {  	p2 =	por $0x1, $0x1;
	p6 =	por $0x0, $0x0;
	p1 =	por $0x0, $0x0  }
0x34: {  	[spmem:s6], [sflag:s8] =	dma.local [hbm:s0], $0xC80  }
.LBB2_3:
0x35: {  	s0 =	rddreg [dreg:$0xa]  }
0x36: {  	s6 =	rddreg [dreg:$0xb]  }
0x37: {  	[spmem:s6], [sflag:s0] =	dma.local @p6 [hbm:s5], $0x1400  }
0x38: {  	s0 =	sld [smem:$0x7FC];
	_ =	sdelay $0x2  }
0x39: {  	p1 =	por @p6 $0x1, $0x1;
	p2 =	seq.s32 s0, $0x1  }
0x3a: {  	p1 =	por @!p6 p2, p2  }
0x3b: {  	p1 =	por !p1, !p0  }
0x3c: {  	p1 =	por !p1, !p1  }
.Ltmp4:
0x3d: {  	_ = 	snop;
	(pc) =	sbr.rel @!p1 .LBB2_7-.Ltmp4, $1  }
0x3e: {  	_ =	sdelay $0x3  }
.Ltmp5:
0x3f: {  	(pc) =	sbr.rel @p0 .LBB2_8-.Ltmp5, $4  }
.Ltmp6:
0x40: {  	s0 =	rddreg [dreg:$0x8];
	(pc) =	sbr.rel @!p0 .LBB2_9-.Ltmp6, $4  }
0x41: {  	s6 =	rddreg [dreg:$0xc];
	p1 =	por $0x1, $0x1  }
0x42: {  	p2 =	por $0x0, $0x0;
	p5 =	por $0x0, $0x0;
	p3 =	por $0x0, $0x0  }
0x43: {  	[spmem:s6], [sflag:s0] =	dma.local [hbm:s5], $0xC80  }
0x44: {  	_ = 	snop  }
.LBB2_7:
.Ltmp7:
0x45: {  	(pc) =	sbr.rel @!p0 .LBB2_9-.Ltmp7, $3  }
0x46: {  	_ =	sdelay $0x1  }
0x47: {  	p2 =	por $0x0, $0x0  }
0x48: {  	p1 =	por $0x0, $0x0;
	p5 =	por $0x0, $0x0;
	p3 =	por $0x0, $0x0  }
.LBB2_8:
0x49: {  	s0 =	rddreg [dreg:$0xd]  }
0x4a: {  	s6 =	rddreg [dreg:$0xe];
	p5 =	por $0x1, $0x1;
	p3 =	por p1, p1  }
0x4b: {  	[spmem:s6], [sflag:s0] =	dma.local [hbm:s5], $0x80  }
.LBB2_9:
0x4c: {  	s0 =	rddreg [dreg:$0x5]  }
0x4d: {  	[tilespmem:s22], [sflag:$0xA] =	stream.linear.gather [hbm4b:s0+s3], $0x2710, $0x38;
	[tilespmem:$0x18AA0] =	vst v63  }
0x4e: {  	s6 =	rddreg [dreg:$0x6]  }
0x4f: {  	[tilespmem:s3], [sflag:$0xC] =	stream.linear.gather [hbm4b:s6+s3], $0x2710, $0x38;
	[tilespmem:$0x18AA0] =	vst v63  }
0x50: {  	_ =	swait.ge [sflag:s23], $0x2710  }
0x51: {  	[sflag:s23] =	ssyncset.done $0x0  }
0x52: {  	s15 =	sld [smem:$0x7FA];
	[sflag:s23] =	ssyncadd.s32 $0xFFFFD8F0  }
0x53: {  	[tilespmem:s25], [sflag:$0x1] =	stream.indirect.gather [hbm4b:s4+s24], $0x40, s3, s24, $0xb8;
	[tilespmem:$0x18AA0] =	vst v63  }
0x54: {  	_ = 	snop  }
0x55: {  	[tilespmem:s26], [sflag:$0x2] =	stream.indirect.gather [hbm4b:s4+s24], $0x40, s24, s24, $0xb8;
	[tilespmem:$0x18AA0] =	vst v63  }
0x56: {  	s8 =	simm.s32 $0xA0;
	p0 =	seq.s32 s15, $0x1  }
0x57: {  	[tilespmem:s29], [sflag:$0x3] =	stream.indirect.gather [hbm4b:s4+s24], $0x40, s8, s24, $0xb8;
	[tilespmem:$0x18AA0] =	vst v63  }
0x58: {  	s10 =	simm.s32 $0xF0;
	s0 =	simm.s32 @p0 $0x9  }
0x59: {  	[tilespmem:s31], [sflag:$0x4] =	stream.indirect.gather [hbm4b:s4+s24], $0x40, s10, s24, $0xb8;
	[tilespmem:$0x18AA0] =	vst v63  }
0x5a: {  	_ =	swait.ge @p0 [sflag:s0], $0x1400  }
0x5b: {  	[sflag:s0] =	ssyncset.done @p0 $0x0  }
0x5c: {  	[sflag:s0] =	ssyncadd.s32 @p0 $0xFFFFEC00;
	s0 =	simm.s32 @p2 $0x9  }
0x5d: {  	_ =	swait.ge @p2 [sflag:s0], $0xC80  }
0x5e: {  	[sflag:s0] =	ssyncset.done @p2 $0x0  }
0x5f: {  	[sflag:s0] =	ssyncadd.s32 @p2 $0xFFFFF380;
	s0 =	simm.s32 @p6 $0x9  }
0x60: {  	_ =	swait.ge @p6 [sflag:s0], $0x1400  }
0x61: {  	[sflag:s0] =	ssyncset.done @p6 $0x0  }
0x62: {  	[sflag:s0] =	ssyncadd.s32 @p6 $0xFFFFEC00;
	s0 =	simm.s32 @p3 $0x9  }
0x63: {  	_ =	swait.ge @p3 [sflag:s0], $0xC80  }
0x64: {  	[sflag:s0] =	ssyncset.done @p3 $0x0  }
0x65: {  	[sflag:s0] =	ssyncadd.s32 @p3 $0xFFFFF380;
	s0 =	simm.s32 @p5 $0xB  }
0x66: {  	_ =	swait.ge @p5 [sflag:s0], $0x80  }
0x67: {  	[sflag:s0] =	ssyncset.done @p5 $0x0  }
0x68: {  	[sflag:s0] =	ssyncadd.s32 @p5 $0xFFFFFF80  }
0x69: {  	_ =	swait.ge [sflag:s1], $0x2710  }
0x6a: {  	[sflag:s1] =	ssyncset.done $0x0  }
0x6b: {  	[sflag:s1] =	ssyncadd.s32 $0xFFFFD8F0  }
0x6c: {  	[bflag:$0x0] =	sbarrier.arrive $0xFFFF  }
0x6d: {  	_ =	swait.ge [sflag:s7], $0x1400  }
0x6e: {  	[sflag:s7] =	ssyncset.done $0x0  }
0x6f: {  	[sflag:s7] =	ssyncadd.s32 $0xFFFFEC00  }
0x70: {  	[spmem:s2] =	stream.indirect.scatter.add.f32 [tilespmem:s25], [sflag:$0x1], $0x40, s22, s24, $0xb8;
	[tilespmem:$0x18AA0] =	vst v63  }
0x71: {  	s17 =	simm.s32 $0x140;
	s6 =	simm.s32 $0x9E20  }
0x72: {  	[tilespmem:s6], [sflag:$0x5] =	stream.indirect.gather [hbm4b:s4+s24], $0x40, s17, s24, $0xb8;
	[tilespmem:$0x18AA0] =	vst v63  }
0x73: {  	_ =	swait.ge [sflag:s28], $0x1400  }
0x74: {  	[sflag:s28] =	ssyncset.done $0x0  }
0x75: {  	s18 =	simm.s32 $0x2760;
	[sflag:s28] =	ssyncadd.s32 $0xFFFFEC00  }
0x76: {  	[spmem:s2] =	stream.indirect.scatter.add.f32 [tilespmem:s26], [sflag:$0x2], $0x40, s18, s24, $0xb8;
	[tilespmem:$0x18AA0] =	vst v63  }
0x77: {  	s20 =	simm.s32 $0x190;
	s21 =	simm.s32 $0xB220  }
0x78: {  	[tilespmem:s21], [sflag:$0x6] =	stream.indirect.gather [hbm4b:s4+s24], $0x40, s20, s24, $0xb8;
	[tilespmem:$0x18AA0] =	vst v63  }
0x79: {  	_ =	swait.ge [sflag:s30], $0x1400  }
0x7a: {  	[sflag:s30] =	ssyncset.done $0x0  }
0x7b: {  	s6 =	simm.s32 $0x27B0;
	[sflag:s30] =	ssyncadd.s32 $0xFFFFEC00  }
0x7c: {  	[spmem:s2] =	stream.indirect.scatter.add.f32 [tilespmem:s29], [sflag:$0x3], $0x40, s6, s24, $0xb8;
	[tilespmem:$0x18AA0] =	vst v63  }
0x7d: {  	s8 =	simm.s32 $0x1E0;
	s10 =	simm.s32 $0xC620  }
0x7e: {  	[tilespmem:s10], [sflag:$0x7] =	stream.indirect.gather [hbm4b:s4+s24], $0x40, s8, s24, $0xb8;
	[tilespmem:$0x18AA0] =	vst v63  }
0x7f: {  	_ =	swait.ge [sflag:s16], $0x1400  }
0x80: {  	s15 =	simm.s32 $0x2800;
	[sflag:s16] =	ssyncset.done $0x0  }
0x81: {  	p6 =	por $0x0, $0x0;
	s20 =	simm.s32 $0x4;
	[sflag:s16] =	ssyncadd.s32 $0xFFFFEC00  }
0x82: {  	[spmem:s2] =	stream.indirect.scatter.add.f32 [tilespmem:s31], [sflag:$0x4], $0x40, s15, s24, $0xb8;
	[tilespmem:$0x18AA0] =	vst v63  }
0x83: {  	s17 =	simm.s32 $0x230;
	s18 =	simm.s32 $0xDA20;
	s0 =	sand.u32 $0x7, s20  }
0x84: {  	[tilespmem:s18], [sflag:$0x8] =	stream.indirect.gather [hbm4b:s4+s24], $0x40, s17, s24, $0xb8;
	[tilespmem:$0x18AA0] =	vst v63  }
0x85: {  	s21 =	simm.s32 $0x8;
	s18 =	sadd.s32 $0x1, s0;
	s0 =	smul.u32 $0x5000, s0  }
0x86: {  	s20 =	simm.s32 $0x280;
	s6 =	sand.u32 $0x7, s21;
	_ =	swait.ge [sflag:s18], $0x1400  }
0x87: {  	s15 =	sadd.s32 $0x1, s6;
	[sflag:s18] =	ssyncset.done $0x0;
	s0 =	sshrl.u32 s0, $0x2  }
0x88: {  	s17 =	simm.s32 $0x2850;
	[sflag:s18] =	ssyncadd.s32 $0xFFFFEC00;
	s0 =	sadd.s32 $0x4E20, s0  }
0x89: {  	[spmem:s2] =	stream.indirect.scatter.add.f32 [tilespmem:s0], [sflag:s18], $0x40, s17, s24, $0xb8;
	[tilespmem:$0x18AA0] =	vst v63  }
0x8a: {  	s21 =	simm.s32 $0x9;
	s0 =	smul.u32 @!p6 $0x5000, s6;
	_ =	swait.ge [sflag:s15], $0x1400  }
0x8b: {  	s17 =	simm.s32 $0x28A0;
	s18 =	simm.s32 $0x2D0;
	[sflag:s15] =	ssyncset.done $0x0  }
0x8c: {  	s6 =	sshrl.u32 @!p6 s0, $0x2;
	s0 =	simm.s32 @!p6 $0x50;
	[sflag:s15] =	ssyncadd.s32 $0xFFFFEC00  }
.LBB2_10:
0x8d: {  	s8 =	sadd.s32 $0xFFFFFFFC, s21  }
0x8e: {  	s6 =	sadd.s32 @!p6 $0x4E20, s6;
	s10 =	smov.u32 s21;
	s21 =	sadd.s32 $0x1, s21  }
0x8f: {  	[tilespmem:s6], [sflag:s15] =	stream.indirect.gather @!p6 [hbm4b:s4+s0], $0x40, s20, s0, $0xb8;
	[tilespmem:$0x18AA0] =	vst v63  }
0x90: {  	s0 =	sand.u32 $0x7, s8;
	p2 =	sne.s32 s21, $0x81;
	s20 =	smov.u32 s18  }
0x91: {  	s6 =	sadd.s32 $0x1, s0;
	s0 =	smul.u32 $0x5000, s0  }
0x92: {  	p6 =	sgt.u32 s8, $0x78;
	s8 =	sand.u32 $0x7, s10;
	_ =	swait.ge [sflag:s6], $0x1400  }
0x93: {  	s15 =	sadd.s32 $0x1, s8;
	s0 =	sshrl.u32 s0, $0x2;
	[sflag:s6] =	ssyncset.done $0x0  }
.Ltmp8:
0x94: {  	s0 =	sadd.s32 $0x4E20, s0;
	[sflag:s6] =	ssyncadd.s32 $0xFFFFEC00;
	(pc) =	sbr.rel @p2 .LBB2_10-.Ltmp8, $4  }
0x95: {  	[spmem:s2] =	stream.indirect.scatter.add.f32 [tilespmem:s0], [sflag:s6], $0x40, s17, s24, $0xb8;
	[tilespmem:$0x18AA0] =	vst v63  }
0x96: {  	s0 =	smul.u32 @!p6 $0x5000, s8;
	_ =	swait.ge [sflag:s15], $0x1400  }
0x97: {  	s18 =	sadd.s32 $0x50, s18;
	s17 =	sadd.s32 $0x50, s17;
	[sflag:s15] =	ssyncset.done $0x0  }
0x98: {  	s6 =	sshrl.u32 @!p6 s0, $0x2;
	s0 =	simm.s32 @!p6 $0x50;
	[sflag:s15] =	ssyncadd.s32 $0xFFFFEC00  }
0x99: {  	s6 =	sadd.s32 @!p6 $0x4E20, s6  }
0x9a: {  	[tilespmem:s6], [sflag:s15] =	stream.indirect.gather @!p6 [hbm4b:s4+s0], $0x40, s20, s0, $0xb8;
	[tilespmem:$0x18AA0] =	vst v63  }
0x9b: {  	_ =	swait.ge [sflag:s28], $0x1400  }
0x9c: {  	[sflag:s28] =	ssyncset.done $0x0  }
0x9d: {  	[sflag:s28] =	ssyncadd.s32 $0xFFFFEC00  }
0x9e: {  	_ =	swait.ge [sflag:s30], $0x1400  }
0x9f: {  	[sflag:s30] =	ssyncset.done $0x0  }
0xa0: {  	[sflag:s30] =	ssyncadd.s32 $0xFFFFEC00  }
0xa1: {  	_ =	swait.ge [sflag:s16], $0x1400  }
0xa2: {  	[sflag:s16] =	ssyncset.done $0x0  }
0xa3: {  	[sflag:s16] =	ssyncadd.s32 $0xFFFFEC00  }
0xa4: {  	_ =	swait.ge [sflag:s9], $0x1400  }
0xa5: {  	[sflag:s9] =	ssyncset.done $0x0  }
0xa6: {  	s10 =	stileid.u32;
	[sflag:s9] =	ssyncadd.s32 $0xFFFFEC00  }
0xa7: {  	s0 =	sshll.u32 @!p4 s10, $0x6;
	[bflag:$0x0] =	sbarrier.arrive $0xFFFF  }
0xa8: {  	s6 =	sshrl.u32 @!p4 s12, $0x3;
	s0 =	sor.u32 @!p4 $0x1C0C, s0;
	s8 =	rddreg [dreg:$0x7]  }
0xa9: {  	[hbm:s8], [sflag:s0] =	dma.local @!p4 [spmem:s6], $0x1400  }
0xaa: {  	s0 =	simm.s32 @!p4 $0xC  }
0xab: {  	_ =	swait.ge @!p4 [sflag:s0], $0x1400  }
0xac: {  	s19 =	sadd.s32 $0x1, s19;
	s6 =	sshll.u32 @p5 s10, $0x6;
	[sflag:s0] =	ssyncset.done @!p4 $0x0  }
0xad: {  	[sflag:s0] =	ssyncadd.s32 @!p4 $0xFFFFEC00;
	s0 =	sor.u32 @p5 $0x1C0C, s6;
	s6 =	sshrl.u32 @p5 s11, $0x3  }
0xae: {  	[hbm:s13], [sflag:s0] =	dma.local @p5 [spmem:s6], $0xC80  }
0xaf: {  	p0 =	sne.s32 s19, s14;
	s0 =	simm.s32 @p5 $0xC  }
.Ltmp9:
0xb0: {  	_ =	swait.ge @p5 [sflag:s0], $0xC80;
	(pc) =	sbr.rel @p0 .LBB2_1-.Ltmp9, $3  }
0xb1: {  	s21 =	sld [smem:$0x7FD];
	_ =	sdelay $0x1  }
0xb2: {  	[sflag:s0] =	ssyncset.done @p5 $0x0  }
0xb3: {  	s8 =	stileid.u32;
	[sflag:s0] =	ssyncadd.s32 @p5 $0xFFFFF380;
	p6 =	seq.s32 s21, $0x1  }
0xb4: {  	_ =	sfence.sel $0x180000  }
0xb5: {  	[bflag:$0x0] =	sbarrier.arrive $0xFFFF  }
0xb6: {  	_ =	strace $0x9000004D  }
0xb7: {  	[bflag:$0x2] =	sbarrier.arrive $0xFFFF  }
0xb8: {  	p0 =	sne.s32 s8, $0x0;
	s0 =	rddreg [dreg:$0x2]  }
0xb9: {  	s0 =	sadd.s32 @!p0 $0x100000, s0  }
0xba: {  	[sflag:s0] =	ssyncadd.tile.s32 @!p0 $0x1;
	_ =	shalt  }
.Lfunc_end2:
_tile_overlayer_lowered:
.L_overlay_start_2:
0xbb: {  	(tag) =	ssettag $0x2  }
0xbc: {  	s0 =	rddreg [dreg:$0x0];
	s2 =	stileid.u32  }
0xbd: {  	s1 =	rddreg [dreg:$0x1];
	p0 =	sne.s32 s2, $0x0  }
0xbe: {  	s3 =	rddreg [dreg:$0x2];
	[bflag:$0x3] =	sbarrier.arrive $0xFFFF;
	s2 =	simm.s32 @!p0 $0x1C0C  }
0xbf: {  	[timem:s3], [sflag:s2] =	dma.local @!p0 [hbm:s0], s1  }
0xc0: {  	s0 =	simm.s32 @!p0 $0xC  }
0xc1: {  	_ =	swait.ge @!p0 [sflag:s0], s1  }
0xc2: {  	s1 =	ssub.s32 @!p0 $0x0, s1;
	[sflag:s0] =	ssyncset.done @!p0 $0x0  }
0xc3: {  	[sflag:s0] =	ssyncadd.s32 @!p0 s1  }
0xc4: {  	[bflag:$0x3] =	sbarrier.arrive $0xFFFF  }
0xc5: {  	_ =	shalt  }

// kernel: kernel.20.cloned.1.call-start
scs
__scs_entry_jumppad:
0x0: {  	(pc) =	sbr.rel $0x88, $3  }
0x1: {  	(tag) =	ssettag $0x0;
	lr =	simm.s32 $0x1  }
0x2: {  	[smem:$0x3F8E] =	sst lr;
	_ =	strace $0xD0000000  }
0x3: {  	_ = 	snop  }
0x4: {  	_ = 	snop  }
0x5: {  	_ = 	snop  }
0x6: {  	_ = 	snop  }
0x7: {  	_ = 	snop  }
__scs_overlays_trampoline_lowered:
0x8: {  	[smem:$0x3F9D] =	sst s0  }
0x9: {  	[smem:$0x3F9E] =	sst s1  }
0xa: {  	[smem:$0x3F9F] =	sst s2  }
0xb: {  	[smem:$0x3FA0] =	sst s3  }
0xc: {  	[smem:$0x3FA1] =	sst s4  }
0xd: {  	[smem:$0x3FA2] =	sst s5  }
0xe: {  	[smem:$0x3FA3] =	sst s6  }
0xf: {  	[smem:$0x3FA4] =	sst s7  }
0x10: {  	[smem:$0x3FA5] =	sst s8  }
0x11: {  	[smem:$0x3FA6] =	sst s9;
	s0 =	simm.s32 @!p0 $0x0  }
0x12: {  	s1 =	sld [smem:$0x3F8C];
	s0 =	simm.s32 @p0 $0x1  }
0x13: {  	[smem:$0x3FA7] =	sst s0;
	s0 =	simm.s32 @!p1 $0x0  }
0x14: {  	s2 =	sld [smem:$0x3F8B];
	s0 =	simm.s32 @p1 $0x1  }
0x15: {  	[smem:$0x3FA8] =	sst s0;
	s0 =	simm.s32 @!p2 $0x0  }
0x16: {  	s3 =	sld [smem:$0x3FDB];
	s0 =	simm.s32 @p2 $0x1  }
0x17: {  	s4 =	simm.s32 $0x1BF5;
	[smem:$0x3FAA] =	sst s0  }
0x18: {  	s0 =	sld [smem:$0x3F8D];
	_ =	swait.ge [sflag:s4], $0x0  }
0x19: {  	s7 =	sld [smem:$0x3F8E]  }
0x1a: {  	s8 =	sadd.s32 $0xFFFFE003, lr  }
0x1b: {  	s9 =	sadd.s32 $0xFFFFFEF7, lr;
	s5 =	simm.s32 $0xFFFFFFFF;
	p2 =	slt.u32 s8, $0xFFFFF086  }
0x1c: {  	p1 =	slt.u32 s9, $0xF7A;
	s5 =	simm.s32 @!p2 $0x0  }
0x1d: {  	s5 =	simm.s32 @p1 $0x1;
	p0 =	seq.s32 s7, s2  }
0x1e: {  	s7 =	smul.u32 @!p0 $0xF7A, s2;
	p2 =	seq.s32 @!p0 s5, $0x0  }
0x1f: {  	s9 =	smul.u32 $0xF7A, s1;
	s8 =	simm.s32 @!p0 $0x1BF5;
	p2 =	por !p2, p0  }
0x20: {  	[sflag:s8] =	ssyncset.s32 @!p0 $0xFFFFF086;
	s6 =	sadd.s32 @!p0 s3, s7;
	s7 =	simm.s32 @!p0 $0x108  }
0x21: {  	s3 =	sadd.s32 s3, s9;
	s6 =	sadd.s32 @!p0 $0x88, s6;
	s7 =	simm.s32 @p2 $0x1082  }
0x22: {  	[simem:s7], [sflag:s8] =	dma.local @!p0 [hbm:s6], $0xF7A  }
0x23: {  	s9 =	sor.u32 $0xD0000000, s2;
	s6 =	simm.s32 $0x108;
	_ =	swait.ge @!p0 [sflag:s8], $0x0  }
0x24: {  	s3 =	sadd.s32 $0x88, s3;
	s6 =	simm.s32 @!p1 $0x1082;
	[sflag:s4] =	ssyncset.s32 $0xFFFFF086  }
0x25: {  	[simem:s6], [sflag:s4] =	dma.local [hbm:s3], $0xF7A  }
0x26: {  	[smem:$0x3F8E] =	sst s1;
	(tag) =	ssettag s2;
	_ =	strace s9  }
0x27: {  	s1 =	sld [smem:$0x3F9E]  }
0x28: {  	s2 =	sld [smem:$0x3F9F]  }
0x29: {  	s4 =	sld [smem:$0x3FA1]  }
0x2a: {  	p0 =	seq.s32 s5, $0x0;
	s5 =	sld [smem:$0x3FA2]  }
0x2b: {  	s6 =	sld [smem:$0x3FA3]  }
0x2c: {  	s7 =	sld [smem:$0x3FA4]  }
0x2d: {  	s3 =	simm.s32 $0x108;
	s8 =	sld [smem:$0x3FA5]  }
0x2e: {  	s3 =	simm.s32 @!p0 $0x1082;
	s9 =	sld [smem:$0x3FA6]  }
0x2f: {  	lr =	sadd.s32 s0, s3;
	s0 =	sld [smem:$0x3F9D]  }
0x30: {  	s3 =	sld [smem:$0x3FA0]  }
0x31: {  	[smem:$0x3FA9] =	sst s10  }
0x32: {  	s10 =	sld [smem:$0x3FA7];
	_ =	sdelay $0x3  }
0x33: {  	p0 =	seq.s32 s10, $0x1;
	s10 =	sld [smem:$0x3FA9];
	_ =	sdelay $0x3  }
0x34: {  	[smem:$0x3FA9] =	sst s10  }
0x35: {  	s10 =	sld [smem:$0x3FA8];
	_ =	sdelay $0x3  }
0x36: {  	p1 =	seq.s32 s10, $0x1;
	s10 =	sld [smem:$0x3FA9];
	_ =	sdelay $0x3  }
0x37: {  	[smem:$0x3FA9] =	sst s10  }
0x38: {  	s10 =	sld [smem:$0x3FAA]  }
0x39: {  	_ = 	snop;
	(pc) =	sbr.ind lr, $3  }
0x3a: {  	_ = 	snop  }
0x3b: {  	_ = 	snop  }
0x3c: {  	p2 =	seq.s32 s10, $0x1;
	s10 =	sld [smem:$0x3FA9]  }
0x3d: {  	_ =	shalt  }
0x3e: {  	_ =	shalt  }
0x3f: {  	_ =	shalt  }
0x40: {  	_ =	shalt  }
0x41: {  	_ =	shalt  }
0x42: {  	_ =	shalt  }
0x43: {  	_ =	shalt  }
0x44: {  	_ =	shalt  }
0x45: {  	_ =	shalt  }
0x46: {  	_ =	shalt  }
0x47: {  	_ =	shalt  }
0x48: {  	_ =	shalt  }
0x49: {  	_ =	shalt  }
0x4a: {  	_ =	shalt  }
0x4b: {  	_ =	shalt  }
0x4c: {  	_ =	shalt  }
0x4d: {  	_ =	shalt  }
0x4e: {  	_ =	shalt  }
0x4f: {  	_ =	shalt  }
0x50: {  	_ =	shalt  }
0x51: {  	_ =	shalt  }
0x52: {  	_ =	shalt  }
0x53: {  	_ =	shalt  }
0x54: {  	_ =	shalt  }
0x55: {  	_ =	shalt  }
0x56: {  	_ =	shalt  }
0x57: {  	_ =	shalt  }
0x58: {  	_ =	shalt  }
0x59: {  	_ =	shalt  }
0x5a: {  	_ =	shalt  }
0x5b: {  	_ =	shalt  }
0x5c: {  	_ =	shalt  }
0x5d: {  	_ =	shalt  }
0x5e: {  	_ =	shalt  }
0x5f: {  	_ =	shalt  }
0x60: {  	_ =	shalt  }
0x61: {  	_ =	shalt  }
0x62: {  	_ =	shalt  }
0x63: {  	_ =	shalt  }
0x64: {  	_ =	shalt  }
0x65: {  	_ =	shalt  }
0x66: {  	_ =	shalt  }
0x67: {  	_ =	shalt  }
0x68: {  	_ =	shalt  }
0x69: {  	_ =	shalt  }
0x6a: {  	_ =	shalt  }
0x6b: {  	_ =	shalt  }
0x6c: {  	_ =	shalt  }
0x6d: {  	_ =	shalt  }
0x6e: {  	_ =	shalt  }
0x6f: {  	_ =	shalt  }
0x70: {  	_ =	shalt  }
0x71: {  	_ =	shalt  }
0x72: {  	_ =	shalt  }
0x73: {  	_ =	shalt  }
0x74: {  	_ =	shalt  }
0x75: {  	_ =	shalt  }
0x76: {  	_ =	shalt  }
0x77: {  	_ =	shalt  }
0x78: {  	_ =	shalt  }
0x79: {  	_ =	shalt  }
0x7a: {  	_ =	shalt  }
0x7b: {  	_ =	shalt  }
0x7c: {  	_ =	shalt  }
0x7d: {  	_ =	shalt  }
0x7e: {  	_ =	shalt  }
0x7f: {  	_ =	shalt  }
0x80: {  	_ =	shalt  }
0x81: {  	_ =	shalt  }
0x82: {  	_ =	shalt  }
0x83: {  	_ =	shalt  }
0x84: {  	_ =	shalt  }
0x85: {  	_ =	shalt  }
0x86: {  	_ =	shalt  }
0x87: {  	_ =	shalt  }
.Lfunc_end0:
.L_simem_size_0:
called_computation.3_lowered:
.L_overlay_start_0:
0x88: {  	s2 =	sld [smem:$0x3FD9]  }
0x89: {  	s3 =	sld [smem:$0x3FFE];
	_ =	sdelay $0x1  }
0x8a: {  	s1 =	srdreg.scid  }
0x8b: {  	s0 =	sand.u32 $0x1, s1  }
0x8c: {  	s16 =	sshll.u32 s0, $0xA;
	s2 =	sadd.s32 s3, s2  }
0x8d: {  	s2 =	sadd.s32 s2, s16  }
0x8e: {  	[smem:$0x3FB5] =	sst s2  }
0x8f: {  	_ = 	snop  }
0x90: {  	(tm) =	ssettm $0x1  }
0x91: {  	s17 =	sld [smem:$0x3FFB];
	_ =	sdelay $0x3  }
0x92: {  	_ =	strace s17  }
0x93: {  	s2 =	sld [smem:$0x3FFC];
	_ =	sdelay $0x3  }
0x94: {  	_ =	strace s2  }
0x95: {  	s2 =	sld [smem:$0x3FFD];
	_ =	sdelay $0x3  }
0x96: {  	_ =	strace s2  }
0x97: {  	_ =	strace $0x8FFFFFFF  }
0x98: {  	s18 =	sld [smem:$0x3FDB];
	_ =	sdelay $0x1  }
0x99: {  	s19 =	simm.s32 $_scs_section_size  }
0x9a: {  	s4 =	simm.s32 $_size__tile_overlayer_lowered;
	s5 =	simm.s32 $_tile_overlayer_lowered  }
0x9b: {  	s22 =	simm.s32 $0x1BFF;
	s21 =	sshll.u32 s5, $0x1;
	s2 =	sadd.s32 s19, s18  }
0x9c: {  	s6 =	simm.s32 $0x0;
	s20 =	sshll.u32 s4, $0x1;
	s4 =	sadd.s32 s21, s2  }
0x9d: {  	[timem:s6], [sflag:s22] =	dma.local [hbm:s4], s20  }
0x9e: {  	_ =	swait.ge [sflag:s22], s20  }
0x9f: {  	s3 =	ssub.s32 $0x0, s20;
	[sflag:s22] =	ssyncset.done $0x0  }
0xa0: {  	[sflag:s22] =	ssyncadd.s32 s3;
	_ =	sdelay $0x1  }
0xa1: {  	s23 =	simm.s32 $0x1B8B  }
0xa2: {  	_ =	swait.ge [sflag:s23], $0x1  }
0xa3: {  	[sflag:s23] =	ssyncset.done $0x0  }
0xa4: {  	s25 =	simm.s32 $0x1B8E;
	s24 =	sld [smem:$0x3FFE];
	[sflag:s23] =	ssyncadd.s32 $0xFFFFFFFF  }
0xa5: {  	s26 =	simm.s32 $execute0_lowered;
	[smem:$0x3FD2] =	sst s25  }
0xa6: {  	s4 =	sshll.u32 s26, $0x1;
	_ =	strace $0x8000004F;
	[dreg:$0x1] =	wrdreg $0xFFFFFFFF  }
0xa7: {  	s28 =	simm.s32 $_size_execute0_lowered;
	s2 =	sadd.s32 s2, s4;
	[dreg:$0x0] =	wrdreg $0x0  }
0xa8: {  	s4 =	sshll.u32 s28, $0x1;
	[dreg:$0x2] =	wrdreg s2  }
0xa9: {  	[dreg:$0x3] =	wrdreg s4  }
0xaa: {  	[dreg:$0x4] =	wrdreg $0xC0  }
0xab: {  	_ =	task [dreg:s6], $0x5FFFF  }
0xac: {  	[dreg:$0x1] =	wrdreg $0xFFFFFFFF  }
0xad: {  	[dreg:$0x0] =	wrdreg $0x60  }
0xae: {  	[dreg:$0x2] =	wrdreg s24  }
0xaf: {  	[dreg:$0x3] =	wrdreg $0xEE200  }
0xb0: {  	[dreg:$0x4] =	wrdreg $0x9  }
0xb1: {  	_ =	task.clear_ibuf [dreg:s6], $0x5FFFF;
	_ =	strace $0x9000004F  }
0xb2: {  	s29 =	simm.s32 $0x9;
	_ =	strace $0x80000051  }
0xb3: {  	_ =	swait.ge [sflag:s29], $0x1  }
0xb4: {  	[sflag:s29] =	ssyncadd.s32 $0xFFFFFFFF  }
0xb5: {  	_ =	strace $0x90000051  }
0xb6: {  	_ =	sfence  }
0xb7: {  	s30 =	sld [smem:$0x0];
	_ =	sdelay $0x2  }
0xb8: {  	s31 =	sshll.u32 s1, $0xD;
	s1 =	sshrl.u32 s1, $0x2  }
0xb9: {  	s3 =	sand.u32 $0x4000, s31;
	s1 =	sadd.s32 s1, s30  }
0xba: {  	s0 =	sor.u32 s3, s0;
	s1 =	sshll.u32 s1, $0x11  }
0xbb: {  	s0 =	sor.u32 s1, s0  }
0xbc: {  	s0 =	sadd.s32 $0x8F2B, s0  }
0xbd: {  	[sflag:s0] =	ssyncadd.remote.s32 $0x1  }
0xbe: {  	_ =	sfence.sel $0xFFFF  }
0xbf: {  	[dreg:$0x0] =	wrdreg $0xFFFFFFFF;
	(pc) =	sbr.abs _section_cstart, $3  }
0xc0: {  	[dreg:$0x1] =	wrdreg $0xFFFFFFFF  }
0xc1: {  	_ =	task.clear_ibuf [dreg:s6], $0x2FFFF;
	_ =	strace $0x9FFFFFFF  }
0xc2: {  	(tm) =	ssettm $0x7FFFFFFF  }
0xc3: {  	_ =	shalt  }
tec
execute0_lowered:
.L_overlay_start_1:
0x0: {  	(tag) =	ssettag $0x1  }
0x1: {  	s0 =	srdreg.scid;
	s1 =	rddreg [dreg:$0x0]  }
0x2: {  	s16 =	stileid.u32;
	s2 =	rddreg [dreg:$0x1]  }
0x3: {  	s29 =	simm.s32 $0x7620;
	s31 =	simm.s32 $0x8A20;
	s28 =	simm.s32 $0x2  }
0x4: {  	s30 =	simm.s32 $0x3;
	s0 =	sand.u32 $0x1, s0;
	s3 =	sshll.u32 s16, $0x1  }
0x5: {  	s7 =	sadd.s32 $0x2BE00, s1;
	p1 =	sne.s32 s16, $0xF;
	s10 =	smul.u32 $0xA000, s16  }
0x6: {  	p4 =	seq.s32 s16, $0xF;
	s26 =	sadd.s32 $0x96000, s2;
	s15 =	smul.u32 $0x28000, s16  }
0x7: {  	s22 =	sshll.u32 s16, $0x6;
	s4 =	sor.u32 s0, s3;
	s3 =	simm.s32 $0x0  }
0x8: {  	s8 =	ssub.s32 $0x2, s0;
	p0 =	seq.s32 s0, $0x0;
	s23 =	sor.u32 $0x1C09, s22  }
0x9: {  	s25 =	sshrl.u32 s26, $0x3;
	s5 =	smul.u32 $0x4E2, s4;
	[smem:$0x7FF] =	sst s3  }
0xa: {  	s4 =	sadd.s32 $0x17000, s1;
	s9 =	sshrl.u32 s8, $0x1;
	p2 =	por !p0, !p1  }
0xb: {  	p0 =	por !p0, !p4;
	s17 =	sadd.s32 s10, s2;
	s11 =	sshrl.u32 s10, $0x3  }
0xc: {  	_ =	strace $0x80000050;
	s9 =	ssub.s32 s8, s9;
	p2 =	por !p2, !p2  }
0xd: {  	p0 =	por !p0, !p0;
	s11 =	sadd.s32 s4, s11;
	[dreg:$0x8] =	wrdreg s23  }
0xe: {  	s24 =	sshrl.u32 s17, $0x3;
	[dreg:$0xc] =	wrdreg s25;
	s23 =	simm.s32 $0xC  }
0xf: {  	s25 =	simm.s32 $0x4E20;
	s6 =	sadd.s32 s5, s1;
	s5 =	sadd.s32 $0x2AA00, s1  }
0x10: {  	s8 =	simm.s32 @!p2 $0x0;
	s1 =	sadd.s32 $0x29C00, s1;
	[dreg:$0x4] =	wrdreg s11  }
0x11: {  	s14 =	smax.u32 s9, $0x1;
	[dreg:$0x9] =	wrdreg s24;
	s11 =	smov.u32 s26  }
0x12: {  	s24 =	simm.s32 $0x50;
	s9 =	simm.s32 $0x5;
	s8 =	simm.s32 @p2 $0x1  }
0x13: {  	[dreg:$0x3] =	wrdreg s1;
	s1 =	sshrl.u32 s15, $0x2;
	s15 =	sadd.s32 $0x9C400, s2  }
0x14: {  	s19 =	sadd.s32 $0xD200, s6;
	s6 =	sadd.s32 $0x3400, s6;
	[smem:$0x7FA] =	sst s8  }
0x15: {  	s8 =	simm.s32 @!p0 $0x0;
	s1 =	sadd.s32 s1, s2;
	[dreg:$0x5] =	wrdreg s19  }
0x16: {  	[dreg:$0x6] =	wrdreg s6;
	s26 =	sshrl.u32 s15, $0x3;
	s19 =	simm.s32 $0x0  }
0x17: {  	s8 =	simm.s32 @p0 $0x1;
	p0 =	seq.s32 s0, $0x1;
	s0 =	smul.u32 $0x9C400, s0  }
0x18: {  	[dreg:$0xe] =	wrdreg s26;
	s26 =	simm.s32 $0x6220;
	s12 =	simm.s32 @!p0 $0x0  }
0x19: {  	[smem:$0x7FB] =	sst s8;
	s12 =	simm.s32 @p0 $0x1;
	p0 =	por !p1, !p0  }
0x1a: {  	s18 =	sadd.s32 s10, s0;
	s0 =	sshrl.u32 s0, $0x3;
	[smem:$0x7FC] =	sst s12  }
0x1b: {  	p6 =	por !p0, !p0;
	s20 =	sshrl.u32 s18, $0x3;
	s0 =	sadd.s32 s7, s0  }
0x1c: {  	s12 =	smov.u32 s17;
	s21 =	sadd.s32 s7, s20;
	s13 =	sadd.s32 $0x12C00, s0  }
0x1d: {  	s6 =	sshll.u32 @p6 s16, $0x6;
	s1 =	sshrl.u32 @p6 s1, $0x3;
	[dreg:$0x7] =	wrdreg s21  }
0x1e: {  	s0 =	sor.u32 $0x1C0B, s22;
	s22 =	simm.s32 $0x2710;
	[dreg:$0xb] =	wrdreg s1  }
0x1f: {  	s6 =	sor.u32 @p6 $0x1C09, s6;
	[dreg:$0xd] =	wrdreg s0;
	s0 =	simm.s32 @!p6 $0x0  }
0x20: {  	s7 =	simm.s32 $0x1;
	[dreg:$0xa] =	wrdreg s6;
	s0 =	simm.s32 @p6 $0x1  }
0x21: {  	s16 =	simm.s32 $0x4;
	s1 =	simm.s32 $0xA;
	[smem:$0x7FD] =	sst s0  }
.LBB2_1:
0x22: {  	s0 =	sld [smem:$0x7FA];
	_ =	sdelay $0x2  }
0x23: {  	p0 =	seq.s32 s0, $0x1  }
.Ltmp0:
0x24: {  	_ = 	snop;
	(pc) =	sbr.rel @!p0 .LBB2_5-.Ltmp0, $1  }
0x25: {  	_ =	sdelay $0x3  }
.Ltmp1:
0x26: {  	(pc) =	sbr.rel .LBB2_3-.Ltmp1, $4  }
0x27: {  	s0 =	rddreg [dreg:$0x4]  }
0x28: {  	s6 =	rddreg [dreg:$0x8]  }
0x29: {  	s8 =	rddreg [dreg:$0x9];
	p0 =	por $0x0, $0x0  }
0x2a: {  	[spmem:s8], [sflag:s6] =	dma.local [hbm:s0], $0x1400  }
.LBB2_5:
0x2b: {  	s0 =	sld [smem:$0x7FB];
	_ =	sdelay $0x2  }
0x2c: {  	p1 =	seq.s32 s0, $0x1  }
.Ltmp2:
0x2d: {  	_ = 	snop;
	(pc) =	sbr.rel @!p1 .LBB2_3-.Ltmp2, $2  }
0x2e: {  	_ =	sdelay $0x2  }
0x2f: {  	p0 =	por p4, p4  }
.Ltmp3:
0x30: {  	(pc) =	sbr.rel .LBB2_8-.Ltmp3, $4  }
0x31: {  	s0 =	rddreg [dreg:$0x3]  }
0x32: {  	s6 =	rddreg [dreg:$0xc];
	s8 =	simm.s32 $0x1FC9  }
0x33: {  	p2 =	por $0x1, $0x1;
	p6 =	por $0x0, $0x0;
	p1 =	por $0x0, $0x0  }
0x34: {  	[spmem:s6], [sflag:s8] =	dma.local [hbm:s0], $0xC80  }
.LBB2_3:
0x35: {  	s0 =	rddreg [dreg:$0xa]  }
0x36: {  	s6 =	rddreg [dreg:$0xb]  }
0x37: {  	[spmem:s6], [sflag:s0] =	dma.local @p6 [hbm:s5], $0x1400  }
0x38: {  	s0 =	sld [smem:$0x7FC];
	_ =	sdelay $0x2  }
0x39: {  	p1 =	por @p6 $0x1, $0x1;
	p2 =	seq.s32 s0, $0x1  }
0x3a: {  	p1 =	por @!p6 p2, p2  }
0x3b: {  	p1 =	por !p1, !p0  }
0x3c: {  	p1 =	por !p1, !p1  }
.Ltmp4:
0x3d: {  	_ = 	snop;
	(pc) =	sbr.rel @!p1 .LBB2_7-.Ltmp4, $1  }
0x3e: {  	_ =	sdelay $0x3  }
.Ltmp5:
0x3f: {  	(pc) =	sbr.rel @p0 .LBB2_8-.Ltmp5, $4  }
.Ltmp6:
0x40: {  	s0 =	rddreg [dreg:$0x8];
	(pc) =	sbr.rel @!p0 .LBB2_9-.Ltmp6, $4  }
0x41: {  	s6 =	rddreg [dreg:$0xc];
	p1 =	por $0x1, $0x1  }
0x42: {  	p2 =	por $0x0, $0x0;
	p5 =	por $0x0, $0x0;
	p3 =	por $0x0, $0x0  }
0x43: {  	[spmem:s6], [sflag:s0] =	dma.local [hbm:s5], $0xC80  }
0x44: {  	_ = 	snop  }
.LBB2_7:
.Ltmp7:
0x45: {  	(pc) =	sbr.rel @!p0 .LBB2_9-.Ltmp7, $3  }
0x46: {  	_ =	sdelay $0x1  }
0x47: {  	p2 =	por $0x0, $0x0  }
0x48: {  	p1 =	por $0x0, $0x0;
	p5 =	por $0x0, $0x0;
	p3 =	por $0x0, $0x0  }
.LBB2_8:
0x49: {  	s0 =	rddreg [dreg:$0xd]  }
0x4a: {  	s6 =	rddreg [dreg:$0xe];
	p5 =	por $0x1, $0x1;
	p3 =	por p1, p1  }
0x4b: {  	[spmem:s6], [sflag:s0] =	dma.local [hbm:s5], $0x80  }
.LBB2_9:
0x4c: {  	s0 =	rddreg [dreg:$0x5]  }
0x4d: {  	[tilespmem:s22], [sflag:$0xA] =	stream.linear.gather [hbm4b:s0+s3], $0x2710, $0x38;
	[tilespmem:$0x18AA0] =	vst v63  }
0x4e: {  	s6 =	rddreg [dreg:$0x6]  }
0x4f: {  	[tilespmem:s3], [sflag:$0xC] =	stream.linear.gather [hbm4b:s6+s3], $0x2710, $0x38;
	[tilespmem:$0x18AA0] =	vst v63  }
0x50: {  	_ =	swait.ge [sflag:s23], $0x2710  }
0x51: {  	[sflag:s23] =	ssyncset.done $0x0  }
0x52: {  	s15 =	sld [smem:$0x7FA];
	[sflag:s23] =	ssyncadd.s32 $0xFFFFD8F0  }
0x53: {  	[tilespmem:s25], [sflag:$0x1] =	stream.indirect.gather [hbm4b:s4+s24], $0x40, s3, s24, $0xb8;
	[tilespmem:$0x18AA0] =	vst v63  }
0x54: {  	_ = 	snop  }
0x55: {  	[tilespmem:s26], [sflag:$0x2] =	stream.indirect.gather [hbm4b:s4+s24], $0x40, s24, s24, $0xb8;
	[tilespmem:$0x18AA0] =	vst v63  }
0x56: {  	s8 =	simm.s32 $0xA0;
	p0 =	seq.s32 s15, $0x1  }
0x57: {  	[tilespmem:s29], [sflag:$0x3] =	stream.indirect.gather [hbm4b:s4+s24], $0x40, s8, s24, $0xb8;
	[tilespmem:$0x18AA0] =	vst v63  }
0x58: {  	s10 =	simm.s32 $0xF0;
	s0 =	simm.s32 @p0 $0x9  }
0x59: {  	[tilespmem:s31], [sflag:$0x4] =	stream.indirect.gather [hbm4b:s4+s24], $0x40, s10, s24, $0xb8;
	[tilespmem:$0x18AA0] =	vst v63  }
0x5a: {  	_ =	swait.ge @p0 [sflag:s0], $0x1400  }
0x5b: {  	[sflag:s0] =	ssyncset.done @p0 $0x0  }
0x5c: {  	[sflag:s0] =	ssyncadd.s32 @p0 $0xFFFFEC00;
	s0 =	simm.s32 @p2 $0x9  }
0x5d: {  	_ =	swait.ge @p2 [sflag:s0], $0xC80  }
0x5e: {  	[sflag:s0] =	ssyncset.done @p2 $0x0  }
0x5f: {  	[sflag:s0] =	ssyncadd.s32 @p2 $0xFFFFF380;
	s0 =	simm.s32 @p6 $0x9  }
0x60: {  	_ =	swait.ge @p6 [sflag:s0], $0x1400  }
0x61: {  	[sflag:s0] =	ssyncset.done @p6 $0x0  }
0x62: {  	[sflag:s0] =	ssyncadd.s32 @p6 $0xFFFFEC00;
	s0 =	simm.s32 @p3 $0x9  }
0x63: {  	_ =	swait.ge @p3 [sflag:s0], $0xC80  }
0x64: {  	[sflag:s0] =	ssyncset.done @p3 $0x0  }
0x65: {  	[sflag:s0] =	ssyncadd.s32 @p3 $0xFFFFF380;
	s0 =	simm.s32 @p5 $0xB  }
0x66: {  	_ =	swait.ge @p5 [sflag:s0], $0x80  }
0x67: {  	[sflag:s0] =	ssyncset.done @p5 $0x0  }
0x68: {  	[sflag:s0] =	ssyncadd.s32 @p5 $0xFFFFFF80  }
0x69: {  	_ =	swait.ge [sflag:s1], $0x2710  }
0x6a: {  	[sflag:s1] =	ssyncset.done $0x0  }
0x6b: {  	[sflag:s1] =	ssyncadd.s32 $0xFFFFD8F0  }
0x6c: {  	[bflag:$0x0] =	sbarrier.arrive $0xFFFF  }
0x6d: {  	_ =	swait.ge [sflag:s7], $0x1400  }
0x6e: {  	[sflag:s7] =	ssyncset.done $0x0  }
0x6f: {  	[sflag:s7] =	ssyncadd.s32 $0xFFFFEC00  }
0x70: {  	[spmem:s2] =	stream.indirect.scatter.add.f32 [tilespmem:s25], [sflag:$0x1], $0x40, s22, s24, $0xb8;
	[tilespmem:$0x18AA0] =	vst v63  }
0x71: {  	s17 =	simm.s32 $0x140;
	s6 =	simm.s32 $0x9E20  }
0x72: {  	[tilespmem:s6], [sflag:$0x5] =	stream.indirect.gather [hbm4b:s4+s24], $0x40, s17, s24, $0xb8;
	[tilespmem:$0x18AA0] =	vst v63  }
0x73: {  	_ =	swait.ge [sflag:s28], $0x1400  }
0x74: {  	[sflag:s28] =	ssyncset.done $0x0  }
0x75: {  	s18 =	simm.s32 $0x2760;
	[sflag:s28] =	ssyncadd.s32 $0xFFFFEC00  }
0x76: {  	[spmem:s2] =	stream.indirect.scatter.add.f32 [tilespmem:s26], [sflag:$0x2], $0x40, s18, s24, $0xb8;
	[tilespmem:$0x18AA0] =	vst v63  }
0x77: {  	s20 =	simm.s32 $0x190;
	s21 =	simm.s32 $0xB220  }
0x78: {  	[tilespmem:s21], [sflag:$0x6] =	stream.indirect.gather [hbm4b:s4+s24], $0x40, s20, s24, $0xb8;
	[tilespmem:$0x18AA0] =	vst v63  }
0x79: {  	_ =	swait.ge [sflag:s30], $0x1400  }
0x7a: {  	[sflag:s30] =	ssyncset.done $0x0  }
0x7b: {  	s6 =	simm.s32 $0x27B0;
	[sflag:s30] =	ssyncadd.s32 $0xFFFFEC00  }
0x7c: {  	[spmem:s2] =	stream.indirect.scatter.add.f32 [tilespmem:s29], [sflag:$0x3], $0x40, s6, s24, $0xb8;
	[tilespmem:$0x18AA0] =	vst v63  }
0x7d: {  	s8 =	simm.s32 $0x1E0;
	s10 =	simm.s32 $0xC620  }
0x7e: {  	[tilespmem:s10], [sflag:$0x7] =	stream.indirect.gather [hbm4b:s4+s24], $0x40, s8, s24, $0xb8;
	[tilespmem:$0x18AA0] =	vst v63  }
0x7f: {  	_ =	swait.ge [sflag:s16], $0x1400  }
0x80: {  	s15 =	simm.s32 $0x2800;
	[sflag:s16] =	ssyncset.done $0x0  }
0x81: {  	p6 =	por $0x0, $0x0;
	s20 =	simm.s32 $0x4;
	[sflag:s16] =	ssyncadd.s32 $0xFFFFEC00  }
0x82: {  	[spmem:s2] =	stream.indirect.scatter.add.f32 [tilespmem:s31], [sflag:$0x4], $0x40, s15, s24, $0xb8;
	[tilespmem:$0x18AA0] =	vst v63  }
0x83: {  	s17 =	simm.s32 $0x230;
	s18 =	simm.s32 $0xDA20;
	s0 =	sand.u32 $0x7, s20  }
0x84: {  	[tilespmem:s18], [sflag:$0x8] =	stream.indirect.gather [hbm4b:s4+s24], $0x40, s17, s24, $0xb8;
	[tilespmem:$0x18AA0] =	vst v63  }
0x85: {  	s21 =	simm.s32 $0x8;
	s18 =	sadd.s32 $0x1, s0;
	s0 =	smul.u32 $0x5000, s0  }
0x86: {  	s20 =	simm.s32 $0x280;
	s6 =	sand.u32 $0x7, s21;
	_ =	swait.ge [sflag:s18], $0x1400  }
0x87: {  	s15 =	sadd.s32 $0x1, s6;
	[sflag:s18] =	ssyncset.done $0x0;
	s0 =	sshrl.u32 s0, $0x2  }
0x88: {  	s17 =	simm.s32 $0x2850;
	[sflag:s18] =	ssyncadd.s32 $0xFFFFEC00;
	s0 =	sadd.s32 $0x4E20, s0  }
0x89: {  	[spmem:s2] =	stream.indirect.scatter.add.f32 [tilespmem:s0], [sflag:s18], $0x40, s17, s24, $0xb8;
	[tilespmem:$0x18AA0] =	vst v63  }
0x8a: {  	s21 =	simm.s32 $0x9;
	s0 =	smul.u32 @!p6 $0x5000, s6;
	_ =	swait.ge [sflag:s15], $0x1400  }
0x8b: {  	s17 =	simm.s32 $0x28A0;
	s18 =	simm.s32 $0x2D0;
	[sflag:s15] =	ssyncset.done $0x0  }
0x8c: {  	s6 =	sshrl.u32 @!p6 s0, $0x2;
	s0 =	simm.s32 @!p6 $0x50;
	[sflag:s15] =	ssyncadd.s32 $0xFFFFEC00  }
.LBB2_10:
0x8d: {  	s8 =	sadd.s32 $0xFFFFFFFC, s21  }
0x8e: {  	s6 =	sadd.s32 @!p6 $0x4E20, s6;
	s10 =	smov.u32 s21;
	s21 =	sadd.s32 $0x1, s21  }
0x8f: {  	[tilespmem:s6], [sflag:s15] =	stream.indirect.gather @!p6 [hbm4b:s4+s0], $0x40, s20, s0, $0xb8;
	[tilespmem:$0x18AA0] =	vst v63  }
0x90: {  	s0 =	sand.u32 $0x7, s8;
	p2 =	sne.s32 s21, $0x81;
	s20 =	smov.u32 s18  }
0x91: {  	s6 =	sadd.s32 $0x1, s0;
	s0 =	smul.u32 $0x5000, s0  }
0x92: {  	p6 =	sgt.u32 s8, $0x78;
	s8 =	sand.u32 $0x7, s10;
	_ =	swait.ge [sflag:s6], $0x1400  }
0x93: {  	s15 =	sadd.s32 $0x1, s8;
	s0 =	sshrl.u32 s0, $0x2;
	[sflag:s6] =	ssyncset.done $0x0  }
.Ltmp8:
0x94: {  	s0 =	sadd.s32 $0x4E20, s0;
	[sflag:s6] =	ssyncadd.s32 $0xFFFFEC00;
	(pc) =	sbr.rel @p2 .LBB2_10-.Ltmp8, $4  }
0x95: {  	[spmem:s2] =	stream.indirect.scatter.add.f32 [tilespmem:s0], [sflag:s6], $0x40, s17, s24, $0xb8;
	[tilespmem:$0x18AA0] =	vst v63  }
0x96: {  	s0 =	smul.u32 @!p6 $0x5000, s8;
	_ =	swait.ge [sflag:s15], $0x1400  }
0x97: {  	s18 =	sadd.s32 $0x50, s18;
	s17 =	sadd.s32 $0x50, s17;
	[sflag:s15] =	ssyncset.done $0x0  }
0x98: {  	s6 =	sshrl.u32 @!p6 s0, $0x2;
	s0 =	simm.s32 @!p6 $0x50;
	[sflag:s15] =	ssyncadd.s32 $0xFFFFEC00  }
0x99: {  	s6 =	sadd.s32 @!p6 $0x4E20, s6  }
0x9a: {  	[tilespmem:s6], [sflag:s15] =	stream.indirect.gather @!p6 [hbm4b:s4+s0], $0x40, s20, s0, $0xb8;
	[tilespmem:$0x18AA0] =	vst v63  }
0x9b: {  	_ =	swait.ge [sflag:s28], $0x1400  }
0x9c: {  	[sflag:s28] =	ssyncset.done $0x0  }
0x9d: {  	[sflag:s28] =	ssyncadd.s32 $0xFFFFEC00  }
0x9e: {  	_ =	swait.ge [sflag:s30], $0x1400  }
0x9f: {  	[sflag:s30] =	ssyncset.done $0x0  }
0xa0: {  	[sflag:s30] =	ssyncadd.s32 $0xFFFFEC00  }
0xa1: {  	_ =	swait.ge [sflag:s16], $0x1400  }
0xa2: {  	[sflag:s16] =	ssyncset.done $0x0  }
0xa3: {  	[sflag:s16] =	ssyncadd.s32 $0xFFFFEC00  }
0xa4: {  	_ =	swait.ge [sflag:s9], $0x1400  }
0xa5: {  	[sflag:s9] =	ssyncset.done $0x0  }
0xa6: {  	s10 =	stileid.u32;
	[sflag:s9] =	ssyncadd.s32 $0xFFFFEC00  }
0xa7: {  	s0 =	sshll.u32 @!p4 s10, $0x6;
	[bflag:$0x0] =	sbarrier.arrive $0xFFFF  }
0xa8: {  	s6 =	sshrl.u32 @!p4 s12, $0x3;
	s0 =	sor.u32 @!p4 $0x1C0C, s0;
	s8 =	rddreg [dreg:$0x7]  }
0xa9: {  	[hbm:s8], [sflag:s0] =	dma.local @!p4 [spmem:s6], $0x1400  }
0xaa: {  	s0 =	simm.s32 @!p4 $0xC  }
0xab: {  	_ =	swait.ge @!p4 [sflag:s0], $0x1400  }
0xac: {  	s19 =	sadd.s32 $0x1, s19;
	s6 =	sshll.u32 @p5 s10, $0x6;
	[sflag:s0] =	ssyncset.done @!p4 $0x0  }
0xad: {  	[sflag:s0] =	ssyncadd.s32 @!p4 $0xFFFFEC00;
	s0 =	sor.u32 @p5 $0x1C0C, s6;
	s6 =	sshrl.u32 @p5 s11, $0x3  }
0xae: {  	[hbm:s13], [sflag:s0] =	dma.local @p5 [spmem:s6], $0xC80  }
0xaf: {  	p0 =	sne.s32 s19, s14;
	s0 =	simm.s32 @p5 $0xC  }
.Ltmp9:
0xb0: {  	_ =	swait.ge @p5 [sflag:s0], $0xC80;
	(pc) =	sbr.rel @p0 .LBB2_1-.Ltmp9, $3  }
0xb1: {  	s21 =	sld [smem:$0x7FD];
	_ =	sdelay $0x1  }
0xb2: {  	[sflag:s0] =	ssyncset.done @p5 $0x0  }
0xb3: {  	s8 =	stileid.u32;
	[sflag:s0] =	ssyncadd.s32 @p5 $0xFFFFF380;
	p6 =	seq.s32 s21, $0x1  }
0xb4: {  	_ =	sfence.sel $0x180000  }
0xb5: {  	[bflag:$0x0] =	sbarrier.arrive $0xFFFF  }
0xb6: {  	_ =	strace $0x90000050  }
0xb7: {  	[bflag:$0x2] =	sbarrier.arrive $0xFFFF  }
0xb8: {  	p0 =	sne.s32 s8, $0x0;
	s0 =	rddreg [dreg:$0x2]  }
0xb9: {  	s0 =	sadd.s32 @!p0 $0x100000, s0  }
0xba: {  	[sflag:s0] =	ssyncadd.tile.s32 @!p0 $0x1;
	_ =	shalt  }
.Lfunc_end2:
_tile_overlayer_lowered:
.L_overlay_start_2:
0xbb: {  	(tag) =	ssettag $0x2  }
0xbc: {  	s0 =	rddreg [dreg:$0x0];
	s2 =	stileid.u32  }
0xbd: {  	s1 =	rddreg [dreg:$0x1];
	p0 =	sne.s32 s2, $0x0  }
0xbe: {  	s3 =	rddreg [dreg:$0x2];
	[bflag:$0x3] =	sbarrier.arrive $0xFFFF;
	s2 =	simm.s32 @!p0 $0x1C0C  }
0xbf: {  	[timem:s3], [sflag:s2] =	dma.local @!p0 [hbm:s0], s1  }
0xc0: {  	s0 =	simm.s32 @!p0 $0xC  }
0xc1: {  	_ =	swait.ge @!p0 [sflag:s0], s1  }
0xc2: {  	s1 =	ssub.s32 @!p0 $0x0, s1;
	[sflag:s0] =	ssyncset.done @!p0 $0x0  }
0xc3: {  	[sflag:s0] =	ssyncadd.s32 @!p0 s1  }
0xc4: {  	[bflag:$0x3] =	sbarrier.arrive $0xFFFF  }
0xc5: {  	_ =	shalt  }

</sc_bundles>
